<compile_context>
chip_gen: v7x
topology: tpu7x:2x2x1
jax: 0.10.2.dev20260603
libtpu: 0.0.44.dev20260713+nightly
codegen_flags: <defaults>
</compile_context>

<pallas_src>
import functools

import jax
import jax.numpy as jnp
from jax import lax
from jax.experimental import pallas as pl
from jax.experimental.pallas import tpu as pltpu
from jax.experimental.pallas import tpu_sc as plsc

_QUEUE_NUM = 1000
_MAX_NUM = 64
_DIM = 256
_BETA = 0.9
_X = 4096
_L = 16
_NW = 32
_QPW = -(-_QUEUE_NUM // _NW)
_QPAD = 1024
_NCH = _DIM // _L
_UNROLL = 4
_BLK = _MAX_NUM * _DIM


def _splat_i32(x):
    return jnp.full((_L,), x, dtype=jnp.int32)


def _sc_confounder_update(vec_flat, order, starts, counts, qlist, bank_flat):
    mesh = plsc.VectorSubcoreMesh(
        core_axis_name="c", subcore_axis_name="s", num_cores=2, num_subcores=16
    )

    @functools.partial(
        pl.kernel,
        out_type=jax.ShapeDtypeStruct((_QUEUE_NUM, _MAX_NUM, _DIM),
                                      jnp.float32),
        mesh=mesh,
        compiler_params=pltpu.CompilerParams(needs_layout_passes=False),
        scratch_types=[
            pltpu.VMEM((2, _MAX_NUM, _DIM), jnp.float32),
            pltpu.VMEM((2, _DIM), jnp.float32),
            pltpu.VMEM((_X,), jnp.int32),
            pltpu.VMEM((_QPAD,), jnp.int32),
            pltpu.VMEM((_QPAD,), jnp.int32),
            pltpu.VMEM((_QPAD,), jnp.int32),
            pltpu.SemaphoreType.DMA,
            pltpu.SemaphoreType.DMA,
            pltpu.SemaphoreType.DMA,
        ],
    )
    def body(vec_hbm, order_hbm, starts_hbm, counts_hbm, qlist_hbm, bank_hbm,
             out_hbm, seq, v, order_v, starts_v, counts_v, qlist_v,
             qsem, osem, vsem):
        wid = lax.axis_index("s") * 2 + lax.axis_index("c")
        iot = lax.iota(jnp.int32, _L)

        pltpu.sync_copy(order_hbm, order_v)
        pltpu.sync_copy(starts_hbm, starts_v)
        pltpu.sync_copy(counts_hbm, counts_v)
        pltpu.sync_copy(qlist_hbm, qlist_v)

        def sload_i32(ref, pos):
            return jnp.max(plsc.load_gather(ref, [_splat_i32(pos)]))

        def my_q(qi):
            return sload_i32(qlist_v, wid * _QPW + qi)

        def qin_copy(qi, q):
            slot = jnp.bitwise_and(qi, 1)
            return pltpu.make_async_copy(
                bank_hbm.at[q], seq.at[slot], qsem)

        def qout_copy(qi, q):
            slot = jnp.bitwise_and(qi, 1)
            return pltpu.make_async_copy(
                seq.at[slot], out_hbm.at[q], osem)

        def v_copy(start, j):
            ii = sload_i32(order_v, start + j)
            slot = jnp.bitwise_and(j, 1)
            return pltpu.make_async_copy(
                vec_hbm.at[ii], v.at[slot], vsem)

        def process_queue(qoff, start, cnt):
            v_copy(start, 0).start()

            def sample_body(j, _):
                v_copy(start, j).wait()

                @pl.when(j + 1 < cnt)
                def _():
                    v_copy(start, j + 1).start()

                vslot = jnp.bitwise_and(j, 1)
                vch = [v[vslot, pl.ds(c * _L, _L)] for c in range(_NCH)]

                def row_group(g, carry):
                    best_n, best_d, best_r = carry
                    for u in range(_UNROLL):
                        r = g * _UNROLL + u
                        acc = jnp.zeros((_L,), jnp.float32)
                        nacc = jnp.zeros((_L,), jnp.float32)
                        for c in range(_NCH):
                            srow = seq[qoff, r, pl.ds(c * _L, _L)]
                            acc = acc + srow * vch[c]
                            nacc = nacc + srow * srow
                        dot = jnp.sum(acc)
                        num = dot * jnp.abs(dot)
                        den = jnp.maximum(jnp.sum(nacc), 1e-30)
                        better = num * best_d > best_n * den
                        best_n = jnp.where(better, num, best_n)
                        best_d = jnp.where(better, den, best_d)
                        best_r = jnp.where(better, r, best_r)
                    return best_n, best_d, best_r

                _, _, best_r = lax.fori_loop(
                    0, _MAX_NUM // _UNROLL, row_group,
                    (jnp.float32(-jnp.inf), jnp.float32(1.0), jnp.int32(0)))

                for c in range(_NCH):
                    old = seq[qoff, best_r, pl.ds(c * _L, _L)]
                    seq[qoff, best_r, pl.ds(c * _L, _L)] = (
                        _BETA * old + (1.0 - _BETA) * vch[c])
                return 0

            lax.fori_loop(0, cnt, sample_body, 0)

        qs0 = plsc.load_gather(qlist_v, [wid * _QPW + iot])
        qs1 = plsc.load_gather(qlist_v, [wid * _QPW + _L + iot])
        nvalid = (plsc.all_reduce_population_count(qs0 < _QUEUE_NUM)
                  + plsc.all_reduce_population_count(qs1 < _QUEUE_NUM))
        nvalid = jnp.max(nvalid)

        @pl.when(nvalid > 0)
        def _():
            qin_copy(0, my_q(0)).start()

        def queue_body(qi, _):
            @pl.when(qi < nvalid)
            def _():
                q = my_q(qi)
                qin_copy(qi, q).wait()

                @pl.when(qi >= 1)
                def _():
                    qout_copy(qi - 1, my_q(qi - 1)).wait()

                @pl.when(qi + 1 < nvalid)
                def _():
                    qin_copy(qi + 1, my_q(qi + 1)).start()

                qoff = jnp.bitwise_and(qi, 1)
                cnt = sload_i32(counts_v, q)
                start = sload_i32(starts_v, q)

                @pl.when(cnt > 0)
                def _():
                    process_queue(qoff, start, cnt)

                qout_copy(qi, q).start()

            return 0

        lax.fori_loop(0, _QPW, queue_body, 0)

        @pl.when(nvalid > 0)
        def _():
            qout_copy(nvalid - 1, my_q(nvalid - 1)).wait()

    return body(vec_flat, order, starts, counts, qlist, bank_flat)


def kernel(vectors, labels, bank):
    labels = labels.astype(jnp.int32)
    slab, order = lax.sort(
        (labels, jnp.arange(_X, dtype=jnp.int32)), num_keys=1)
    qids = jnp.arange(_QUEUE_NUM, dtype=jnp.int32)
    starts = jnp.searchsorted(slab, qids, side="left").astype(jnp.int32)
    ends = jnp.searchsorted(slab, qids, side="right").astype(jnp.int32)
    counts = ends - starts
    by_load = jnp.argsort(-counts, stable=True).astype(jnp.int32)
    p = jnp.arange(_QUEUE_NUM, dtype=jnp.int32)
    blk, pos = p // _NW, p % _NW
    worker = jnp.where(blk % 2 == 0, pos, _NW - 1 - pos)
    qlist = jnp.full((_QPAD,), _QUEUE_NUM, dtype=jnp.int32)
    qlist = qlist.at[worker * _QPW + blk].set(by_load)
    starts = jnp.pad(starts, (0, _QPAD - _QUEUE_NUM))
    counts = jnp.pad(counts, (0, _QPAD - _QUEUE_NUM))

    return _sc_confounder_update(vectors, order, starts, counts, qlist, bank)

# --- scband reference (transcript-rebuilt; emitter-appended) ---
"""Pipeline reference for scband-confounder-bank-block-64793876627887 (READ-ONLY COPY).

The authoritative reference and input builder live on the scoring server;
editing this copy changes nothing except your own understanding.
"""

import jax, jax.numpy as jnp
import numpy as np

QUEUE_NUM = 1000
MAX_NUM = 64
DIM = 256
BETA = 0.9
X = 4096
EPS = 1e-8


def setup_inputs(seed: int = 0) -> dict:
    key = jax.random.key(seed)
    k1, k2, k3 = jax.random.split(key, 3)
    vectors = jax.random.normal(k1, (X, DIM), dtype=jnp.float32)
    labels = jax.random.randint(k2, (X,), 0, QUEUE_NUM, dtype=jnp.int32)
    # learned/persistent state: the confounder bank, initialized 'random'
    # (load_path='random' -> maximum_num vectors per queue, so every queue is full
    #  and every write takes the cosine-similarity EMA-update path)
    bank = jax.random.normal(k3, (QUEUE_NUM, MAX_NUM, DIM), dtype=jnp.float32)
    return {"vectors": vectors, "labels": labels, "bank": bank}


def _cosine_sim(seq, v):
    # matches torch.nn.functional.cosine_similarity(seq, v[None], dim=1) with eps=1e-8
    num = seq @ v
    n1 = jnp.maximum(jnp.linalg.norm(seq, axis=1), EPS)
    n2 = jnp.maximum(jnp.linalg.norm(v), EPS)
    return num / (n1 * n2)


def reference(vectors, labels, bank):
    # confounder_writing: sequential per-sample writes (later writes see earlier updates)
    def step(bank, i):
        v = vectors[i]
        seq_id = labels[i]
        seq = bank[seq_id]                      # gather: [MAX_NUM, DIM]
        sims = _cosine_sim(seq, v)              # [MAX_NUM]
        idx = jnp.argmax(sims)
        old_vec = seq[idx]
        new_vec = BETA * old_vec + (1.0 - BETA) * v
        bank = bank.at[seq_id, idx].set(new_vec)  # scatter-overwrite of one row
        return bank, None

    bank, _ = jax.lax.scan(step, bank, jnp.arange(X))
    # confounder_bank_listput equivalent view: return the updated bank state
    return bank


if False:  # reference __main__ guard neutralized (emitter)
    inp = setup_inputs()
    out = reference(**inp)
    print(out.shape, out.dtype)

if __name__ == "__main__":
    import jax
    _d = setup_inputs()
    print(jax.jit(kernel)(*tuple(_d.values())))

</pallas_src>

<mosaic_0001>
#map = affine_map<(d0, d1) -> (0, 0)>
#map1 = affine_map<(d0, d1) -> (0)>
#map2 = affine_map<(d0, d1) -> (0, 0, 0)>
module attributes {stable_mosaic.version = 14 : i64} {
  func.func @body(%arg0: i32, %arg1: i32, %arg2: memref<4096x256xf32, #tpu.memory_space<hbm>>, %arg3: memref<4096xi32, #tpu.memory_space<hbm>>, %arg4: memref<1024xi32, #tpu.memory_space<hbm>>, %arg5: memref<1024xi32, #tpu.memory_space<hbm>>, %arg6: memref<1024xi32, #tpu.memory_space<hbm>>, %arg7: memref<1000x64x256xf32, #tpu.memory_space<hbm>>, %arg8: memref<1000x64x256xf32, #tpu.memory_space<hbm>>, %arg9: memref<2x64x256xf32, #tpu.memory_space<vmem>>, %arg10: memref<2x256xf32, #tpu.memory_space<vmem>>, %arg11: memref<4096xi32, #tpu.memory_space<vmem>>, %arg12: memref<1024xi32, #tpu.memory_space<vmem>>, %arg13: memref<1024xi32, #tpu.memory_space<vmem>>, %arg14: memref<1024xi32, #tpu.memory_space<vmem>>, %arg15: memref<!tpu.dma_semaphore, #tpu.memory_space<semaphore_mem>>, %arg16: memref<!tpu.dma_semaphore, #tpu.memory_space<semaphore_mem>>, %arg17: memref<!tpu.dma_semaphore, #tpu.memory_space<semaphore_mem>>) attributes {dimension_semantics = [#tpu.dimension_semantics<core_parallel>, #tpu.dimension_semantics<subcore_parallel>], iteration_bounds = array<i64: 2, 16>, scalar_prefetch = 0 : i64, scratch_operands = 9 : i64, tpu.core_type = #tpu.core_type<sc_vector_subcore>, window_params = [{transform_indices = #map}, {transform_indices = #map1}, {transform_indices = #map1}, {transform_indices = #map1}, {transform_indices = #map1}, {transform_indices = #map2}, {transform_indices = #map2}]} {
    %mul3A = arith.constant 2 : i32
    %mul3A_0 = arith.muli %arg1, %mul3A : i32
    %add3A = arith.addi %mul3A_0, %arg0 : i32
    %iota3A = tpu.iota {dimensions = array<i32: 0>} : vector<16xi32>
    "tpu.region"() ({
      %run_scoped3A = tpu.sem_alloc : memref<!tpu.dma_semaphore, #tpu.memory_space<semaphore_mem>>
      tpu.enqueue_dma source(%arg3 : memref<4096xi32, #tpu.memory_space<hbm>>) target(%arg11 : memref<4096xi32, #tpu.memory_space<vmem>>) target_semaphore(%run_scoped3A : memref<!tpu.dma_semaphore, #tpu.memory_space<semaphore_mem>>)
      tpu.wait_dma2 semaphore(%run_scoped3A : memref<!tpu.dma_semaphore, #tpu.memory_space<semaphore_mem>>) src(%arg3 : memref<4096xi32, #tpu.memory_space<hbm>>) dst(%arg11 : memref<4096xi32, #tpu.memory_space<vmem>>)
      tpu.yield
    }) : () -> ()
    "tpu.region"() ({
      %run_scoped3A = tpu.sem_alloc : memref<!tpu.dma_semaphore, #tpu.memory_space<semaphore_mem>>
      tpu.enqueue_dma source(%arg4 : memref<1024xi32, #tpu.memory_space<hbm>>) target(%arg12 : memref<1024xi32, #tpu.memory_space<vmem>>) target_semaphore(%run_scoped3A : memref<!tpu.dma_semaphore, #tpu.memory_space<semaphore_mem>>)
      tpu.wait_dma2 semaphore(%run_scoped3A : memref<!tpu.dma_semaphore, #tpu.memory_space<semaphore_mem>>) src(%arg4 : memref<1024xi32, #tpu.memory_space<hbm>>) dst(%arg12 : memref<1024xi32, #tpu.memory_space<vmem>>)
      tpu.yield
    }) : () -> ()
    "tpu.region"() ({
      %run_scoped3A = tpu.sem_alloc : memref<!tpu.dma_semaphore, #tpu.memory_space<semaphore_mem>>
      tpu.enqueue_dma source(%arg5 : memref<1024xi32, #tpu.memory_space<hbm>>) target(%arg13 : memref<1024xi32, #tpu.memory_space<vmem>>) target_semaphore(%run_scoped3A : memref<!tpu.dma_semaphore, #tpu.memory_space<semaphore_mem>>)
      tpu.wait_dma2 semaphore(%run_scoped3A : memref<!tpu.dma_semaphore, #tpu.memory_space<semaphore_mem>>) src(%arg5 : memref<1024xi32, #tpu.memory_space<hbm>>) dst(%arg13 : memref<1024xi32, #tpu.memory_space<vmem>>)
      tpu.yield
    }) : () -> ()
    "tpu.region"() ({
      %run_scoped3A = tpu.sem_alloc : memref<!tpu.dma_semaphore, #tpu.memory_space<semaphore_mem>>
      tpu.enqueue_dma source(%arg6 : memref<1024xi32, #tpu.memory_space<hbm>>) target(%arg14 : memref<1024xi32, #tpu.memory_space<vmem>>) target_semaphore(%run_scoped3A : memref<!tpu.dma_semaphore, #tpu.memory_space<semaphore_mem>>)
      tpu.wait_dma2 semaphore(%run_scoped3A : memref<!tpu.dma_semaphore, #tpu.memory_space<semaphore_mem>>) src(%arg6 : memref<1024xi32, #tpu.memory_space<hbm>>) dst(%arg14 : memref<1024xi32, #tpu.memory_space<vmem>>)
      tpu.yield
    }) : () -> ()
    %mul3A_1 = arith.constant 32 : i32
    %mul3A_2 = arith.muli %add3A, %mul3A_1 : i32
    %add3A_3 = vector.broadcast %mul3A_2 : i32 to vector<16xi32>
    %add3A_4 = arith.addi %add3A_3, %iota3A : vector<16xi32>
    %gather3A = tpu.vector_load_idx %arg14[%add3A_4] : memref<1024xi32, #tpu.memory_space<vmem>>[vector<16xi32>], vector<16xi32>,
    %mul3A_5 = arith.constant 32 : i32
    %mul3A_6 = arith.muli %add3A, %mul3A_5 : i32
    %add3A_7 = arith.constant 16 : i32
    %add3A_8 = arith.addi %mul3A_6, %add3A_7 : i32
    %add3A_9 = vector.broadcast %add3A_8 : i32 to vector<16xi32>
    %add3A_10 = arith.addi %add3A_9, %iota3A : vector<16xi32>
    %gather3A_11 = tpu.vector_load_idx %arg14[%add3A_10] : memref<1024xi32, #tpu.memory_space<vmem>>[vector<16xi32>], vector<16xi32>,
    %lt3A = arith.constant 1000 : i32
    %lt3A_12 = vector.broadcast %lt3A : i32 to vector<16xi32>
    %lt3A_13 = arith.cmpi slt, %gather3A, %lt3A_12 : vector<16xi32>
    %all_reduce_population_count3A = tpu.all_reduce %lt3A_13 {dim = 0 : i64, kind = #tpu.reduction_kind<sum>} : vector<16xi1> -> vector<16xi32>
    %lt3A_14 = arith.constant 1000 : i32
    %lt3A_15 = vector.broadcast %lt3A_14 : i32 to vector<16xi32>
    %lt3A_16 = arith.cmpi slt, %gather3A_11, %lt3A_15 : vector<16xi32>
    %all_reduce_population_count3A_17 = tpu.all_reduce %lt3A_16 {dim = 0 : i64, kind = #tpu.reduction_kind<sum>} : vector<16xi1> -> vector<16xi32>
    %add3A_18 = arith.addi %all_reduce_population_count3A, %all_reduce_population_count3A_17 : vector<16xi32>
    %reduce_max3A = arith.constant true
    %reduce_max3A_19 = vector.broadcast %reduce_max3A : i1 to vector<16xi1>
    %reduce_max3A_20 = arith.constant -2147483648 : i32
    %reduce_max3A_21 = vector.broadcast %reduce_max3A_20 : i32 to vector<16xi32>
    %reduce_max3A_22 = arith.xori %add3A_18, %reduce_max3A_21 : vector<16xi32>
    %reduce_max3A_23 = tpu.scan <max>, %reduce_max3A_22 masked %reduce_max3A_19 : vector<16xi32>, vector<16xi1> -> vector<16xi32>
    %reduce_max3A_24 = arith.xori %reduce_max3A_23, %reduce_max3A_21 : vector<16xi32>
    %reduce_max3A_25 = vector.extract %reduce_max3A_24[15] : i32 from vector<16xi32>
    %gt3A = arith.constant 0 : i32
    %gt3A_26 = arith.cmpi sgt, %reduce_max3A_25, %gt3A : i32
    %convert_element_type3A = arith.extui %gt3A_26 : i1 to i32
    %cond3A = arith.constant 0 : i32
    %cond3A_27 = arith.cmpi ne, %convert_element_type3A, %cond3A : i32
    scf.if %cond3A_27 {
      %mul3A_39 = arith.constant 32 : i32
      %mul3A_40 = arith.muli %add3A, %mul3A_39 : i32
      %add3A_41 = arith.constant 0 : i32
      %add3A_42 = arith.addi %mul3A_40, %add3A_41 : i32
      %broadcast_in_dim3A = vector.broadcast %add3A_42 : i32 to vector<16xi32>
      %gather3A_43 = tpu.vector_load_idx %arg14[%broadcast_in_dim3A] : memref<1024xi32, #tpu.memory_space<vmem>>[vector<16xi32>], vector<16xi32>,
      %reduce_max3A_44 = arith.constant true
      %reduce_max3A_45 = vector.broadcast %reduce_max3A_44 : i1 to vector<16xi1>
      %reduce_max3A_46 = arith.constant -2147483648 : i32
      %reduce_max3A_47 = vector.broadcast %reduce_max3A_46 : i32 to vector<16xi32>
      %reduce_max3A_48 = arith.xori %gather3A_43, %reduce_max3A_47 : vector<16xi32>
      %reduce_max3A_49 = tpu.scan <max>, %reduce_max3A_48 masked %reduce_max3A_45 : vector<16xi32>, vector<16xi1> -> vector<16xi32>
      %reduce_max3A_50 = arith.xori %reduce_max3A_49, %reduce_max3A_47 : vector<16xi32>
      %reduce_max3A_51 = vector.extract %reduce_max3A_50[15] : i32 from vector<16xi32>
      %and3A = arith.constant 0 : i32
      %and3A_52 = arith.constant 1 : i32
      %and3A_53 = arith.andi %and3A, %and3A_52 : i32
      %dma_start3A = arith.constant 0 : i32
      %dma_start3A_54 = arith.constant 0 : i32
      %dma_start3A_55 = tpu.memref_slice %arg9[%and3A_53, %dma_start3A, %dma_start3A_54] : memref<2x64x256xf32, #tpu.memory_space<vmem>> -> memref<1x64x256xf32, #tpu.memory_space<vmem>>
      %dma_start3A_56 = tpu.memref_squeeze %dma_start3A_55 : memref<1x64x256xf32, #tpu.memory_space<vmem>> -> memref<64x256xf32, #tpu.memory_space<vmem>>
      %dma_start3A_57 = arith.constant 0 : i32
      %dma_start3A_58 = arith.constant 0 : i32
      %dma_start3A_59 = tpu.memref_slice %arg7[%reduce_max3A_51, %dma_start3A_57, %dma_start3A_58] : memref<1000x64x256xf32, #tpu.memory_space<hbm>> -> memref<1x64x256xf32, #tpu.memory_space<hbm>>
      %dma_start3A_60 = tpu.memref_squeeze %dma_start3A_59 : memref<1x64x256xf32, #tpu.memory_space<hbm>> -> memref<64x256xf32, #tpu.memory_space<hbm>>
      %dma_start3A_61 = arith.constant 0 : i32
      %dma_start3A_62 = arith.constant 0 : i32
      %dma_start3A_63 = tpu.memref_slice %arg9[%and3A_53, %dma_start3A_61, %dma_start3A_62] : memref<2x64x256xf32, #tpu.memory_space<vmem>> -> memref<1x64x256xf32, #tpu.memory_space<vmem>>
      %dma_start3A_64 = tpu.memref_squeeze %dma_start3A_63 : memref<1x64x256xf32, #tpu.memory_space<vmem>> -> memref<64x256xf32, #tpu.memory_space<vmem>>
      %dma_start3A_65 = arith.constant 0 : i32
      %dma_start3A_66 = arith.constant 0 : i32
      %dma_start3A_67 = tpu.memref_slice %arg7[%reduce_max3A_51, %dma_start3A_65, %dma_start3A_66] : memref<1000x64x256xf32, #tpu.memory_space<hbm>> -> memref<1x64x256xf32, #tpu.memory_space<hbm>>
      %dma_start3A_68 = tpu.memref_squeeze %dma_start3A_67 : memref<1x64x256xf32, #tpu.memory_space<hbm>> -> memref<64x256xf32, #tpu.memory_space<hbm>>
      tpu.enqueue_dma source(%dma_start3A_68 : memref<64x256xf32, #tpu.memory_space<hbm>>) target(%dma_start3A_64 : memref<64x256xf32, #tpu.memory_space<vmem>>) target_semaphore(%arg15 : memref<!tpu.dma_semaphore, #tpu.memory_space<semaphore_mem>>)
    } else {
    }
    %scan3A = arith.constant 0 : i32
    %scan3A_28 = arith.constant 0 : i32
    %scan3A_29 = arith.constant 32 : i32
    %scan3A_30 = arith.addi %scan3A_28, %scan3A_29 : i32
    %scan3A_31 = arith.constant 1 : i32
    %scan3A_32 = scf.for %scan3A_39 = %scan3A_28 to %scan3A_30 step %scan3A_31 iter_args(%scan3A_40 = %scan3A) -> (i32)  : i32 {
      %lt3A_41 = arith.cmpi slt, %scan3A_39, %reduce_max3A_25 : i32
      %convert_element_type3A_42 = arith.extui %lt3A_41 : i1 to i32
      %cond3A_43 = arith.constant 0 : i32
      %cond3A_44 = arith.cmpi ne, %convert_element_type3A_42, %cond3A_43 : i32
      scf.if %cond3A_44 {
        %mul3A_46 = arith.constant 32 : i32
        %mul3A_47 = arith.muli %add3A, %mul3A_46 : i32
        %add3A_48 = arith.addi %mul3A_47, %scan3A_39 : i32
        %broadcast_in_dim3A = vector.broadcast %add3A_48 : i32 to vector<16xi32>
        %gather3A_49 = tpu.vector_load_idx %arg14[%broadcast_in_dim3A] : memref<1024xi32, #tpu.memory_space<vmem>>[vector<16xi32>], vector<16xi32>,
        %reduce_max3A_50 = arith.constant true
        %reduce_max3A_51 = vector.broadcast %reduce_max3A_50 : i1 to vector<16xi1>
        %reduce_max3A_52 = arith.constant -2147483648 : i32
        %reduce_max3A_53 = vector.broadcast %reduce_max3A_52 : i32 to vector<16xi32>
        %reduce_max3A_54 = arith.xori %gather3A_49, %reduce_max3A_53 : vector<16xi32>
        %reduce_max3A_55 = tpu.scan <max>, %reduce_max3A_54 masked %reduce_max3A_51 : vector<16xi32>, vector<16xi1> -> vector<16xi32>
        %reduce_max3A_56 = arith.xori %reduce_max3A_55, %reduce_max3A_53 : vector<16xi32>
        %reduce_max3A_57 = vector.extract %reduce_max3A_56[15] : i32 from vector<16xi32>
        %and3A = arith.constant 1 : i32
        %and3A_58 = arith.andi %scan3A_39, %and3A : i32
        %dma_wait3A = arith.constant 0 : i32
        %dma_wait3A_59 = arith.constant 0 : i32
        %dma_wait3A_60 = tpu.memref_slice %arg9[%and3A_58, %dma_wait3A, %dma_wait3A_59] : memref<2x64x256xf32, #tpu.memory_space<vmem>> -> memref<1x64x256xf32, #tpu.memory_space<vmem>>
        %dma_wait3A_61 = tpu.memref_squeeze %dma_wait3A_60 : memref<1x64x256xf32, #tpu.memory_space<vmem>> -> memref<64x256xf32, #tpu.memory_space<vmem>>
        %dma_wait3A_62 = arith.constant 0 : i32
        %dma_wait3A_63 = arith.constant 0 : i32
        %dma_wait3A_64 = tpu.memref_slice %arg7[%reduce_max3A_57, %dma_wait3A_62, %dma_wait3A_63] : memref<1000x64x256xf32, #tpu.memory_space<hbm>> -> memref<1x64x256xf32, #tpu.memory_space<hbm>>
        %dma_wait3A_65 = tpu.memref_squeeze %dma_wait3A_64 : memref<1x64x256xf32, #tpu.memory_space<hbm>> -> memref<64x256xf32, #tpu.memory_space<hbm>>
        %dma_wait3A_66 = arith.constant 0 : i32
        %dma_wait3A_67 = arith.constant 0 : i32
        %dma_wait3A_68 = tpu.memref_slice %arg9[%and3A_58, %dma_wait3A_66, %dma_wait3A_67] : memref<2x64x256xf32, #tpu.memory_space<vmem>> -> memref<1x64x256xf32, #tpu.memory_space<vmem>>
        %dma_wait3A_69 = tpu.memref_squeeze %dma_wait3A_68 : memref<1x64x256xf32, #tpu.memory_space<vmem>> -> memref<64x256xf32, #tpu.memory_space<vmem>>
        %dma_wait3A_70 = arith.constant 0 : i32
        %dma_wait3A_71 = arith.constant 0 : i32
        %dma_wait3A_72 = tpu.memref_slice %arg7[%reduce_max3A_57, %dma_wait3A_70, %dma_wait3A_71] : memref<1000x64x256xf32, #tpu.memory_space<hbm>> -> memref<1x64x256xf32, #tpu.memory_space<hbm>>
        %dma_wait3A_73 = tpu.memref_squeeze %dma_wait3A_72 : memref<1x64x256xf32, #tpu.memory_space<hbm>> -> memref<64x256xf32, #tpu.memory_space<hbm>>
        tpu.wait_dma2 semaphore(%arg15 : memref<!tpu.dma_semaphore, #tpu.memory_space<semaphore_mem>>) src(%dma_wait3A_73 : memref<64x256xf32, #tpu.memory_space<hbm>>) dst(%dma_wait3A_69 : memref<64x256xf32, #tpu.memory_space<vmem>>)
        %ge3A = arith.constant 1 : i32
        %ge3A_74 = arith.cmpi sge, %scan3A_39, %ge3A : i32
        %convert_element_type3A_75 = arith.extui %ge3A_74 : i1 to i32
        %cond3A_76 = arith.constant 0 : i32
        %cond3A_77 = arith.cmpi ne, %convert_element_type3A_75, %cond3A_76 : i32
        scf.if %cond3A_77 {
          %sub3A = arith.constant 1 : i32
          %sub3A_128 = arith.subi %scan3A_39, %sub3A : i32
          %sub3A_129 = arith.constant 1 : i32
          %sub3A_130 = arith.subi %scan3A_39, %sub3A_129 : i32
          %mul3A_131 = arith.constant 32 : i32
          %mul3A_132 = arith.muli %add3A, %mul3A_131 : i32
          %add3A_133 = arith.addi %mul3A_132, %sub3A_130 : i32
          %broadcast_in_dim3A_134 = vector.broadcast %add3A_133 : i32 to vector<16xi32>
          %gather3A_135 = tpu.vector_load_idx %arg14[%broadcast_in_dim3A_134] : memref<1024xi32, #tpu.memory_space<vmem>>[vector<16xi32>], vector<16xi32>,
          %reduce_max3A_136 = arith.constant true
          %reduce_max3A_137 = vector.broadcast %reduce_max3A_136 : i1 to vector<16xi1>
          %reduce_max3A_138 = arith.constant -2147483648 : i32
          %reduce_max3A_139 = vector.broadcast %reduce_max3A_138 : i32 to vector<16xi32>
          %reduce_max3A_140 = arith.xori %gather3A_135, %reduce_max3A_139 : vector<16xi32>
          %reduce_max3A_141 = tpu.scan <max>, %reduce_max3A_140 masked %reduce_max3A_137 : vector<16xi32>, vector<16xi1> -> vector<16xi32>
          %reduce_max3A_142 = arith.xori %reduce_max3A_141, %reduce_max3A_139 : vector<16xi32>
          %reduce_max3A_143 = vector.extract %reduce_max3A_142[15] : i32 from vector<16xi32>
          %and3A_144 = arith.constant 1 : i32
          %and3A_145 = arith.andi %sub3A_128, %and3A_144 : i32
          %dma_wait3A_146 = arith.constant 0 : i32
          %dma_wait3A_147 = arith.constant 0 : i32
          %dma_wait3A_148 = tpu.memref_slice %arg9[%and3A_145, %dma_wait3A_146, %dma_wait3A_147] : memref<2x64x256xf32, #tpu.memory_space<vmem>> -> memref<1x64x256xf32, #tpu.memory_space<vmem>>
          %dma_wait3A_149 = tpu.memref_squeeze %dma_wait3A_148 : memref<1x64x256xf32, #tpu.memory_space<vmem>> -> memref<64x256xf32, #tpu.memory_space<vmem>>
          %dma_wait3A_150 = arith.constant 0 : i32
          %dma_wait3A_151 = arith.constant 0 : i32
          %dma_wait3A_152 = tpu.memref_slice %arg8[%reduce_max3A_143, %dma_wait3A_150, %dma_wait3A_151] : memref<1000x64x256xf32, #tpu.memory_space<hbm>> -> memref<1x64x256xf32, #tpu.memory_space<hbm>>
          %dma_wait3A_153 = tpu.memref_squeeze %dma_wait3A_152 : memref<1x64x256xf32, #tpu.memory_space<hbm>> -> memref<64x256xf32, #tpu.memory_space<hbm>>
          %dma_wait3A_154 = arith.constant 0 : i32
          %dma_wait3A_155 = arith.constant 0 : i32
          %dma_wait3A_156 = tpu.memref_slice %arg8[%reduce_max3A_143, %dma_wait3A_154, %dma_wait3A_155] : memref<1000x64x256xf32, #tpu.memory_space<hbm>> -> memref<1x64x256xf32, #tpu.memory_space<hbm>>
          %dma_wait3A_157 = tpu.memref_squeeze %dma_wait3A_156 : memref<1x64x256xf32, #tpu.memory_space<hbm>> -> memref<64x256xf32, #tpu.memory_space<hbm>>
          %dma_wait3A_158 = arith.constant 0 : i32
          %dma_wait3A_159 = arith.constant 0 : i32
          %dma_wait3A_160 = tpu.memref_slice %arg9[%and3A_145, %dma_wait3A_158, %dma_wait3A_159] : memref<2x64x256xf32, #tpu.memory_space<vmem>> -> memref<1x64x256xf32, #tpu.memory_space<vmem>>
          %dma_wait3A_161 = tpu.memref_squeeze %dma_wait3A_160 : memref<1x64x256xf32, #tpu.memory_space<vmem>> -> memref<64x256xf32, #tpu.memory_space<vmem>>
          tpu.wait_dma2 semaphore(%arg16 : memref<!tpu.dma_semaphore, #tpu.memory_space<semaphore_mem>>) src(%dma_wait3A_161 : memref<64x256xf32, #tpu.memory_space<vmem>>) dst(%dma_wait3A_157 : memref<64x256xf32, #tpu.memory_space<hbm>>)
        } else {
        }
        %add3A_78 = arith.constant 1 : i32
        %add3A_79 = arith.addi %scan3A_39, %add3A_78 : i32
        %lt3A_80 = arith.cmpi slt, %add3A_79, %reduce_max3A_25 : i32
        %convert_element_type3A_81 = arith.extui %lt3A_80 : i1 to i32
        %cond3A_82 = arith.constant 0 : i32
        %cond3A_83 = arith.cmpi ne, %convert_element_type3A_81, %cond3A_82 : i32
        scf.if %cond3A_83 {
          %add3A_128 = arith.constant 1 : i32
          %add3A_129 = arith.addi %scan3A_39, %add3A_128 : i32
          %add3A_130 = arith.constant 1 : i32
          %add3A_131 = arith.addi %scan3A_39, %add3A_130 : i32
          %mul3A_132 = arith.constant 32 : i32
          %mul3A_133 = arith.muli %add3A, %mul3A_132 : i32
          %add3A_134 = arith.addi %mul3A_133, %add3A_131 : i32
          %broadcast_in_dim3A_135 = vector.broadcast %add3A_134 : i32 to vector<16xi32>
          %gather3A_136 = tpu.vector_load_idx %arg14[%broadcast_in_dim3A_135] : memref<1024xi32, #tpu.memory_space<vmem>>[vector<16xi32>], vector<16xi32>,
          %reduce_max3A_137 = arith.constant true
          %reduce_max3A_138 = vector.broadcast %reduce_max3A_137 : i1 to vector<16xi1>
          %reduce_max3A_139 = arith.constant -2147483648 : i32
          %reduce_max3A_140 = vector.broadcast %reduce_max3A_139 : i32 to vector<16xi32>
          %reduce_max3A_141 = arith.xori %gather3A_136, %reduce_max3A_140 : vector<16xi32>
          %reduce_max3A_142 = tpu.scan <max>, %reduce_max3A_141 masked %reduce_max3A_138 : vector<16xi32>, vector<16xi1> -> vector<16xi32>
          %reduce_max3A_143 = arith.xori %reduce_max3A_142, %reduce_max3A_140 : vector<16xi32>
          %reduce_max3A_144 = vector.extract %reduce_max3A_143[15] : i32 from vector<16xi32>
          %and3A_145 = arith.constant 1 : i32
          %and3A_146 = arith.andi %add3A_129, %and3A_145 : i32
          %dma_start3A_147 = arith.constant 0 : i32
          %dma_start3A_148 = arith.constant 0 : i32
          %dma_start3A_149 = tpu.memref_slice %arg9[%and3A_146, %dma_start3A_147, %dma_start3A_148] : memref<2x64x256xf32, #tpu.memory_space<vmem>> -> memref<1x64x256xf32, #tpu.memory_space<vmem>>
          %dma_start3A_150 = tpu.memref_squeeze %dma_start3A_149 : memref<1x64x256xf32, #tpu.memory_space<vmem>> -> memref<64x256xf32, #tpu.memory_space<vmem>>
          %dma_start3A_151 = arith.constant 0 : i32
          %dma_start3A_152 = arith.constant 0 : i32
          %dma_start3A_153 = tpu.memref_slice %arg7[%reduce_max3A_144, %dma_start3A_151, %dma_start3A_152] : memref<1000x64x256xf32, #tpu.memory_space<hbm>> -> memref<1x64x256xf32, #tpu.memory_space<hbm>>
          %dma_start3A_154 = tpu.memref_squeeze %dma_start3A_153 : memref<1x64x256xf32, #tpu.memory_space<hbm>> -> memref<64x256xf32, #tpu.memory_space<hbm>>
          %dma_start3A_155 = arith.constant 0 : i32
          %dma_start3A_156 = arith.constant 0 : i32
          %dma_start3A_157 = tpu.memref_slice %arg9[%and3A_146, %dma_start3A_155, %dma_start3A_156] : memref<2x64x256xf32, #tpu.memory_space<vmem>> -> memref<1x64x256xf32, #tpu.memory_space<vmem>>
          %dma_start3A_158 = tpu.memref_squeeze %dma_start3A_157 : memref<1x64x256xf32, #tpu.memory_space<vmem>> -> memref<64x256xf32, #tpu.memory_space<vmem>>
          %dma_start3A_159 = arith.constant 0 : i32
          %dma_start3A_160 = arith.constant 0 : i32
          %dma_start3A_161 = tpu.memref_slice %arg7[%reduce_max3A_144, %dma_start3A_159, %dma_start3A_160] : memref<1000x64x256xf32, #tpu.memory_space<hbm>> -> memref<1x64x256xf32, #tpu.memory_space<hbm>>
          %dma_start3A_162 = tpu.memref_squeeze %dma_start3A_161 : memref<1x64x256xf32, #tpu.memory_space<hbm>> -> memref<64x256xf32, #tpu.memory_space<hbm>>
          tpu.enqueue_dma source(%dma_start3A_162 : memref<64x256xf32, #tpu.memory_space<hbm>>) target(%dma_start3A_158 : memref<64x256xf32, #tpu.memory_space<vmem>>) target_semaphore(%arg15 : memref<!tpu.dma_semaphore, #tpu.memory_space<semaphore_mem>>)
        } else {
        }
        %and3A_84 = arith.constant 1 : i32
        %and3A_85 = arith.andi %scan3A_39, %and3A_84 : i32
        %broadcast_in_dim3A_86 = vector.broadcast %reduce_max3A_57 : i32 to vector<16xi32>
        %gather3A_87 = tpu.vector_load_idx %arg13[%broadcast_in_dim3A_86] : memref<1024xi32, #tpu.memory_space<vmem>>[vector<16xi32>], vector<16xi32>,
        %reduce_max3A_88 = arith.constant true
        %reduce_max3A_89 = vector.broadcast %reduce_max3A_88 : i1 to vector<16xi1>
        %reduce_max3A_90 = arith.constant -2147483648 : i32
        %reduce_max3A_91 = vector.broadcast %reduce_max3A_90 : i32 to vector<16xi32>
        %reduce_max3A_92 = arith.xori %gather3A_87, %reduce_max3A_91 : vector<16xi32>
        %reduce_max3A_93 = tpu.scan <max>, %reduce_max3A_92 masked %reduce_max3A_89 : vector<16xi32>, vector<16xi1> -> vector<16xi32>
        %reduce_max3A_94 = arith.xori %reduce_max3A_93, %reduce_max3A_91 : vector<16xi32>
        %reduce_max3A_95 = vector.extract %reduce_max3A_94[15] : i32 from vector<16xi32>
        %broadcast_in_dim3A_96 = vector.broadcast %reduce_max3A_57 : i32 to vector<16xi32>
        %gather3A_97 = tpu.vector_load_idx %arg12[%broadcast_in_dim3A_96] : memref<1024xi32, #tpu.memory_space<vmem>>[vector<16xi32>], vector<16xi32>,
        %reduce_max3A_98 = arith.constant true
        %reduce_max3A_99 = vector.broadcast %reduce_max3A_98 : i1 to vector<16xi1>
        %reduce_max3A_100 = arith.constant -2147483648 : i32
        %reduce_max3A_101 = vector.broadcast %reduce_max3A_100 : i32 to vector<16xi32>
        %reduce_max3A_102 = arith.xori %gather3A_97, %reduce_max3A_101 : vector<16xi32>
        %reduce_max3A_103 = tpu.scan <max>, %reduce_max3A_102 masked %reduce_max3A_99 : vector<16xi32>, vector<16xi1> -> vector<16xi32>
        %reduce_max3A_104 = arith.xori %reduce_max3A_103, %reduce_max3A_101 : vector<16xi32>
        %reduce_max3A_105 = vector.extract %reduce_max3A_104[15] : i32 from vector<16xi32>
        %gt3A_106 = arith.constant 0 : i32
        %gt3A_107 = arith.cmpi sgt, %reduce_max3A_95, %gt3A_106 : i32
        %convert_element_type3A_108 = arith.extui %gt3A_107 : i1 to i32
        %cond3A_109 = arith.constant 0 : i32
        %cond3A_110 = arith.cmpi ne, %convert_element_type3A_108, %cond3A_109 : i32
        scf.if %cond3A_110 {
          %add3A_128 = arith.constant 0 : i32
          %add3A_129 = arith.addi %reduce_max3A_105, %add3A_128 : i32
          %broadcast_in_dim3A_130 = vector.broadcast %add3A_129 : i32 to vector<16xi32>
          %gather3A_131 = tpu.vector_load_idx %arg11[%broadcast_in_dim3A_130] : memref<4096xi32, #tpu.memory_space<vmem>>[vector<16xi32>], vector<16xi32>,
          %reduce_max3A_132 = arith.constant true
          %reduce_max3A_133 = vector.broadcast %reduce_max3A_132 : i1 to vector<16xi1>
          %reduce_max3A_134 = arith.constant -2147483648 : i32
          %reduce_max3A_135 = vector.broadcast %reduce_max3A_134 : i32 to vector<16xi32>
          %reduce_max3A_136 = arith.xori %gather3A_131, %reduce_max3A_135 : vector<16xi32>
          %reduce_max3A_137 = tpu.scan <max>, %reduce_max3A_136 masked %reduce_max3A_133 : vector<16xi32>, vector<16xi1> -> vector<16xi32>
          %reduce_max3A_138 = arith.xori %reduce_max3A_137, %reduce_max3A_135 : vector<16xi32>
          %reduce_max3A_139 = vector.extract %reduce_max3A_138[15] : i32 from vector<16xi32>
          %and3A_140 = arith.constant 0 : i32
          %and3A_141 = arith.constant 1 : i32
          %and3A_142 = arith.andi %and3A_140, %and3A_141 : i32
          %dma_start3A_143 = arith.constant 0 : i32
          %dma_start3A_144 = tpu.memref_slice %arg10[%and3A_142, %dma_start3A_143] : memref<2x256xf32, #tpu.memory_space<vmem>> -> memref<1x256xf32, #tpu.memory_space<vmem>>
          %dma_start3A_145 = tpu.memref_squeeze %dma_start3A_144 : memref<1x256xf32, #tpu.memory_space<vmem>> -> memref<256xf32, #tpu.memory_space<vmem>>
          %dma_start3A_146 = arith.constant 0 : i32
          %dma_start3A_147 = tpu.memref_slice %arg2[%reduce_max3A_139, %dma_start3A_146] : memref<4096x256xf32, #tpu.memory_space<hbm>> -> memref<1x256xf32, #tpu.memory_space<hbm>>
          %dma_start3A_148 = tpu.memref_squeeze %dma_start3A_147 : memref<1x256xf32, #tpu.memory_space<hbm>> -> memref<256xf32, #tpu.memory_space<hbm>>
          %dma_start3A_149 = arith.constant 0 : i32
          %dma_start3A_150 = tpu.memref_slice %arg10[%and3A_142, %dma_start3A_149] : memref<2x256xf32, #tpu.memory_space<vmem>> -> memref<1x256xf32, #tpu.memory_space<vmem>>
          %dma_start3A_151 = tpu.memref_squeeze %dma_start3A_150 : memref<1x256xf32, #tpu.memory_space<vmem>> -> memref<256xf32, #tpu.memory_space<vmem>>
          %dma_start3A_152 = arith.constant 0 : i32
          %dma_start3A_153 = tpu.memref_slice %arg2[%reduce_max3A_139, %dma_start3A_152] : memref<4096x256xf32, #tpu.memory_space<hbm>> -> memref<1x256xf32, #tpu.memory_space<hbm>>
          %dma_start3A_154 = tpu.memref_squeeze %dma_start3A_153 : memref<1x256xf32, #tpu.memory_space<hbm>> -> memref<256xf32, #tpu.memory_space<hbm>>
          tpu.enqueue_dma source(%dma_start3A_154 : memref<256xf32, #tpu.memory_space<hbm>>) target(%dma_start3A_151 : memref<256xf32, #tpu.memory_space<vmem>>) target_semaphore(%arg17 : memref<!tpu.dma_semaphore, #tpu.memory_space<semaphore_mem>>)
          %while3A = arith.constant 0 : i32
          %while3A_155 = arith.constant 0 : i32
          %while3A_156 = arith.subi %reduce_max3A_95, %while3A : i32
          %while3A_157 = arith.addi %while3A, %while3A_156 : i32
          %while3A_158 = arith.constant 1 : i32
          %while3A_159 = arith.divsi %while3A_156, %while3A_158 : i32
          %while3A_160 = arith.muli %while3A_159, %while3A_158 : i32
          %while3A_161 = arith.addi %while3A, %while3A_160 : i32
          %while3A_162 = arith.constant 1 : i32
          %while3A_163 = scf.for %while3A_166 = %while3A to %while3A_161 step %while3A_162 iter_args(%while3A_167 = %while3A_155) -> (i32)  : i32 {
            %add3A_168 = arith.addi %reduce_max3A_105, %while3A_166 : i32
            %broadcast_in_dim3A_169 = vector.broadcast %add3A_168 : i32 to vector<16xi32>
            %gather3A_170 = tpu.vector_load_idx %arg11[%broadcast_in_dim3A_169] : memref<4096xi32, #tpu.memory_space<vmem>>[vector<16xi32>], vector<16xi32>,
            %reduce_max3A_171 = arith.constant true
            %reduce_max3A_172 = vector.broadcast %reduce_max3A_171 : i1 to vector<16xi1>
            %reduce_max3A_173 = arith.constant -2147483648 : i32
            %reduce_max3A_174 = vector.broadcast %reduce_max3A_173 : i32 to vector<16xi32>
            %reduce_max3A_175 = arith.xori %gather3A_170, %reduce_max3A_174 : vector<16xi32>
            %reduce_max3A_176 = tpu.scan <max>, %reduce_max3A_175 masked %reduce_max3A_172 : vector<16xi32>, vector<16xi1> -> vector<16xi32>
            %reduce_max3A_177 = arith.xori %reduce_max3A_176, %reduce_max3A_174 : vector<16xi32>
            %reduce_max3A_178 = vector.extract %reduce_max3A_177[15] : i32 from vector<16xi32>
            %and3A_179 = arith.constant 1 : i32
            %and3A_180 = arith.andi %while3A_166, %and3A_179 : i32
            %dma_wait3A_181 = arith.constant 0 : i32
            %dma_wait3A_182 = tpu.memref_slice %arg10[%and3A_180, %dma_wait3A_181] : memref<2x256xf32, #tpu.memory_space<vmem>> -> memref<1x256xf32, #tpu.memory_space<vmem>>
            %dma_wait3A_183 = tpu.memref_squeeze %dma_wait3A_182 : memref<1x256xf32, #tpu.memory_space<vmem>> -> memref<256xf32, #tpu.memory_space<vmem>>
            %dma_wait3A_184 = arith.constant 0 : i32
            %dma_wait3A_185 = tpu.memref_slice %arg2[%reduce_max3A_178, %dma_wait3A_184] : memref<4096x256xf32, #tpu.memory_space<hbm>> -> memref<1x256xf32, #tpu.memory_space<hbm>>
            %dma_wait3A_186 = tpu.memref_squeeze %dma_wait3A_185 : memref<1x256xf32, #tpu.memory_space<hbm>> -> memref<256xf32, #tpu.memory_space<hbm>>
            %dma_wait3A_187 = arith.constant 0 : i32
            %dma_wait3A_188 = tpu.memref_slice %arg10[%and3A_180, %dma_wait3A_187] : memref<2x256xf32, #tpu.memory_space<vmem>> -> memref<1x256xf32, #tpu.memory_space<vmem>>
            %dma_wait3A_189 = tpu.memref_squeeze %dma_wait3A_188 : memref<1x256xf32, #tpu.memory_space<vmem>> -> memref<256xf32, #tpu.memory_space<vmem>>
            %dma_wait3A_190 = arith.constant 0 : i32
            %dma_wait3A_191 = tpu.memref_slice %arg2[%reduce_max3A_178, %dma_wait3A_190] : memref<4096x256xf32, #tpu.memory_space<hbm>> -> memref<1x256xf32, #tpu.memory_space<hbm>>
            %dma_wait3A_192 = tpu.memref_squeeze %dma_wait3A_191 : memref<1x256xf32, #tpu.memory_space<hbm>> -> memref<256xf32, #tpu.memory_space<hbm>>
            tpu.wait_dma2 semaphore(%arg17 : memref<!tpu.dma_semaphore, #tpu.memory_space<semaphore_mem>>) src(%dma_wait3A_192 : memref<256xf32, #tpu.memory_space<hbm>>) dst(%dma_wait3A_189 : memref<256xf32, #tpu.memory_space<vmem>>)
            %add3A_193 = arith.constant 1 : i32
            %add3A_194 = arith.addi %while3A_166, %add3A_193 : i32
            %lt3A_195 = arith.cmpi slt, %add3A_194, %reduce_max3A_95 : i32
            %convert_element_type3A_196 = arith.extui %lt3A_195 : i1 to i32
            %cond3A_197 = arith.constant 0 : i32
            %cond3A_198 = arith.cmpi ne, %convert_element_type3A_196, %cond3A_197 : i32
            scf.if %cond3A_198 {
              %add3A_497 = arith.constant 1 : i32
              %add3A_498 = arith.addi %while3A_166, %add3A_497 : i32
              %add3A_499 = arith.addi %reduce_max3A_105, %add3A_498 : i32
              %broadcast_in_dim3A_500 = vector.broadcast %add3A_499 : i32 to vector<16xi32>
              %gather3A_501 = tpu.vector_load_idx %arg11[%broadcast_in_dim3A_500] : memref<4096xi32, #tpu.memory_space<vmem>>[vector<16xi32>], vector<16xi32>,
              %reduce_max3A_502 = arith.constant true
              %reduce_max3A_503 = vector.broadcast %reduce_max3A_502 : i1 to vector<16xi1>
              %reduce_max3A_504 = arith.constant -2147483648 : i32
              %reduce_max3A_505 = vector.broadcast %reduce_max3A_504 : i32 to vector<16xi32>
              %reduce_max3A_506 = arith.xori %gather3A_501, %reduce_max3A_505 : vector<16xi32>
              %reduce_max3A_507 = tpu.scan <max>, %reduce_max3A_506 masked %reduce_max3A_503 : vector<16xi32>, vector<16xi1> -> vector<16xi32>
              %reduce_max3A_508 = arith.xori %reduce_max3A_507, %reduce_max3A_505 : vector<16xi32>
              %reduce_max3A_509 = vector.extract %reduce_max3A_508[15] : i32 from vector<16xi32>
              %and3A_510 = arith.constant 1 : i32
              %and3A_511 = arith.andi %add3A_498, %and3A_510 : i32
              %dma_start3A_512 = arith.constant 0 : i32
              %dma_start3A_513 = tpu.memref_slice %arg10[%and3A_511, %dma_start3A_512] : memref<2x256xf32, #tpu.memory_space<vmem>> -> memref<1x256xf32, #tpu.memory_space<vmem>>
              %dma_start3A_514 = tpu.memref_squeeze %dma_start3A_513 : memref<1x256xf32, #tpu.memory_space<vmem>> -> memref<256xf32, #tpu.memory_space<vmem>>
              %dma_start3A_515 = arith.constant 0 : i32
              %dma_start3A_516 = tpu.memref_slice %arg2[%reduce_max3A_509, %dma_start3A_515] : memref<4096x256xf32, #tpu.memory_space<hbm>> -> memref<1x256xf32, #tpu.memory_space<hbm>>
              %dma_start3A_517 = tpu.memref_squeeze %dma_start3A_516 : memref<1x256xf32, #tpu.memory_space<hbm>> -> memref<256xf32, #tpu.memory_space<hbm>>
              %dma_start3A_518 = arith.constant 0 : i32
              %dma_start3A_519 = tpu.memref_slice %arg10[%and3A_511, %dma_start3A_518] : memref<2x256xf32, #tpu.memory_space<vmem>> -> memref<1x256xf32, #tpu.memory_space<vmem>>
              %dma_start3A_520 = tpu.memref_squeeze %dma_start3A_519 : memref<1x256xf32, #tpu.memory_space<vmem>> -> memref<256xf32, #tpu.memory_space<vmem>>
              %dma_start3A_521 = arith.constant 0 : i32
              %dma_start3A_522 = tpu.memref_slice %arg2[%reduce_max3A_509, %dma_start3A_521] : memref<4096x256xf32, #tpu.memory_space<hbm>> -> memref<1x256xf32, #tpu.memory_space<hbm>>
              %dma_start3A_523 = tpu.memref_squeeze %dma_start3A_522 : memref<1x256xf32, #tpu.memory_space<hbm>> -> memref<256xf32, #tpu.memory_space<hbm>>
              tpu.enqueue_dma source(%dma_start3A_523 : memref<256xf32, #tpu.memory_space<hbm>>) target(%dma_start3A_520 : memref<256xf32, #tpu.memory_space<vmem>>) target_semaphore(%arg17 : memref<!tpu.dma_semaphore, #tpu.memory_space<semaphore_mem>>)
            } else {
            }
            %and3A_199 = arith.constant 1 : i32
            %and3A_200 = arith.andi %while3A_166, %and3A_199 : i32
            %get3A = arith.index_cast %and3A_200 : i32 to index
            %get3A_201 = arith.constant 0 : index
            %get3A_202 = tpu.vector_load %arg10[%get3A, %get3A_201] {strides = array<i32>} : memref<2x256xf32, #tpu.memory_space<vmem>>, vector<16xf32>,
            %get3A_203 = arith.index_cast %and3A_200 : i32 to index
            %get3A_204 = arith.constant 16 : index
            %get3A_205 = tpu.vector_load %arg10[%get3A_203, %get3A_204] {strides = array<i32>} : memref<2x256xf32, #tpu.memory_space<vmem>>, vector<16xf32>,
            %get3A_206 = arith.index_cast %and3A_200 : i32 to index
            %get3A_207 = arith.constant 32 : index
            %get3A_208 = tpu.vector_load %arg10[%get3A_206, %get3A_207] {strides = array<i32>} : memref<2x256xf32, #tpu.memory_space<vmem>>, vector<16xf32>,
            %get3A_209 = arith.index_cast %and3A_200 : i32 to index
            %get3A_210 = arith.constant 48 : index
            %get3A_211 = tpu.vector_load %arg10[%get3A_209, %get3A_210] {strides = array<i32>} : memref<2x256xf32, #tpu.memory_space<vmem>>, vector<16xf32>,
            %get3A_212 = arith.index_cast %and3A_200 : i32 to index
            %get3A_213 = arith.constant 64 : index
            %get3A_214 = tpu.vector_load %arg10[%get3A_212, %get3A_213] {strides = array<i32>} : memref<2x256xf32, #tpu.memory_space<vmem>>, vector<16xf32>,
            %get3A_215 = arith.index_cast %and3A_200 : i32 to index
            %get3A_216 = arith.constant 80 : index
            %get3A_217 = tpu.vector_load %arg10[%get3A_215, %get3A_216] {strides = array<i32>} : memref<2x256xf32, #tpu.memory_space<vmem>>, vector<16xf32>,
            %get3A_218 = arith.index_cast %and3A_200 : i32 to index
            %get3A_219 = arith.constant 96 : index
            %get3A_220 = tpu.vector_load %arg10[%get3A_218, %get3A_219] {strides = array<i32>} : memref<2x256xf32, #tpu.memory_space<vmem>>, vector<16xf32>,
            %get3A_221 = arith.index_cast %and3A_200 : i32 to index
            %get3A_222 = arith.constant 112 : index
            %get3A_223 = tpu.vector_load %arg10[%get3A_221, %get3A_222] {strides = array<i32>} : memref<2x256xf32, #tpu.memory_space<vmem>>, vector<16xf32>,
            %get3A_224 = arith.index_cast %and3A_200 : i32 to index
            %get3A_225 = arith.constant 128 : index
            %get3A_226 = tpu.vector_load %arg10[%get3A_224, %get3A_225] {strides = array<i32>} : memref<2x256xf32, #tpu.memory_space<vmem>>, vector<16xf32>,
            %get3A_227 = arith.index_cast %and3A_200 : i32 to index
            %get3A_228 = arith.constant 144 : index
            %get3A_229 = tpu.vector_load %arg10[%get3A_227, %get3A_228] {strides = array<i32>} : memref<2x256xf32, #tpu.memory_space<vmem>>, vector<16xf32>,
            %get3A_230 = arith.index_cast %and3A_200 : i32 to index
            %get3A_231 = arith.constant 160 : index
            %get3A_232 = tpu.vector_load %arg10[%get3A_230, %get3A_231] {strides = array<i32>} : memref<2x256xf32, #tpu.memory_space<vmem>>, vector<16xf32>,
            %get3A_233 = arith.index_cast %and3A_200 : i32 to index
            %get3A_234 = arith.constant 176 : index
            %get3A_235 = tpu.vector_load %arg10[%get3A_233, %get3A_234] {strides = array<i32>} : memref<2x256xf32, #tpu.memory_space<vmem>>, vector<16xf32>,
            %get3A_236 = arith.index_cast %and3A_200 : i32 to index
            %get3A_237 = arith.constant 192 : index
            %get3A_238 = tpu.vector_load %arg10[%get3A_236, %get3A_237] {strides = array<i32>} : memref<2x256xf32, #tpu.memory_space<vmem>>, vector<16xf32>,
            %get3A_239 = arith.index_cast %and3A_200 : i32 to index
            %get3A_240 = arith.constant 208 : index
            %get3A_241 = tpu.vector_load %arg10[%get3A_239, %get3A_240] {strides = array<i32>} : memref<2x256xf32, #tpu.memory_space<vmem>>, vector<16xf32>,
            %get3A_242 = arith.index_cast %and3A_200 : i32 to index
            %get3A_243 = arith.constant 224 : index
            %get3A_244 = tpu.vector_load %arg10[%get3A_242, %get3A_243] {strides = array<i32>} : memref<2x256xf32, #tpu.memory_space<vmem>>, vector<16xf32>,
            %get3A_245 = arith.index_cast %and3A_200 : i32 to index
            %get3A_246 = arith.constant 240 : index
            %get3A_247 = tpu.vector_load %arg10[%get3A_245, %get3A_246] {strides = array<i32>} : memref<2x256xf32, #tpu.memory_space<vmem>>, vector<16xf32>,
            %scan3A_248 = arith.constant 0xFF800000 : f32
            %scan3A_249 = arith.constant 1.000000e+00 : f32
            %scan3A_250 = arith.constant 0 : i32
            %scan3A_251 = arith.constant 0 : i32
            %scan3A_252 = arith.constant 16 : i32
            %scan3A_253 = arith.addi %scan3A_251, %scan3A_252 : i32
            %scan3A_254 = arith.constant 1 : i32
            %scan3A_255:3 = scf.for %scan3A_497 = %scan3A_251 to %scan3A_253 step %scan3A_254 iter_args(%scan3A_498 = %scan3A_248, %scan3A_499 = %scan3A_249, %scan3A_500 = %scan3A_250) -> (f32, f32, i32)  : i32 {
              %mul3A_501 = arith.constant 4 : i32
              %mul3A_502 = arith.muli %scan3A_497, %mul3A_501 : i32
              %add3A_503 = arith.constant 0 : i32
              %add3A_504 = arith.addi %mul3A_502, %add3A_503 : i32
              %broadcast_in_dim3A_505 = arith.constant 0.000000e+00 : f32
              %broadcast_in_dim3A_506 = vector.broadcast %broadcast_in_dim3A_505 : f32 to vector<16xf32>
              %broadcast_in_dim3A_507 = arith.constant 0.000000e+00 : f32
              %broadcast_in_dim3A_508 = vector.broadcast %broadcast_in_dim3A_507 : f32 to vector<16xf32>
              %get3A_509 = arith.index_cast %and3A_85 : i32 to index
              %get3A_510 = arith.index_cast %add3A_504 : i32 to index
              %get3A_511 = arith.constant 0 : index
              %get3A_512 = tpu.vector_load %arg9[%get3A_509, %get3A_510, %get3A_511] {strides = array<i32>} : memref<2x64x256xf32, #tpu.memory_space<vmem>>, vector<16xf32>,
              %mul3A_513 = arith.mulf %get3A_512, %get3A_202 : vector<16xf32>
              %add3A_514 = arith.addf %broadcast_in_dim3A_506, %mul3A_513 : vector<16xf32>
              %mul3A_515 = arith.mulf %get3A_512, %get3A_512 : vector<16xf32>
              %add3A_516 = arith.addf %broadcast_in_dim3A_508, %mul3A_515 : vector<16xf32>
              %get3A_517 = arith.index_cast %and3A_85 : i32 to index
              %get3A_518 = arith.index_cast %add3A_504 : i32 to index
              %get3A_519 = arith.constant 16 : index
              %get3A_520 = tpu.vector_load %arg9[%get3A_517, %get3A_518, %get3A_519] {strides = array<i32>} : memref<2x64x256xf32, #tpu.memory_space<vmem>>, vector<16xf32>,
              %mul3A_521 = arith.mulf %get3A_520, %get3A_205 : vector<16xf32>
              %add3A_522 = arith.addf %add3A_514, %mul3A_521 : vector<16xf32>
              %mul3A_523 = arith.mulf %get3A_520, %get3A_520 : vector<16xf32>
              %add3A_524 = arith.addf %add3A_516, %mul3A_523 : vector<16xf32>
              %get3A_525 = arith.index_cast %and3A_85 : i32 to index
              %get3A_526 = arith.index_cast %add3A_504 : i32 to index
              %get3A_527 = arith.constant 32 : index
              %get3A_528 = tpu.vector_load %arg9[%get3A_525, %get3A_526, %get3A_527] {strides = array<i32>} : memref<2x64x256xf32, #tpu.memory_space<vmem>>, vector<16xf32>,
              %mul3A_529 = arith.mulf %get3A_528, %get3A_208 : vector<16xf32>
              %add3A_530 = arith.addf %add3A_522, %mul3A_529 : vector<16xf32>
              %mul3A_531 = arith.mulf %get3A_528, %get3A_528 : vector<16xf32>
              %add3A_532 = arith.addf %add3A_524, %mul3A_531 : vector<16xf32>
              %get3A_533 = arith.index_cast %and3A_85 : i32 to index
              %get3A_534 = arith.index_cast %add3A_504 : i32 to index
              %get3A_535 = arith.constant 48 : index
              %get3A_536 = tpu.vector_load %arg9[%get3A_533, %get3A_534, %get3A_535] {strides = array<i32>} : memref<2x64x256xf32, #tpu.memory_space<vmem>>, vector<16xf32>,
              %mul3A_537 = arith.mulf %get3A_536, %get3A_211 : vector<16xf32>
              %add3A_538 = arith.addf %add3A_530, %mul3A_537 : vector<16xf32>
              %mul3A_539 = arith.mulf %get3A_536, %get3A_536 : vector<16xf32>
              %add3A_540 = arith.addf %add3A_532, %mul3A_539 : vector<16xf32>
              %get3A_541 = arith.index_cast %and3A_85 : i32 to index
              %get3A_542 = arith.index_cast %add3A_504 : i32 to index
              %get3A_543 = arith.constant 64 : index
              %get3A_544 = tpu.vector_load %arg9[%get3A_541, %get3A_542, %get3A_543] {strides = array<i32>} : memref<2x64x256xf32, #tpu.memory_space<vmem>>, vector<16xf32>,
              %mul3A_545 = arith.mulf %get3A_544, %get3A_214 : vector<16xf32>
              %add3A_546 = arith.addf %add3A_538, %mul3A_545 : vector<16xf32>
              %mul3A_547 = arith.mulf %get3A_544, %get3A_544 : vector<16xf32>
              %add3A_548 = arith.addf %add3A_540, %mul3A_547 : vector<16xf32>
              %get3A_549 = arith.index_cast %and3A_85 : i32 to index
              %get3A_550 = arith.index_cast %add3A_504 : i32 to index
              %get3A_551 = arith.constant 80 : index
              %get3A_552 = tpu.vector_load %arg9[%get3A_549, %get3A_550, %get3A_551] {strides = array<i32>} : memref<2x64x256xf32, #tpu.memory_space<vmem>>, vector<16xf32>,
              %mul3A_553 = arith.mulf %get3A_552, %get3A_217 : vector<16xf32>
              %add3A_554 = arith.addf %add3A_546, %mul3A_553 : vector<16xf32>
              %mul3A_555 = arith.mulf %get3A_552, %get3A_552 : vector<16xf32>
              %add3A_556 = arith.addf %add3A_548, %mul3A_555 : vector<16xf32>
              %get3A_557 = arith.index_cast %and3A_85 : i32 to index
              %get3A_558 = arith.index_cast %add3A_504 : i32 to index
              %get3A_559 = arith.constant 96 : index
              %get3A_560 = tpu.vector_load %arg9[%get3A_557, %get3A_558, %get3A_559] {strides = array<i32>} : memref<2x64x256xf32, #tpu.memory_space<vmem>>, vector<16xf32>,
              %mul3A_561 = arith.mulf %get3A_560, %get3A_220 : vector<16xf32>
              %add3A_562 = arith.addf %add3A_554, %mul3A_561 : vector<16xf32>
              %mul3A_563 = arith.mulf %get3A_560, %get3A_560 : vector<16xf32>
              %add3A_564 = arith.addf %add3A_556, %mul3A_563 : vector<16xf32>
              %get3A_565 = arith.index_cast %and3A_85 : i32 to index
              %get3A_566 = arith.index_cast %add3A_504 : i32 to index
              %get3A_567 = arith.constant 112 : index
              %get3A_568 = tpu.vector_load %arg9[%get3A_565, %get3A_566, %get3A_567] {strides = array<i32>} : memref<2x64x256xf32, #tpu.memory_space<vmem>>, vector<16xf32>,
              %mul3A_569 = arith.mulf %get3A_568, %get3A_223 : vector<16xf32>
              %add3A_570 = arith.addf %add3A_562, %mul3A_569 : vector<16xf32>
              %mul3A_571 = arith.mulf %get3A_568, %get3A_568 : vector<16xf32>
              %add3A_572 = arith.addf %add3A_564, %mul3A_571 : vector<16xf32>
              %get3A_573 = arith.index_cast %and3A_85 : i32 to index
              %get3A_574 = arith.index_cast %add3A_504 : i32 to index
              %get3A_575 = arith.constant 128 : index
              %get3A_576 = tpu.vector_load %arg9[%get3A_573, %get3A_574, %get3A_575] {strides = array<i32>} : memref<2x64x256xf32, #tpu.memory_space<vmem>>, vector<16xf32>,
              %mul3A_577 = arith.mulf %get3A_576, %get3A_226 : vector<16xf32>
              %add3A_578 = arith.addf %add3A_570, %mul3A_577 : vector<16xf32>
              %mul3A_579 = arith.mulf %get3A_576, %get3A_576 : vector<16xf32>
              %add3A_580 = arith.addf %add3A_572, %mul3A_579 : vector<16xf32>
              %get3A_581 = arith.index_cast %and3A_85 : i32 to index
              %get3A_582 = arith.index_cast %add3A_504 : i32 to index
              %get3A_583 = arith.constant 144 : index
              %get3A_584 = tpu.vector_load %arg9[%get3A_581, %get3A_582, %get3A_583] {strides = array<i32>} : memref<2x64x256xf32, #tpu.memory_space<vmem>>, vector<16xf32>,
              %mul3A_585 = arith.mulf %get3A_584, %get3A_229 : vector<16xf32>
              %add3A_586 = arith.addf %add3A_578, %mul3A_585 : vector<16xf32>
              %mul3A_587 = arith.mulf %get3A_584, %get3A_584 : vector<16xf32>
              %add3A_588 = arith.addf %add3A_580, %mul3A_587 : vector<16xf32>
              %get3A_589 = arith.index_cast %and3A_85 : i32 to index
              %get3A_590 = arith.index_cast %add3A_504 : i32 to index
              %get3A_591 = arith.constant 160 : index
              %get3A_592 = tpu.vector_load %arg9[%get3A_589, %get3A_590, %get3A_591] {strides = array<i32>} : memref<2x64x256xf32, #tpu.memory_space<vmem>>, vector<16xf32>,
              %mul3A_593 = arith.mulf %get3A_592, %get3A_232 : vector<16xf32>
              %add3A_594 = arith.addf %add3A_586, %mul3A_593 : vector<16xf32>
              %mul3A_595 = arith.mulf %get3A_592, %get3A_592 : vector<16xf32>
              %add3A_596 = arith.addf %add3A_588, %mul3A_595 : vector<16xf32>
              %get3A_597 = arith.index_cast %and3A_85 : i32 to index
              %get3A_598 = arith.index_cast %add3A_504 : i32 to index
              %get3A_599 = arith.constant 176 : index
              %get3A_600 = tpu.vector_load %arg9[%get3A_597, %get3A_598, %get3A_599] {strides = array<i32>} : memref<2x64x256xf32, #tpu.memory_space<vmem>>, vector<16xf32>,
              %mul3A_601 = arith.mulf %get3A_600, %get3A_235 : vector<16xf32>
              %add3A_602 = arith.addf %add3A_594, %mul3A_601 : vector<16xf32>
              %mul3A_603 = arith.mulf %get3A_600, %get3A_600 : vector<16xf32>
              %add3A_604 = arith.addf %add3A_596, %mul3A_603 : vector<16xf32>
              %get3A_605 = arith.index_cast %and3A_85 : i32 to index
              %get3A_606 = arith.index_cast %add3A_504 : i32 to index
              %get3A_607 = arith.constant 192 : index
              %get3A_608 = tpu.vector_load %arg9[%get3A_605, %get3A_606, %get3A_607] {strides = array<i32>} : memref<2x64x256xf32, #tpu.memory_space<vmem>>, vector<16xf32>,
              %mul3A_609 = arith.mulf %get3A_608, %get3A_238 : vector<16xf32>
              %add3A_610 = arith.addf %add3A_602, %mul3A_609 : vector<16xf32>
              %mul3A_611 = arith.mulf %get3A_608, %get3A_608 : vector<16xf32>
              %add3A_612 = arith.addf %add3A_604, %mul3A_611 : vector<16xf32>
              %get3A_613 = arith.index_cast %and3A_85 : i32 to index
              %get3A_614 = arith.index_cast %add3A_504 : i32 to index
              %get3A_615 = arith.constant 208 : index
              %get3A_616 = tpu.vector_load %arg9[%get3A_613, %get3A_614, %get3A_615] {strides = array<i32>} : memref<2x64x256xf32, #tpu.memory_space<vmem>>, vector<16xf32>,
              %mul3A_617 = arith.mulf %get3A_616, %get3A_241 : vector<16xf32>
              %add3A_618 = arith.addf %add3A_610, %mul3A_617 : vector<16xf32>
              %mul3A_619 = arith.mulf %get3A_616, %get3A_616 : vector<16xf32>
              %add3A_620 = arith.addf %add3A_612, %mul3A_619 : vector<16xf32>
              %get3A_621 = arith.index_cast %and3A_85 : i32 to index
              %get3A_622 = arith.index_cast %add3A_504 : i32 to index
              %get3A_623 = arith.constant 224 : index
              %get3A_624 = tpu.vector_load %arg9[%get3A_621, %get3A_622, %get3A_623] {strides = array<i32>} : memref<2x64x256xf32, #tpu.memory_space<vmem>>, vector<16xf32>,
              %mul3A_625 = arith.mulf %get3A_624, %get3A_244 : vector<16xf32>
              %add3A_626 = arith.addf %add3A_618, %mul3A_625 : vector<16xf32>
              %mul3A_627 = arith.mulf %get3A_624, %get3A_624 : vector<16xf32>
              %add3A_628 = arith.addf %add3A_620, %mul3A_627 : vector<16xf32>
              %get3A_629 = arith.index_cast %and3A_85 : i32 to index
              %get3A_630 = arith.index_cast %add3A_504 : i32 to index
              %get3A_631 = arith.constant 240 : index
              %get3A_632 = tpu.vector_load %arg9[%get3A_629, %get3A_630, %get3A_631] {strides = array<i32>} : memref<2x64x256xf32, #tpu.memory_space<vmem>>, vector<16xf32>,
              %mul3A_633 = arith.mulf %get3A_632, %get3A_247 : vector<16xf32>
              %add3A_634 = arith.addf %add3A_626, %mul3A_633 : vector<16xf32>
              %mul3A_635 = arith.mulf %get3A_632, %get3A_632 : vector<16xf32>
              %add3A_636 = arith.addf %add3A_628, %mul3A_635 : vector<16xf32>
              %reduce_sum3A = arith.constant true
              %reduce_sum3A_637 = vector.broadcast %reduce_sum3A : i1 to vector<16xi1>
              %reduce_sum3A_638 = tpu.scan <sum>, %add3A_634 masked %reduce_sum3A_637 : vector<16xf32>, vector<16xi1> -> vector<16xf32>
              %reduce_sum3A_639 = vector.extract %reduce_sum3A_638[15] : f32 from vector<16xf32>
              %abs3A = math.absf %reduce_sum3A_639 : f32
              %mul3A_640 = arith.mulf %reduce_sum3A_639, %abs3A : f32
              %reduce_sum3A_641 = arith.constant true
              %reduce_sum3A_642 = vector.broadcast %reduce_sum3A_641 : i1 to vector<16xi1>
              %reduce_sum3A_643 = tpu.scan <sum>, %add3A_636 masked %reduce_sum3A_642 : vector<16xf32>, vector<16xi1> -> vector<16xf32>
              %reduce_sum3A_644 = vector.extract %reduce_sum3A_643[15] : f32 from vector<16xf32>
              %max3A = arith.constant 1.000000e-30 : f32
              %max3A_645 = arith.maximumf %reduce_sum3A_644, %max3A : f32
              %mul3A_646 = arith.mulf %mul3A_640, %scan3A_499 : f32
              %mul3A_647 = arith.mulf %scan3A_498, %max3A_645 : f32
              %gt3A_648 = arith.cmpf ogt, %mul3A_646, %mul3A_647 : f32
              %select_n3A = arith.select %gt3A_648, %mul3A_640, %scan3A_498 : f32
              %select_n3A_649 = arith.select %gt3A_648, %max3A_645, %scan3A_499 : f32
              %select_n3A_650 = arith.select %gt3A_648, %add3A_504, %scan3A_500 : i32
              %mul3A_651 = arith.constant 4 : i32
              %mul3A_652 = arith.muli %scan3A_497, %mul3A_651 : i32
              %add3A_653 = arith.constant 1 : i32
              %add3A_654 = arith.addi %mul3A_652, %add3A_653 : i32
              %broadcast_in_dim3A_655 = arith.constant 0.000000e+00 : f32
              %broadcast_in_dim3A_656 = vector.broadcast %broadcast_in_dim3A_655 : f32 to vector<16xf32>
              %broadcast_in_dim3A_657 = arith.constant 0.000000e+00 : f32
              %broadcast_in_dim3A_658 = vector.broadcast %broadcast_in_dim3A_657 : f32 to vector<16xf32>
              %get3A_659 = arith.index_cast %and3A_85 : i32 to index
              %get3A_660 = arith.index_cast %add3A_654 : i32 to index
              %get3A_661 = arith.constant 0 : index
              %get3A_662 = tpu.vector_load %arg9[%get3A_659, %get3A_660, %get3A_661] {strides = array<i32>} : memref<2x64x256xf32, #tpu.memory_space<vmem>>, vector<16xf32>,
              %mul3A_663 = arith.mulf %get3A_662, %get3A_202 : vector<16xf32>
              %add3A_664 = arith.addf %broadcast_in_dim3A_656, %mul3A_663 : vector<16xf32>
              %mul3A_665 = arith.mulf %get3A_662, %get3A_662 : vector<16xf32>
              %add3A_666 = arith.addf %broadcast_in_dim3A_658, %mul3A_665 : vector<16xf32>
              %get3A_667 = arith.index_cast %and3A_85 : i32 to index
              %get3A_668 = arith.index_cast %add3A_654 : i32 to index
              %get3A_669 = arith.constant 16 : index
              %get3A_670 = tpu.vector_load %arg9[%get3A_667, %get3A_668, %get3A_669] {strides = array<i32>} : memref<2x64x256xf32, #tpu.memory_space<vmem>>, vector<16xf32>,
              %mul3A_671 = arith.mulf %get3A_670, %get3A_205 : vector<16xf32>
              %add3A_672 = arith.addf %add3A_664, %mul3A_671 : vector<16xf32>
              %mul3A_673 = arith.mulf %get3A_670, %get3A_670 : vector<16xf32>
              %add3A_674 = arith.addf %add3A_666, %mul3A_673 : vector<16xf32>
              %get3A_675 = arith.index_cast %and3A_85 : i32 to index
              %get3A_676 = arith.index_cast %add3A_654 : i32 to index
              %get3A_677 = arith.constant 32 : index
              %get3A_678 = tpu.vector_load %arg9[%get3A_675, %get3A_676, %get3A_677] {strides = array<i32>} : memref<2x64x256xf32, #tpu.memory_space<vmem>>, vector<16xf32>,
              %mul3A_679 = arith.mulf %get3A_678, %get3A_208 : vector<16xf32>
              %add3A_680 = arith.addf %add3A_672, %mul3A_679 : vector<16xf32>
              %mul3A_681 = arith.mulf %get3A_678, %get3A_678 : vector<16xf32>
              %add3A_682 = arith.addf %add3A_674, %mul3A_681 : vector<16xf32>
              %get3A_683 = arith.index_cast %and3A_85 : i32 to index
              %get3A_684 = arith.index_cast %add3A_654 : i32 to index
              %get3A_685 = arith.constant 48 : index
              %get3A_686 = tpu.vector_load %arg9[%get3A_683, %get3A_684, %get3A_685] {strides = array<i32>} : memref<2x64x256xf32, #tpu.memory_space<vmem>>, vector<16xf32>,
              %mul3A_687 = arith.mulf %get3A_686, %get3A_211 : vector<16xf32>
              %add3A_688 = arith.addf %add3A_680, %mul3A_687 : vector<16xf32>
              %mul3A_689 = arith.mulf %get3A_686, %get3A_686 : vector<16xf32>
              %add3A_690 = arith.addf %add3A_682, %mul3A_689 : vector<16xf32>
              %get3A_691 = arith.index_cast %and3A_85 : i32 to index
              %get3A_692 = arith.index_cast %add3A_654 : i32 to index
              %get3A_693 = arith.constant 64 : index
              %get3A_694 = tpu.vector_load %arg9[%get3A_691, %get3A_692, %get3A_693] {strides = array<i32>} : memref<2x64x256xf32, #tpu.memory_space<vmem>>, vector<16xf32>,
              %mul3A_695 = arith.mulf %get3A_694, %get3A_214 : vector<16xf32>
              %add3A_696 = arith.addf %add3A_688, %mul3A_695 : vector<16xf32>
              %mul3A_697 = arith.mulf %get3A_694, %get3A_694 : vector<16xf32>
              %add3A_698 = arith.addf %add3A_690, %mul3A_697 : vector<16xf32>
              %get3A_699 = arith.index_cast %and3A_85 : i32 to index
              %get3A_700 = arith.index_cast %add3A_654 : i32 to index
              %get3A_701 = arith.constant 80 : index
              %get3A_702 = tpu.vector_load %arg9[%get3A_699, %get3A_700, %get3A_701] {strides = array<i32>} : memref<2x64x256xf32, #tpu.memory_space<vmem>>, vector<16xf32>,
              %mul3A_703 = arith.mulf %get3A_702, %get3A_217 : vector<16xf32>
              %add3A_704 = arith.addf %add3A_696, %mul3A_703 : vector<16xf32>
              %mul3A_705 = arith.mulf %get3A_702, %get3A_702 : vector<16xf32>
              %add3A_706 = arith.addf %add3A_698, %mul3A_705 : vector<16xf32>
              %get3A_707 = arith.index_cast %and3A_85 : i32 to index
              %get3A_708 = arith.index_cast %add3A_654 : i32 to index
              %get3A_709 = arith.constant 96 : index
              %get3A_710 = tpu.vector_load %arg9[%get3A_707, %get3A_708, %get3A_709] {strides = array<i32>} : memref<2x64x256xf32, #tpu.memory_space<vmem>>, vector<16xf32>,
              %mul3A_711 = arith.mulf %get3A_710, %get3A_220 : vector<16xf32>
              %add3A_712 = arith.addf %add3A_704, %mul3A_711 : vector<16xf32>
              %mul3A_713 = arith.mulf %get3A_710, %get3A_710 : vector<16xf32>
              %add3A_714 = arith.addf %add3A_706, %mul3A_713 : vector<16xf32>
              %get3A_715 = arith.index_cast %and3A_85 : i32 to index
              %get3A_716 = arith.index_cast %add3A_654 : i32 to index
              %get3A_717 = arith.constant 112 : index
              %get3A_718 = tpu.vector_load %arg9[%get3A_715, %get3A_716, %get3A_717] {strides = array<i32>} : memref<2x64x256xf32, #tpu.memory_space<vmem>>, vector<16xf32>,
              %mul3A_719 = arith.mulf %get3A_718, %get3A_223 : vector<16xf32>
              %add3A_720 = arith.addf %add3A_712, %mul3A_719 : vector<16xf32>
              %mul3A_721 = arith.mulf %get3A_718, %get3A_718 : vector<16xf32>
              %add3A_722 = arith.addf %add3A_714, %mul3A_721 : vector<16xf32>
              %get3A_723 = arith.index_cast %and3A_85 : i32 to index
              %get3A_724 = arith.index_cast %add3A_654 : i32 to index
              %get3A_725 = arith.constant 128 : index
              %get3A_726 = tpu.vector_load %arg9[%get3A_723, %get3A_724, %get3A_725] {strides = array<i32>} : memref<2x64x256xf32, #tpu.memory_space<vmem>>, vector<16xf32>,
              %mul3A_727 = arith.mulf %get3A_726, %get3A_226 : vector<16xf32>
              %add3A_728 = arith.addf %add3A_720, %mul3A_727 : vector<16xf32>
              %mul3A_729 = arith.mulf %get3A_726, %get3A_726 : vector<16xf32>
              %add3A_730 = arith.addf %add3A_722, %mul3A_729 : vector<16xf32>
              %get3A_731 = arith.index_cast %and3A_85 : i32 to index
              %get3A_732 = arith.index_cast %add3A_654 : i32 to index
              %get3A_733 = arith.constant 144 : index
              %get3A_734 = tpu.vector_load %arg9[%get3A_731, %get3A_732, %get3A_733] {strides = array<i32>} : memref<2x64x256xf32, #tpu.memory_space<vmem>>, vector<16xf32>,
              %mul3A_735 = arith.mulf %get3A_734, %get3A_229 : vector<16xf32>
              %add3A_736 = arith.addf %add3A_728, %mul3A_735 : vector<16xf32>
              %mul3A_737 = arith.mulf %get3A_734, %get3A_734 : vector<16xf32>
              %add3A_738 = arith.addf %add3A_730, %mul3A_737 : vector<16xf32>
              %get3A_739 = arith.index_cast %and3A_85 : i32 to index
              %get3A_740 = arith.index_cast %add3A_654 : i32 to index
              %get3A_741 = arith.constant 160 : index
              %get3A_742 = tpu.vector_load %arg9[%get3A_739, %get3A_740, %get3A_741] {strides = array<i32>} : memref<2x64x256xf32, #tpu.memory_space<vmem>>, vector<16xf32>,
              %mul3A_743 = arith.mulf %get3A_742, %get3A_232 : vector<16xf32>
              %add3A_744 = arith.addf %add3A_736, %mul3A_743 : vector<16xf32>
              %mul3A_745 = arith.mulf %get3A_742, %get3A_742 : vector<16xf32>
              %add3A_746 = arith.addf %add3A_738, %mul3A_745 : vector<16xf32>
              %get3A_747 = arith.index_cast %and3A_85 : i32 to index
              %get3A_748 = arith.index_cast %add3A_654 : i32 to index
              %get3A_749 = arith.constant 176 : index
              %get3A_750 = tpu.vector_load %arg9[%get3A_747, %get3A_748, %get3A_749] {strides = array<i32>} : memref<2x64x256xf32, #tpu.memory_space<vmem>>, vector<16xf32>,
              %mul3A_751 = arith.mulf %get3A_750, %get3A_235 : vector<16xf32>
              %add3A_752 = arith.addf %add3A_744, %mul3A_751 : vector<16xf32>
              %mul3A_753 = arith.mulf %get3A_750, %get3A_750 : vector<16xf32>
              %add3A_754 = arith.addf %add3A_746, %mul3A_753 : vector<16xf32>
              %get3A_755 = arith.index_cast %and3A_85 : i32 to index
              %get3A_756 = arith.index_cast %add3A_654 : i32 to index
              %get3A_757 = arith.constant 192 : index
              %get3A_758 = tpu.vector_load %arg9[%get3A_755, %get3A_756, %get3A_757] {strides = array<i32>} : memref<2x64x256xf32, #tpu.memory_space<vmem>>, vector<16xf32>,
              %mul3A_759 = arith.mulf %get3A_758, %get3A_238 : vector<16xf32>
              %add3A_760 = arith.addf %add3A_752, %mul3A_759 : vector<16xf32>
              %mul3A_761 = arith.mulf %get3A_758, %get3A_758 : vector<16xf32>
              %add3A_762 = arith.addf %add3A_754, %mul3A_761 : vector<16xf32>
              %get3A_763 = arith.index_cast %and3A_85 : i32 to index
              %get3A_764 = arith.index_cast %add3A_654 : i32 to index
              %get3A_765 = arith.constant 208 : index
              %get3A_766 = tpu.vector_load %arg9[%get3A_763, %get3A_764, %get3A_765] {strides = array<i32>} : memref<2x64x256xf32, #tpu.memory_space<vmem>>, vector<16xf32>,
              %mul3A_767 = arith.mulf %get3A_766, %get3A_241 : vector<16xf32>
              %add3A_768 = arith.addf %add3A_760, %mul3A_767 : vector<16xf32>
              %mul3A_769 = arith.mulf %get3A_766, %get3A_766 : vector<16xf32>
              %add3A_770 = arith.addf %add3A_762, %mul3A_769 : vector<16xf32>
              %get3A_771 = arith.index_cast %and3A_85 : i32 to index
              %get3A_772 = arith.index_cast %add3A_654 : i32 to index
              %get3A_773 = arith.constant 224 : index
              %get3A_774 = tpu.vector_load %arg9[%get3A_771, %get3A_772, %get3A_773] {strides = array<i32>} : memref<2x64x256xf32, #tpu.memory_space<vmem>>, vector<16xf32>,
              %mul3A_775 = arith.mulf %get3A_774, %get3A_244 : vector<16xf32>
              %add3A_776 = arith.addf %add3A_768, %mul3A_775 : vector<16xf32>
              %mul3A_777 = arith.mulf %get3A_774, %get3A_774 : vector<16xf32>
              %add3A_778 = arith.addf %add3A_770, %mul3A_777 : vector<16xf32>
              %get3A_779 = arith.index_cast %and3A_85 : i32 to index
              %get3A_780 = arith.index_cast %add3A_654 : i32 to index
              %get3A_781 = arith.constant 240 : index
              %get3A_782 = tpu.vector_load %arg9[%get3A_779, %get3A_780, %get3A_781] {strides = array<i32>} : memref<2x64x256xf32, #tpu.memory_space<vmem>>, vector<16xf32>,
              %mul3A_783 = arith.mulf %get3A_782, %get3A_247 : vector<16xf32>
              %add3A_784 = arith.addf %add3A_776, %mul3A_783 : vector<16xf32>
              %mul3A_785 = arith.mulf %get3A_782, %get3A_782 : vector<16xf32>
              %add3A_786 = arith.addf %add3A_778, %mul3A_785 : vector<16xf32>
              %reduce_sum3A_787 = arith.constant true
              %reduce_sum3A_788 = vector.broadcast %reduce_sum3A_787 : i1 to vector<16xi1>
              %reduce_sum3A_789 = tpu.scan <sum>, %add3A_784 masked %reduce_sum3A_788 : vector<16xf32>, vector<16xi1> -> vector<16xf32>
              %reduce_sum3A_790 = vector.extract %reduce_sum3A_789[15] : f32 from vector<16xf32>
              %abs3A_791 = math.absf %reduce_sum3A_790 : f32
              %mul3A_792 = arith.mulf %reduce_sum3A_790, %abs3A_791 : f32
              %reduce_sum3A_793 = arith.constant true
              %reduce_sum3A_794 = vector.broadcast %reduce_sum3A_793 : i1 to vector<16xi1>
              %reduce_sum3A_795 = tpu.scan <sum>, %add3A_786 masked %reduce_sum3A_794 : vector<16xf32>, vector<16xi1> -> vector<16xf32>
              %reduce_sum3A_796 = vector.extract %reduce_sum3A_795[15] : f32 from vector<16xf32>
              %max3A_797 = arith.constant 1.000000e-30 : f32
              %max3A_798 = arith.maximumf %reduce_sum3A_796, %max3A_797 : f32
              %mul3A_799 = arith.mulf %mul3A_792, %select_n3A_649 : f32
              %mul3A_800 = arith.mulf %select_n3A, %max3A_798 : f32
              %gt3A_801 = arith.cmpf ogt, %mul3A_799, %mul3A_800 : f32
              %select_n3A_802 = arith.select %gt3A_801, %mul3A_792, %select_n3A : f32
              %select_n3A_803 = arith.select %gt3A_801, %max3A_798, %select_n3A_649 : f32
              %select_n3A_804 = arith.select %gt3A_801, %add3A_654, %select_n3A_650 : i32
              %mul3A_805 = arith.constant 4 : i32
              %mul3A_806 = arith.muli %scan3A_497, %mul3A_805 : i32
              %add3A_807 = arith.constant 2 : i32
              %add3A_808 = arith.addi %mul3A_806, %add3A_807 : i32
              %broadcast_in_dim3A_809 = arith.constant 0.000000e+00 : f32
              %broadcast_in_dim3A_810 = vector.broadcast %broadcast_in_dim3A_809 : f32 to vector<16xf32>
              %broadcast_in_dim3A_811 = arith.constant 0.000000e+00 : f32
              %broadcast_in_dim3A_812 = vector.broadcast %broadcast_in_dim3A_811 : f32 to vector<16xf32>
              %get3A_813 = arith.index_cast %and3A_85 : i32 to index
              %get3A_814 = arith.index_cast %add3A_808 : i32 to index
              %get3A_815 = arith.constant 0 : index
              %get3A_816 = tpu.vector_load %arg9[%get3A_813, %get3A_814, %get3A_815] {strides = array<i32>} : memref<2x64x256xf32, #tpu.memory_space<vmem>>, vector<16xf32>,
              %mul3A_817 = arith.mulf %get3A_816, %get3A_202 : vector<16xf32>
              %add3A_818 = arith.addf %broadcast_in_dim3A_810, %mul3A_817 : vector<16xf32>
              %mul3A_819 = arith.mulf %get3A_816, %get3A_816 : vector<16xf32>
              %add3A_820 = arith.addf %broadcast_in_dim3A_812, %mul3A_819 : vector<16xf32>
              %get3A_821 = arith.index_cast %and3A_85 : i32 to index
              %get3A_822 = arith.index_cast %add3A_808 : i32 to index
              %get3A_823 = arith.constant 16 : index
              %get3A_824 = tpu.vector_load %arg9[%get3A_821, %get3A_822, %get3A_823] {strides = array<i32>} : memref<2x64x256xf32, #tpu.memory_space<vmem>>, vector<16xf32>,
              %mul3A_825 = arith.mulf %get3A_824, %get3A_205 : vector<16xf32>
              %add3A_826 = arith.addf %add3A_818, %mul3A_825 : vector<16xf32>
              %mul3A_827 = arith.mulf %get3A_824, %get3A_824 : vector<16xf32>
              %add3A_828 = arith.addf %add3A_820, %mul3A_827 : vector<16xf32>
              %get3A_829 = arith.index_cast %and3A_85 : i32 to index
              %get3A_830 = arith.index_cast %add3A_808 : i32 to index
              %get3A_831 = arith.constant 32 : index
              %get3A_832 = tpu.vector_load %arg9[%get3A_829, %get3A_830, %get3A_831] {strides = array<i32>} : memref<2x64x256xf32, #tpu.memory_space<vmem>>, vector<16xf32>,
              %mul3A_833 = arith.mulf %get3A_832, %get3A_208 : vector<16xf32>
              %add3A_834 = arith.addf %add3A_826, %mul3A_833 : vector<16xf32>
              %mul3A_835 = arith.mulf %get3A_832, %get3A_832 : vector<16xf32>
              %add3A_836 = arith.addf %add3A_828, %mul3A_835 : vector<16xf32>
              %get3A_837 = arith.index_cast %and3A_85 : i32 to index
              %get3A_838 = arith.index_cast %add3A_808 : i32 to index
              %get3A_839 = arith.constant 48 : index
              %get3A_840 = tpu.vector_load %arg9[%get3A_837, %get3A_838, %get3A_839] {strides = array<i32>} : memref<2x64x256xf32, #tpu.memory_space<vmem>>, vector<16xf32>,
              %mul3A_841 = arith.mulf %get3A_840, %get3A_211 : vector<16xf32>
              %add3A_842 = arith.addf %add3A_834, %mul3A_841 : vector<16xf32>
              %mul3A_843 = arith.mulf %get3A_840, %get3A_840 : vector<16xf32>
              %add3A_844 = arith.addf %add3A_836, %mul3A_843 : vector<16xf32>
              %get3A_845 = arith.index_cast %and3A_85 : i32 to index
              %get3A_846 = arith.index_cast %add3A_808 : i32 to index
              %get3A_847 = arith.constant 64 : index
              %get3A_848 = tpu.vector_load %arg9[%get3A_845, %get3A_846, %get3A_847] {strides = array<i32>} : memref<2x64x256xf32, #tpu.memory_space<vmem>>, vector<16xf32>,
              %mul3A_849 = arith.mulf %get3A_848, %get3A_214 : vector<16xf32>
              %add3A_850 = arith.addf %add3A_842, %mul3A_849 : vector<16xf32>
              %mul3A_851 = arith.mulf %get3A_848, %get3A_848 : vector<16xf32>
              %add3A_852 = arith.addf %add3A_844, %mul3A_851 : vector<16xf32>
              %get3A_853 = arith.index_cast %and3A_85 : i32 to index
              %get3A_854 = arith.index_cast %add3A_808 : i32 to index
              %get3A_855 = arith.constant 80 : index
              %get3A_856 = tpu.vector_load %arg9[%get3A_853, %get3A_854, %get3A_855] {strides = array<i32>} : memref<2x64x256xf32, #tpu.memory_space<vmem>>, vector<16xf32>,
              %mul3A_857 = arith.mulf %get3A_856, %get3A_217 : vector<16xf32>
              %add3A_858 = arith.addf %add3A_850, %mul3A_857 : vector<16xf32>
              %mul3A_859 = arith.mulf %get3A_856, %get3A_856 : vector<16xf32>
              %add3A_860 = arith.addf %add3A_852, %mul3A_859 : vector<16xf32>
              %get3A_861 = arith.index_cast %and3A_85 : i32 to index
              %get3A_862 = arith.index_cast %add3A_808 : i32 to index
              %get3A_863 = arith.constant 96 : index
              %get3A_864 = tpu.vector_load %arg9[%get3A_861, %get3A_862, %get3A_863] {strides = array<i32>} : memref<2x64x256xf32, #tpu.memory_space<vmem>>, vector<16xf32>,
              %mul3A_865 = arith.mulf %get3A_864, %get3A_220 : vector<16xf32>
              %add3A_866 = arith.addf %add3A_858, %mul3A_865 : vector<16xf32>
              %mul3A_867 = arith.mulf %get3A_864, %get3A_864 : vector<16xf32>
              %add3A_868 = arith.addf %add3A_860, %mul3A_867 : vector<16xf32>
              %get3A_869 = arith.index_cast %and3A_85 : i32 to index
              %get3A_870 = arith.index_cast %add3A_808 : i32 to index
              %get3A_871 = arith.constant 112 : index
              %get3A_872 = tpu.vector_load %arg9[%get3A_869, %get3A_870, %get3A_871] {strides = array<i32>} : memref<2x64x256xf32, #tpu.memory_space<vmem>>, vector<16xf32>,
              %mul3A_873 = arith.mulf %get3A_872, %get3A_223 : vector<16xf32>
              %add3A_874 = arith.addf %add3A_866, %mul3A_873 : vector<16xf32>
              %mul3A_875 = arith.mulf %get3A_872, %get3A_872 : vector<16xf32>
              %add3A_876 = arith.addf %add3A_868, %mul3A_875 : vector<16xf32>
              %get3A_877 = arith.index_cast %and3A_85 : i32 to index
              %get3A_878 = arith.index_cast %add3A_808 : i32 to index
              %get3A_879 = arith.constant 128 : index
              %get3A_880 = tpu.vector_load %arg9[%get3A_877, %get3A_878, %get3A_879] {strides = array<i32>} : memref<2x64x256xf32, #tpu.memory_space<vmem>>, vector<16xf32>,
              %mul3A_881 = arith.mulf %get3A_880, %get3A_226 : vector<16xf32>
              %add3A_882 = arith.addf %add3A_874, %mul3A_881 : vector<16xf32>
              %mul3A_883 = arith.mulf %get3A_880, %get3A_880 : vector<16xf32>
              %add3A_884 = arith.addf %add3A_876, %mul3A_883 : vector<16xf32>
              %get3A_885 = arith.index_cast %and3A_85 : i32 to index
              %get3A_886 = arith.index_cast %add3A_808 : i32 to index
              %get3A_887 = arith.constant 144 : index
              %get3A_888 = tpu.vector_load %arg9[%get3A_885, %get3A_886, %get3A_887] {strides = array<i32>} : memref<2x64x256xf32, #tpu.memory_space<vmem>>, vector<16xf32>,
              %mul3A_889 = arith.mulf %get3A_888, %get3A_229 : vector<16xf32>
              %add3A_890 = arith.addf %add3A_882, %mul3A_889 : vector<16xf32>
              %mul3A_891 = arith.mulf %get3A_888, %get3A_888 : vector<16xf32>
              %add3A_892 = arith.addf %add3A_884, %mul3A_891 : vector<16xf32>
              %get3A_893 = arith.index_cast %and3A_85 : i32 to index
              %get3A_894 = arith.index_cast %add3A_808 : i32 to index
              %get3A_895 = arith.constant 160 : index
              %get3A_896 = tpu.vector_load %arg9[%get3A_893, %get3A_894, %get3A_895] {strides = array<i32>} : memref<2x64x256xf32, #tpu.memory_space<vmem>>, vector<16xf32>,
              %mul3A_897 = arith.mulf %get3A_896, %get3A_232 : vector<16xf32>
              %add3A_898 = arith.addf %add3A_890, %mul3A_897 : vector<16xf32>
              %mul3A_899 = arith.mulf %get3A_896, %get3A_896 : vector<16xf32>
              %add3A_900 = arith.addf %add3A_892, %mul3A_899 : vector<16xf32>
              %get3A_901 = arith.index_cast %and3A_85 : i32 to index
              %get3A_902 = arith.index_cast %add3A_808 : i32 to index
              %get3A_903 = arith.constant 176 : index
              %get3A_904 = tpu.vector_load %arg9[%get3A_901, %get3A_902, %get3A_903] {strides = array<i32>} : memref<2x64x256xf32, #tpu.memory_space<vmem>>, vector<16xf32>,
              %mul3A_905 = arith.mulf %get3A_904, %get3A_235 : vector<16xf32>
              %add3A_906 = arith.addf %add3A_898, %mul3A_905 : vector<16xf32>
              %mul3A_907 = arith.mulf %get3A_904, %get3A_904 : vector<16xf32>
              %add3A_908 = arith.addf %add3A_900, %mul3A_907 : vector<16xf32>
              %get3A_909 = arith.index_cast %and3A_85 : i32 to index
              %get3A_910 = arith.index_cast %add3A_808 : i32 to index
              %get3A_911 = arith.constant 192 : index
              %get3A_912 = tpu.vector_load %arg9[%get3A_909, %get3A_910, %get3A_911] {strides = array<i32>} : memref<2x64x256xf32, #tpu.memory_space<vmem>>, vector<16xf32>,
              %mul3A_913 = arith.mulf %get3A_912, %get3A_238 : vector<16xf32>
              %add3A_914 = arith.addf %add3A_906, %mul3A_913 : vector<16xf32>
              %mul3A_915 = arith.mulf %get3A_912, %get3A_912 : vector<16xf32>
              %add3A_916 = arith.addf %add3A_908, %mul3A_915 : vector<16xf32>
              %get3A_917 = arith.index_cast %and3A_85 : i32 to index
              %get3A_918 = arith.index_cast %add3A_808 : i32 to index
              %get3A_919 = arith.constant 208 : index
              %get3A_920 = tpu.vector_load %arg9[%get3A_917, %get3A_918, %get3A_919] {strides = array<i32>} : memref<2x64x256xf32, #tpu.memory_space<vmem>>, vector<16xf32>,
              %mul3A_921 = arith.mulf %get3A_920, %get3A_241 : vector<16xf32>
              %add3A_922 = arith.addf %add3A_914, %mul3A_921 : vector<16xf32>
              %mul3A_923 = arith.mulf %get3A_920, %get3A_920 : vector<16xf32>
              %add3A_924 = arith.addf %add3A_916, %mul3A_923 : vector<16xf32>
              %get3A_925 = arith.index_cast %and3A_85 : i32 to index
              %get3A_926 = arith.index_cast %add3A_808 : i32 to index
              %get3A_927 = arith.constant 224 : index
              %get3A_928 = tpu.vector_load %arg9[%get3A_925, %get3A_926, %get3A_927] {strides = array<i32>} : memref<2x64x256xf32, #tpu.memory_space<vmem>>, vector<16xf32>,
              %mul3A_929 = arith.mulf %get3A_928, %get3A_244 : vector<16xf32>
              %add3A_930 = arith.addf %add3A_922, %mul3A_929 : vector<16xf32>
              %mul3A_931 = arith.mulf %get3A_928, %get3A_928 : vector<16xf32>
              %add3A_932 = arith.addf %add3A_924, %mul3A_931 : vector<16xf32>
              %get3A_933 = arith.index_cast %and3A_85 : i32 to index
              %get3A_934 = arith.index_cast %add3A_808 : i32 to index
              %get3A_935 = arith.constant 240 : index
              %get3A_936 = tpu.vector_load %arg9[%get3A_933, %get3A_934, %get3A_935] {strides = array<i32>} : memref<2x64x256xf32, #tpu.memory_space<vmem>>, vector<16xf32>,
              %mul3A_937 = arith.mulf %get3A_936, %get3A_247 : vector<16xf32>
              %add3A_938 = arith.addf %add3A_930, %mul3A_937 : vector<16xf32>
              %mul3A_939 = arith.mulf %get3A_936, %get3A_936 : vector<16xf32>
              %add3A_940 = arith.addf %add3A_932, %mul3A_939 : vector<16xf32>
              %reduce_sum3A_941 = arith.constant true
              %reduce_sum3A_942 = vector.broadcast %reduce_sum3A_941 : i1 to vector<16xi1>
              %reduce_sum3A_943 = tpu.scan <sum>, %add3A_938 masked %reduce_sum3A_942 : vector<16xf32>, vector<16xi1> -> vector<16xf32>
              %reduce_sum3A_944 = vector.extract %reduce_sum3A_943[15] : f32 from vector<16xf32>
              %abs3A_945 = math.absf %reduce_sum3A_944 : f32
              %mul3A_946 = arith.mulf %reduce_sum3A_944, %abs3A_945 : f32
              %reduce_sum3A_947 = arith.constant true
              %reduce_sum3A_948 = vector.broadcast %reduce_sum3A_947 : i1 to vector<16xi1>
              %reduce_sum3A_949 = tpu.scan <sum>, %add3A_940 masked %reduce_sum3A_948 : vector<16xf32>, vector<16xi1> -> vector<16xf32>
              %reduce_sum3A_950 = vector.extract %reduce_sum3A_949[15] : f32 from vector<16xf32>
              %max3A_951 = arith.constant 1.000000e-30 : f32
              %max3A_952 = arith.maximumf %reduce_sum3A_950, %max3A_951 : f32
              %mul3A_953 = arith.mulf %mul3A_946, %select_n3A_803 : f32
              %mul3A_954 = arith.mulf %select_n3A_802, %max3A_952 : f32
              %gt3A_955 = arith.cmpf ogt, %mul3A_953, %mul3A_954 : f32
              %select_n3A_956 = arith.select %gt3A_955, %mul3A_946, %select_n3A_802 : f32
              %select_n3A_957 = arith.select %gt3A_955, %max3A_952, %select_n3A_803 : f32
              %select_n3A_958 = arith.select %gt3A_955, %add3A_808, %select_n3A_804 : i32
              %mul3A_959 = arith.constant 4 : i32
              %mul3A_960 = arith.muli %scan3A_497, %mul3A_959 : i32
              %add3A_961 = arith.constant 3 : i32
              %add3A_962 = arith.addi %mul3A_960, %add3A_961 : i32
              %broadcast_in_dim3A_963 = arith.constant 0.000000e+00 : f32
              %broadcast_in_dim3A_964 = vector.broadcast %broadcast_in_dim3A_963 : f32 to vector<16xf32>
              %broadcast_in_dim3A_965 = arith.constant 0.000000e+00 : f32
              %broadcast_in_dim3A_966 = vector.broadcast %broadcast_in_dim3A_965 : f32 to vector<16xf32>
              %get3A_967 = arith.index_cast %and3A_85 : i32 to index
              %get3A_968 = arith.index_cast %add3A_962 : i32 to index
              %get3A_969 = arith.constant 0 : index
              %get3A_970 = tpu.vector_load %arg9[%get3A_967, %get3A_968, %get3A_969] {strides = array<i32>} : memref<2x64x256xf32, #tpu.memory_space<vmem>>, vector<16xf32>,
              %mul3A_971 = arith.mulf %get3A_970, %get3A_202 : vector<16xf32>
              %add3A_972 = arith.addf %broadcast_in_dim3A_964, %mul3A_971 : vector<16xf32>
              %mul3A_973 = arith.mulf %get3A_970, %get3A_970 : vector<16xf32>
              %add3A_974 = arith.addf %broadcast_in_dim3A_966, %mul3A_973 : vector<16xf32>
              %get3A_975 = arith.index_cast %and3A_85 : i32 to index
              %get3A_976 = arith.index_cast %add3A_962 : i32 to index
              %get3A_977 = arith.constant 16 : index
              %get3A_978 = tpu.vector_load %arg9[%get3A_975, %get3A_976, %get3A_977] {strides = array<i32>} : memref<2x64x256xf32, #tpu.memory_space<vmem>>, vector<16xf32>,
              %mul3A_979 = arith.mulf %get3A_978, %get3A_205 : vector<16xf32>
              %add3A_980 = arith.addf %add3A_972, %mul3A_979 : vector<16xf32>
              %mul3A_981 = arith.mulf %get3A_978, %get3A_978 : vector<16xf32>
              %add3A_982 = arith.addf %add3A_974, %mul3A_981 : vector<16xf32>
              %get3A_983 = arith.index_cast %and3A_85 : i32 to index
              %get3A_984 = arith.index_cast %add3A_962 : i32 to index
              %get3A_985 = arith.constant 32 : index
              %get3A_986 = tpu.vector_load %arg9[%get3A_983, %get3A_984, %get3A_985] {strides = array<i32>} : memref<2x64x256xf32, #tpu.memory_space<vmem>>, vector<16xf32>,
              %mul3A_987 = arith.mulf %get3A_986, %get3A_208 : vector<16xf32>
              %add3A_988 = arith.addf %add3A_980, %mul3A_987 : vector<16xf32>
              %mul3A_989 = arith.mulf %get3A_986, %get3A_986 : vector<16xf32>
              %add3A_990 = arith.addf %add3A_982, %mul3A_989 : vector<16xf32>
              %get3A_991 = arith.index_cast %and3A_85 : i32 to index
              %get3A_992 = arith.index_cast %add3A_962 : i32 to index
              %get3A_993 = arith.constant 48 : index
              %get3A_994 = tpu.vector_load %arg9[%get3A_991, %get3A_992, %get3A_993] {strides = array<i32>} : memref<2x64x256xf32, #tpu.memory_space<vmem>>, vector<16xf32>,
              %mul3A_995 = arith.mulf %get3A_994, %get3A_211 : vector<16xf32>
              %add3A_996 = arith.addf %add3A_988, %mul3A_995 : vector<16xf32>
              %mul3A_997 = arith.mulf %get3A_994, %get3A_994 : vector<16xf32>
              %add3A_998 = arith.addf %add3A_990, %mul3A_997 : vector<16xf32>
              %get3A_999 = arith.index_cast %and3A_85 : i32 to index
              %get3A_1000 = arith.index_cast %add3A_962 : i32 to index
              %get3A_1001 = arith.constant 64 : index
              %get3A_1002 = tpu.vector_load %arg9[%get3A_999, %get3A_1000, %get3A_1001] {strides = array<i32>} : memref<2x64x256xf32, #tpu.memory_space<vmem>>, vector<16xf32>,
              %mul3A_1003 = arith.mulf %get3A_1002, %get3A_214 : vector<16xf32>
              %add3A_1004 = arith.addf %add3A_996, %mul3A_1003 : vector<16xf32>
              %mul3A_1005 = arith.mulf %get3A_1002, %get3A_1002 : vector<16xf32>
              %add3A_1006 = arith.addf %add3A_998, %mul3A_1005 : vector<16xf32>
              %get3A_1007 = arith.index_cast %and3A_85 : i32 to index
              %get3A_1008 = arith.index_cast %add3A_962 : i32 to index
              %get3A_1009 = arith.constant 80 : index
              %get3A_1010 = tpu.vector_load %arg9[%get3A_1007, %get3A_1008, %get3A_1009] {strides = array<i32>} : memref<2x64x256xf32, #tpu.memory_space<vmem>>, vector<16xf32>,
              %mul3A_1011 = arith.mulf %get3A_1010, %get3A_217 : vector<16xf32>
              %add3A_1012 = arith.addf %add3A_1004, %mul3A_1011 : vector<16xf32>
              %mul3A_1013 = arith.mulf %get3A_1010, %get3A_1010 : vector<16xf32>
              %add3A_1014 = arith.addf %add3A_1006, %mul3A_1013 : vector<16xf32>
              %get3A_1015 = arith.index_cast %and3A_85 : i32 to index
              %get3A_1016 = arith.index_cast %add3A_962 : i32 to index
              %get3A_1017 = arith.constant 96 : index
              %get3A_1018 = tpu.vector_load %arg9[%get3A_1015, %get3A_1016, %get3A_1017] {strides = array<i32>} : memref<2x64x256xf32, #tpu.memory_space<vmem>>, vector<16xf32>,
              %mul3A_1019 = arith.mulf %get3A_1018, %get3A_220 : vector<16xf32>
              %add3A_1020 = arith.addf %add3A_1012, %mul3A_1019 : vector<16xf32>
              %mul3A_1021 = arith.mulf %get3A_1018, %get3A_1018 : vector<16xf32>
              %add3A_1022 = arith.addf %add3A_1014, %mul3A_1021 : vector<16xf32>
              %get3A_1023 = arith.index_cast %and3A_85 : i32 to index
              %get3A_1024 = arith.index_cast %add3A_962 : i32 to index
              %get3A_1025 = arith.constant 112 : index
              %get3A_1026 = tpu.vector_load %arg9[%get3A_1023, %get3A_1024, %get3A_1025] {strides = array<i32>} : memref<2x64x256xf32, #tpu.memory_space<vmem>>, vector<16xf32>,
              %mul3A_1027 = arith.mulf %get3A_1026, %get3A_223 : vector<16xf32>
              %add3A_1028 = arith.addf %add3A_1020, %mul3A_1027 : vector<16xf32>
              %mul3A_1029 = arith.mulf %get3A_1026, %get3A_1026 : vector<16xf32>
              %add3A_1030 = arith.addf %add3A_1022, %mul3A_1029 : vector<16xf32>
              %get3A_1031 = arith.index_cast %and3A_85 : i32 to index
              %get3A_1032 = arith.index_cast %add3A_962 : i32 to index
              %get3A_1033 = arith.constant 128 : index
              %get3A_1034 = tpu.vector_load %arg9[%get3A_1031, %get3A_1032, %get3A_1033] {strides = array<i32>} : memref<2x64x256xf32, #tpu.memory_space<vmem>>, vector<16xf32>,
              %mul3A_1035 = arith.mulf %get3A_1034, %get3A_226 : vector<16xf32>
              %add3A_1036 = arith.addf %add3A_1028, %mul3A_1035 : vector<16xf32>
              %mul3A_1037 = arith.mulf %get3A_1034, %get3A_1034 : vector<16xf32>
              %add3A_1038 = arith.addf %add3A_1030, %mul3A_1037 : vector<16xf32>
              %get3A_1039 = arith.index_cast %and3A_85 : i32 to index
              %get3A_1040 = arith.index_cast %add3A_962 : i32 to index
              %get3A_1041 = arith.constant 144 : index
              %get3A_1042 = tpu.vector_load %arg9[%get3A_1039, %get3A_1040, %get3A_1041] {strides = array<i32>} : memref<2x64x256xf32, #tpu.memory_space<vmem>>, vector<16xf32>,
              %mul3A_1043 = arith.mulf %get3A_1042, %get3A_229 : vector<16xf32>
              %add3A_1044 = arith.addf %add3A_1036, %mul3A_1043 : vector<16xf32>
              %mul3A_1045 = arith.mulf %get3A_1042, %get3A_1042 : vector<16xf32>
              %add3A_1046 = arith.addf %add3A_1038, %mul3A_1045 : vector<16xf32>
              %get3A_1047 = arith.index_cast %and3A_85 : i32 to index
              %get3A_1048 = arith.index_cast %add3A_962 : i32 to index
              %get3A_1049 = arith.constant 160 : index
              %get3A_1050 = tpu.vector_load %arg9[%get3A_1047, %get3A_1048, %get3A_1049] {strides = array<i32>} : memref<2x64x256xf32, #tpu.memory_space<vmem>>, vector<16xf32>,
              %mul3A_1051 = arith.mulf %get3A_1050, %get3A_232 : vector<16xf32>
              %add3A_1052 = arith.addf %add3A_1044, %mul3A_1051 : vector<16xf32>
              %mul3A_1053 = arith.mulf %get3A_1050, %get3A_1050 : vector<16xf32>
              %add3A_1054 = arith.addf %add3A_1046, %mul3A_1053 : vector<16xf32>
              %get3A_1055 = arith.index_cast %and3A_85 : i32 to index
              %get3A_1056 = arith.index_cast %add3A_962 : i32 to index
              %get3A_1057 = arith.constant 176 : index
              %get3A_1058 = tpu.vector_load %arg9[%get3A_1055, %get3A_1056, %get3A_1057] {strides = array<i32>} : memref<2x64x256xf32, #tpu.memory_space<vmem>>, vector<16xf32>,
              %mul3A_1059 = arith.mulf %get3A_1058, %get3A_235 : vector<16xf32>
              %add3A_1060 = arith.addf %add3A_1052, %mul3A_1059 : vector<16xf32>
              %mul3A_1061 = arith.mulf %get3A_1058, %get3A_1058 : vector<16xf32>
              %add3A_1062 = arith.addf %add3A_1054, %mul3A_1061 : vector<16xf32>
              %get3A_1063 = arith.index_cast %and3A_85 : i32 to index
              %get3A_1064 = arith.index_cast %add3A_962 : i32 to index
              %get3A_1065 = arith.constant 192 : index
              %get3A_1066 = tpu.vector_load %arg9[%get3A_1063, %get3A_1064, %get3A_1065] {strides = array<i32>} : memref<2x64x256xf32, #tpu.memory_space<vmem>>, vector<16xf32>,
              %mul3A_1067 = arith.mulf %get3A_1066, %get3A_238 : vector<16xf32>
              %add3A_1068 = arith.addf %add3A_1060, %mul3A_1067 : vector<16xf32>
              %mul3A_1069 = arith.mulf %get3A_1066, %get3A_1066 : vector<16xf32>
              %add3A_1070 = arith.addf %add3A_1062, %mul3A_1069 : vector<16xf32>
              %get3A_1071 = arith.index_cast %and3A_85 : i32 to index
              %get3A_1072 = arith.index_cast %add3A_962 : i32 to index
              %get3A_1073 = arith.constant 208 : index
              %get3A_1074 = tpu.vector_load %arg9[%get3A_1071, %get3A_1072, %get3A_1073] {strides = array<i32>} : memref<2x64x256xf32, #tpu.memory_space<vmem>>, vector<16xf32>,
              %mul3A_1075 = arith.mulf %get3A_1074, %get3A_241 : vector<16xf32>
              %add3A_1076 = arith.addf %add3A_1068, %mul3A_1075 : vector<16xf32>
              %mul3A_1077 = arith.mulf %get3A_1074, %get3A_1074 : vector<16xf32>
              %add3A_1078 = arith.addf %add3A_1070, %mul3A_1077 : vector<16xf32>
              %get3A_1079 = arith.index_cast %and3A_85 : i32 to index
              %get3A_1080 = arith.index_cast %add3A_962 : i32 to index
              %get3A_1081 = arith.constant 224 : index
              %get3A_1082 = tpu.vector_load %arg9[%get3A_1079, %get3A_1080, %get3A_1081] {strides = array<i32>} : memref<2x64x256xf32, #tpu.memory_space<vmem>>, vector<16xf32>,
              %mul3A_1083 = arith.mulf %get3A_1082, %get3A_244 : vector<16xf32>
              %add3A_1084 = arith.addf %add3A_1076, %mul3A_1083 : vector<16xf32>
              %mul3A_1085 = arith.mulf %get3A_1082, %get3A_1082 : vector<16xf32>
              %add3A_1086 = arith.addf %add3A_1078, %mul3A_1085 : vector<16xf32>
              %get3A_1087 = arith.index_cast %and3A_85 : i32 to index
              %get3A_1088 = arith.index_cast %add3A_962 : i32 to index
              %get3A_1089 = arith.constant 240 : index
              %get3A_1090 = tpu.vector_load %arg9[%get3A_1087, %get3A_1088, %get3A_1089] {strides = array<i32>} : memref<2x64x256xf32, #tpu.memory_space<vmem>>, vector<16xf32>,
              %mul3A_1091 = arith.mulf %get3A_1090, %get3A_247 : vector<16xf32>
              %add3A_1092 = arith.addf %add3A_1084, %mul3A_1091 : vector<16xf32>
              %mul3A_1093 = arith.mulf %get3A_1090, %get3A_1090 : vector<16xf32>
              %add3A_1094 = arith.addf %add3A_1086, %mul3A_1093 : vector<16xf32>
              %reduce_sum3A_1095 = arith.constant true
              %reduce_sum3A_1096 = vector.broadcast %reduce_sum3A_1095 : i1 to vector<16xi1>
              %reduce_sum3A_1097 = tpu.scan <sum>, %add3A_1092 masked %reduce_sum3A_1096 : vector<16xf32>, vector<16xi1> -> vector<16xf32>
              %reduce_sum3A_1098 = vector.extract %reduce_sum3A_1097[15] : f32 from vector<16xf32>
              %abs3A_1099 = math.absf %reduce_sum3A_1098 : f32
              %mul3A_1100 = arith.mulf %reduce_sum3A_1098, %abs3A_1099 : f32
              %reduce_sum3A_1101 = arith.constant true
              %reduce_sum3A_1102 = vector.broadcast %reduce_sum3A_1101 : i1 to vector<16xi1>
              %reduce_sum3A_1103 = tpu.scan <sum>, %add3A_1094 masked %reduce_sum3A_1102 : vector<16xf32>, vector<16xi1> -> vector<16xf32>
              %reduce_sum3A_1104 = vector.extract %reduce_sum3A_1103[15] : f32 from vector<16xf32>
              %max3A_1105 = arith.constant 1.000000e-30 : f32
              %max3A_1106 = arith.maximumf %reduce_sum3A_1104, %max3A_1105 : f32
              %mul3A_1107 = arith.mulf %mul3A_1100, %select_n3A_957 : f32
              %mul3A_1108 = arith.mulf %select_n3A_956, %max3A_1106 : f32
              %gt3A_1109 = arith.cmpf ogt, %mul3A_1107, %mul3A_1108 : f32
              %select_n3A_1110 = arith.select %gt3A_1109, %mul3A_1100, %select_n3A_956 : f32
              %select_n3A_1111 = arith.select %gt3A_1109, %max3A_1106, %select_n3A_957 : f32
              %select_n3A_1112 = arith.select %gt3A_1109, %add3A_962, %select_n3A_958 : i32
              scf.yield %select_n3A_1110, %select_n3A_1111, %select_n3A_1112 : f32, f32, i32
            }
            %scan3A_256 = arith.constant 16 : i32
            %get3A_257 = arith.index_cast %and3A_85 : i32 to index
            %get3A_258 = arith.index_cast %scan3A_255#2 : i32 to index
            %get3A_259 = arith.constant 0 : index
            %get3A_260 = tpu.vector_load %arg9[%get3A_257, %get3A_258, %get3A_259] {strides = array<i32>} : memref<2x64x256xf32, #tpu.memory_space<vmem>>, vector<16xf32>,
            %mul3A_261 = arith.constant 0.899999976 : f32
            %mul3A_262 = vector.broadcast %mul3A_261 : f32 to vector<16xf32>
            %mul3A_263 = arith.mulf %mul3A_262, %get3A_260 : vector<16xf32>
            %mul3A_264 = arith.constant 1.000000e-01 : f32
            %mul3A_265 = vector.broadcast %mul3A_264 : f32 to vector<16xf32>
            %mul3A_266 = arith.mulf %mul3A_265, %get3A_202 : vector<16xf32>
            %add3A_267 = arith.addf %mul3A_263, %mul3A_266 : vector<16xf32>
            %swap3A = arith.index_cast %and3A_85 : i32 to index
            %swap3A_268 = arith.index_cast %scan3A_255#2 : i32 to index
            %swap3A_269 = arith.constant 0 : index
            %swap3A_270 = tpu.vector_load %arg9[%swap3A, %swap3A_268, %swap3A_269] {strides = array<i32>} : memref<2x64x256xf32, #tpu.memory_space<vmem>>, vector<16xf32>,
            tpu.vector_store %arg9[%swap3A, %swap3A_268, %swap3A_269], %add3A_267 {strides = array<i32>} : memref<2x64x256xf32, #tpu.memory_space<vmem>>, vector<16xf32>,
            %get3A_271 = arith.index_cast %and3A_85 : i32 to index
            %get3A_272 = arith.index_cast %scan3A_255#2 : i32 to index
            %get3A_273 = arith.constant 16 : index
            %get3A_274 = tpu.vector_load %arg9[%get3A_271, %get3A_272, %get3A_273] {strides = array<i32>} : memref<2x64x256xf32, #tpu.memory_space<vmem>>, vector<16xf32>,
            %mul3A_275 = arith.constant 0.899999976 : f32
            %mul3A_276 = vector.broadcast %mul3A_275 : f32 to vector<16xf32>
            %mul3A_277 = arith.mulf %mul3A_276, %get3A_274 : vector<16xf32>
            %mul3A_278 = arith.constant 1.000000e-01 : f32
            %mul3A_279 = vector.broadcast %mul3A_278 : f32 to vector<16xf32>
            %mul3A_280 = arith.mulf %mul3A_279, %get3A_205 : vector<16xf32>
            %add3A_281 = arith.addf %mul3A_277, %mul3A_280 : vector<16xf32>
            %swap3A_282 = arith.index_cast %and3A_85 : i32 to index
            %swap3A_283 = arith.index_cast %scan3A_255#2 : i32 to index
            %swap3A_284 = arith.constant 16 : index
            %swap3A_285 = tpu.vector_load %arg9[%swap3A_282, %swap3A_283, %swap3A_284] {strides = array<i32>} : memref<2x64x256xf32, #tpu.memory_space<vmem>>, vector<16xf32>,
            tpu.vector_store %arg9[%swap3A_282, %swap3A_283, %swap3A_284], %add3A_281 {strides = array<i32>} : memref<2x64x256xf32, #tpu.memory_space<vmem>>, vector<16xf32>,
            %get3A_286 = arith.index_cast %and3A_85 : i32 to index
            %get3A_287 = arith.index_cast %scan3A_255#2 : i32 to index
            %get3A_288 = arith.constant 32 : index
            %get3A_289 = tpu.vector_load %arg9[%get3A_286, %get3A_287, %get3A_288] {strides = array<i32>} : memref<2x64x256xf32, #tpu.memory_space<vmem>>, vector<16xf32>,
            %mul3A_290 = arith.constant 0.899999976 : f32
            %mul3A_291 = vector.broadcast %mul3A_290 : f32 to vector<16xf32>
            %mul3A_292 = arith.mulf %mul3A_291, %get3A_289 : vector<16xf32>
            %mul3A_293 = arith.constant 1.000000e-01 : f32
            %mul3A_294 = vector.broadcast %mul3A_293 : f32 to vector<16xf32>
            %mul3A_295 = arith.mulf %mul3A_294, %get3A_208 : vector<16xf32>
            %add3A_296 = arith.addf %mul3A_292, %mul3A_295 : vector<16xf32>
            %swap3A_297 = arith.index_cast %and3A_85 : i32 to index
            %swap3A_298 = arith.index_cast %scan3A_255#2 : i32 to index
            %swap3A_299 = arith.constant 32 : index
            %swap3A_300 = tpu.vector_load %arg9[%swap3A_297, %swap3A_298, %swap3A_299] {strides = array<i32>} : memref<2x64x256xf32, #tpu.memory_space<vmem>>, vector<16xf32>,
            tpu.vector_store %arg9[%swap3A_297, %swap3A_298, %swap3A_299], %add3A_296 {strides = array<i32>} : memref<2x64x256xf32, #tpu.memory_space<vmem>>, vector<16xf32>,
            %get3A_301 = arith.index_cast %and3A_85 : i32 to index
            %get3A_302 = arith.index_cast %scan3A_255#2 : i32 to index
            %get3A_303 = arith.constant 48 : index
            %get3A_304 = tpu.vector_load %arg9[%get3A_301, %get3A_302, %get3A_303] {strides = array<i32>} : memref<2x64x256xf32, #tpu.memory_space<vmem>>, vector<16xf32>,
            %mul3A_305 = arith.constant 0.899999976 : f32
            %mul3A_306 = vector.broadcast %mul3A_305 : f32 to vector<16xf32>
            %mul3A_307 = arith.mulf %mul3A_306, %get3A_304 : vector<16xf32>
            %mul3A_308 = arith.constant 1.000000e-01 : f32
            %mul3A_309 = vector.broadcast %mul3A_308 : f32 to vector<16xf32>
            %mul3A_310 = arith.mulf %mul3A_309, %get3A_211 : vector<16xf32>
            %add3A_311 = arith.addf %mul3A_307, %mul3A_310 : vector<16xf32>
            %swap3A_312 = arith.index_cast %and3A_85 : i32 to index
            %swap3A_313 = arith.index_cast %scan3A_255#2 : i32 to index
            %swap3A_314 = arith.constant 48 : index
            %swap3A_315 = tpu.vector_load %arg9[%swap3A_312, %swap3A_313, %swap3A_314] {strides = array<i32>} : memref<2x64x256xf32, #tpu.memory_space<vmem>>, vector<16xf32>,
            tpu.vector_store %arg9[%swap3A_312, %swap3A_313, %swap3A_314], %add3A_311 {strides = array<i32>} : memref<2x64x256xf32, #tpu.memory_space<vmem>>, vector<16xf32>,
            %get3A_316 = arith.index_cast %and3A_85 : i32 to index
            %get3A_317 = arith.index_cast %scan3A_255#2 : i32 to index
            %get3A_318 = arith.constant 64 : index
            %get3A_319 = tpu.vector_load %arg9[%get3A_316, %get3A_317, %get3A_318] {strides = array<i32>} : memref<2x64x256xf32, #tpu.memory_space<vmem>>, vector<16xf32>,
            %mul3A_320 = arith.constant 0.899999976 : f32
            %mul3A_321 = vector.broadcast %mul3A_320 : f32 to vector<16xf32>
            %mul3A_322 = arith.mulf %mul3A_321, %get3A_319 : vector<16xf32>
            %mul3A_323 = arith.constant 1.000000e-01 : f32
            %mul3A_324 = vector.broadcast %mul3A_323 : f32 to vector<16xf32>
            %mul3A_325 = arith.mulf %mul3A_324, %get3A_214 : vector<16xf32>
            %add3A_326 = arith.addf %mul3A_322, %mul3A_325 : vector<16xf32>
            %swap3A_327 = arith.index_cast %and3A_85 : i32 to index
            %swap3A_328 = arith.index_cast %scan3A_255#2 : i32 to index
            %swap3A_329 = arith.constant 64 : index
            %swap3A_330 = tpu.vector_load %arg9[%swap3A_327, %swap3A_328, %swap3A_329] {strides = array<i32>} : memref<2x64x256xf32, #tpu.memory_space<vmem>>, vector<16xf32>,
            tpu.vector_store %arg9[%swap3A_327, %swap3A_328, %swap3A_329], %add3A_326 {strides = array<i32>} : memref<2x64x256xf32, #tpu.memory_space<vmem>>, vector<16xf32>,
            %get3A_331 = arith.index_cast %and3A_85 : i32 to index
            %get3A_332 = arith.index_cast %scan3A_255#2 : i32 to index
            %get3A_333 = arith.constant 80 : index
            %get3A_334 = tpu.vector_load %arg9[%get3A_331, %get3A_332, %get3A_333] {strides = array<i32>} : memref<2x64x256xf32, #tpu.memory_space<vmem>>, vector<16xf32>,
            %mul3A_335 = arith.constant 0.899999976 : f32
            %mul3A_336 = vector.broadcast %mul3A_335 : f32 to vector<16xf32>
            %mul3A_337 = arith.mulf %mul3A_336, %get3A_334 : vector<16xf32>
            %mul3A_338 = arith.constant 1.000000e-01 : f32
            %mul3A_339 = vector.broadcast %mul3A_338 : f32 to vector<16xf32>
            %mul3A_340 = arith.mulf %mul3A_339, %get3A_217 : vector<16xf32>
            %add3A_341 = arith.addf %mul3A_337, %mul3A_340 : vector<16xf32>
            %swap3A_342 = arith.index_cast %and3A_85 : i32 to index
            %swap3A_343 = arith.index_cast %scan3A_255#2 : i32 to index
            %swap3A_344 = arith.constant 80 : index
            %swap3A_345 = tpu.vector_load %arg9[%swap3A_342, %swap3A_343, %swap3A_344] {strides = array<i32>} : memref<2x64x256xf32, #tpu.memory_space<vmem>>, vector<16xf32>,
            tpu.vector_store %arg9[%swap3A_342, %swap3A_343, %swap3A_344], %add3A_341 {strides = array<i32>} : memref<2x64x256xf32, #tpu.memory_space<vmem>>, vector<16xf32>,
            %get3A_346 = arith.index_cast %and3A_85 : i32 to index
            %get3A_347 = arith.index_cast %scan3A_255#2 : i32 to index
            %get3A_348 = arith.constant 96 : index
            %get3A_349 = tpu.vector_load %arg9[%get3A_346, %get3A_347, %get3A_348] {strides = array<i32>} : memref<2x64x256xf32, #tpu.memory_space<vmem>>, vector<16xf32>,
            %mul3A_350 = arith.constant 0.899999976 : f32
            %mul3A_351 = vector.broadcast %mul3A_350 : f32 to vector<16xf32>
            %mul3A_352 = arith.mulf %mul3A_351, %get3A_349 : vector<16xf32>
            %mul3A_353 = arith.constant 1.000000e-01 : f32
            %mul3A_354 = vector.broadcast %mul3A_353 : f32 to vector<16xf32>
            %mul3A_355 = arith.mulf %mul3A_354, %get3A_220 : vector<16xf32>
            %add3A_356 = arith.addf %mul3A_352, %mul3A_355 : vector<16xf32>
            %swap3A_357 = arith.index_cast %and3A_85 : i32 to index
            %swap3A_358 = arith.index_cast %scan3A_255#2 : i32 to index
            %swap3A_359 = arith.constant 96 : index
            %swap3A_360 = tpu.vector_load %arg9[%swap3A_357, %swap3A_358, %swap3A_359] {strides = array<i32>} : memref<2x64x256xf32, #tpu.memory_space<vmem>>, vector<16xf32>,
            tpu.vector_store %arg9[%swap3A_357, %swap3A_358, %swap3A_359], %add3A_356 {strides = array<i32>} : memref<2x64x256xf32, #tpu.memory_space<vmem>>, vector<16xf32>,
            %get3A_361 = arith.index_cast %and3A_85 : i32 to index
            %get3A_362 = arith.index_cast %scan3A_255#2 : i32 to index
            %get3A_363 = arith.constant 112 : index
            %get3A_364 = tpu.vector_load %arg9[%get3A_361, %get3A_362, %get3A_363] {strides = array<i32>} : memref<2x64x256xf32, #tpu.memory_space<vmem>>, vector<16xf32>,
            %mul3A_365 = arith.constant 0.899999976 : f32
            %mul3A_366 = vector.broadcast %mul3A_365 : f32 to vector<16xf32>
            %mul3A_367 = arith.mulf %mul3A_366, %get3A_364 : vector<16xf32>
            %mul3A_368 = arith.constant 1.000000e-01 : f32
            %mul3A_369 = vector.broadcast %mul3A_368 : f32 to vector<16xf32>
            %mul3A_370 = arith.mulf %mul3A_369, %get3A_223 : vector<16xf32>
            %add3A_371 = arith.addf %mul3A_367, %mul3A_370 : vector<16xf32>
            %swap3A_372 = arith.index_cast %and3A_85 : i32 to index
            %swap3A_373 = arith.index_cast %scan3A_255#2 : i32 to index
            %swap3A_374 = arith.constant 112 : index
            %swap3A_375 = tpu.vector_load %arg9[%swap3A_372, %swap3A_373, %swap3A_374] {strides = array<i32>} : memref<2x64x256xf32, #tpu.memory_space<vmem>>, vector<16xf32>,
            tpu.vector_store %arg9[%swap3A_372, %swap3A_373, %swap3A_374], %add3A_371 {strides = array<i32>} : memref<2x64x256xf32, #tpu.memory_space<vmem>>, vector<16xf32>,
            %get3A_376 = arith.index_cast %and3A_85 : i32 to index
            %get3A_377 = arith.index_cast %scan3A_255#2 : i32 to index
            %get3A_378 = arith.constant 128 : index
            %get3A_379 = tpu.vector_load %arg9[%get3A_376, %get3A_377, %get3A_378] {strides = array<i32>} : memref<2x64x256xf32, #tpu.memory_space<vmem>>, vector<16xf32>,
            %mul3A_380 = arith.constant 0.899999976 : f32
            %mul3A_381 = vector.broadcast %mul3A_380 : f32 to vector<16xf32>
            %mul3A_382 = arith.mulf %mul3A_381, %get3A_379 : vector<16xf32>
            %mul3A_383 = arith.constant 1.000000e-01 : f32
            %mul3A_384 = vector.broadcast %mul3A_383 : f32 to vector<16xf32>
            %mul3A_385 = arith.mulf %mul3A_384, %get3A_226 : vector<16xf32>
            %add3A_386 = arith.addf %mul3A_382, %mul3A_385 : vector<16xf32>
            %swap3A_387 = arith.index_cast %and3A_85 : i32 to index
            %swap3A_388 = arith.index_cast %scan3A_255#2 : i32 to index
            %swap3A_389 = arith.constant 128 : index
            %swap3A_390 = tpu.vector_load %arg9[%swap3A_387, %swap3A_388, %swap3A_389] {strides = array<i32>} : memref<2x64x256xf32, #tpu.memory_space<vmem>>, vector<16xf32>,
            tpu.vector_store %arg9[%swap3A_387, %swap3A_388, %swap3A_389], %add3A_386 {strides = array<i32>} : memref<2x64x256xf32, #tpu.memory_space<vmem>>, vector<16xf32>,
            %get3A_391 = arith.index_cast %and3A_85 : i32 to index
            %get3A_392 = arith.index_cast %scan3A_255#2 : i32 to index
            %get3A_393 = arith.constant 144 : index
            %get3A_394 = tpu.vector_load %arg9[%get3A_391, %get3A_392, %get3A_393] {strides = array<i32>} : memref<2x64x256xf32, #tpu.memory_space<vmem>>, vector<16xf32>,
            %mul3A_395 = arith.constant 0.899999976 : f32
            %mul3A_396 = vector.broadcast %mul3A_395 : f32 to vector<16xf32>
            %mul3A_397 = arith.mulf %mul3A_396, %get3A_394 : vector<16xf32>
            %mul3A_398 = arith.constant 1.000000e-01 : f32
            %mul3A_399 = vector.broadcast %mul3A_398 : f32 to vector<16xf32>
            %mul3A_400 = arith.mulf %mul3A_399, %get3A_229 : vector<16xf32>
            %add3A_401 = arith.addf %mul3A_397, %mul3A_400 : vector<16xf32>
            %swap3A_402 = arith.index_cast %and3A_85 : i32 to index
            %swap3A_403 = arith.index_cast %scan3A_255#2 : i32 to index
            %swap3A_404 = arith.constant 144 : index
            %swap3A_405 = tpu.vector_load %arg9[%swap3A_402, %swap3A_403, %swap3A_404] {strides = array<i32>} : memref<2x64x256xf32, #tpu.memory_space<vmem>>, vector<16xf32>,
            tpu.vector_store %arg9[%swap3A_402, %swap3A_403, %swap3A_404], %add3A_401 {strides = array<i32>} : memref<2x64x256xf32, #tpu.memory_space<vmem>>, vector<16xf32>,
            %get3A_406 = arith.index_cast %and3A_85 : i32 to index
            %get3A_407 = arith.index_cast %scan3A_255#2 : i32 to index
            %get3A_408 = arith.constant 160 : index
            %get3A_409 = tpu.vector_load %arg9[%get3A_406, %get3A_407, %get3A_408] {strides = array<i32>} : memref<2x64x256xf32, #tpu.memory_space<vmem>>, vector<16xf32>,
            %mul3A_410 = arith.constant 0.899999976 : f32
            %mul3A_411 = vector.broadcast %mul3A_410 : f32 to vector<16xf32>
            %mul3A_412 = arith.mulf %mul3A_411, %get3A_409 : vector<16xf32>
            %mul3A_413 = arith.constant 1.000000e-01 : f32
            %mul3A_414 = vector.broadcast %mul3A_413 : f32 to vector<16xf32>
            %mul3A_415 = arith.mulf %mul3A_414, %get3A_232 : vector<16xf32>
            %add3A_416 = arith.addf %mul3A_412, %mul3A_415 : vector<16xf32>
            %swap3A_417 = arith.index_cast %and3A_85 : i32 to index
            %swap3A_418 = arith.index_cast %scan3A_255#2 : i32 to index
            %swap3A_419 = arith.constant 160 : index
            %swap3A_420 = tpu.vector_load %arg9[%swap3A_417, %swap3A_418, %swap3A_419] {strides = array<i32>} : memref<2x64x256xf32, #tpu.memory_space<vmem>>, vector<16xf32>,
            tpu.vector_store %arg9[%swap3A_417, %swap3A_418, %swap3A_419], %add3A_416 {strides = array<i32>} : memref<2x64x256xf32, #tpu.memory_space<vmem>>, vector<16xf32>,
            %get3A_421 = arith.index_cast %and3A_85 : i32 to index
            %get3A_422 = arith.index_cast %scan3A_255#2 : i32 to index
            %get3A_423 = arith.constant 176 : index
            %get3A_424 = tpu.vector_load %arg9[%get3A_421, %get3A_422, %get3A_423] {strides = array<i32>} : memref<2x64x256xf32, #tpu.memory_space<vmem>>, vector<16xf32>,
            %mul3A_425 = arith.constant 0.899999976 : f32
            %mul3A_426 = vector.broadcast %mul3A_425 : f32 to vector<16xf32>
            %mul3A_427 = arith.mulf %mul3A_426, %get3A_424 : vector<16xf32>
            %mul3A_428 = arith.constant 1.000000e-01 : f32
            %mul3A_429 = vector.broadcast %mul3A_428 : f32 to vector<16xf32>
            %mul3A_430 = arith.mulf %mul3A_429, %get3A_235 : vector<16xf32>
            %add3A_431 = arith.addf %mul3A_427, %mul3A_430 : vector<16xf32>
            %swap3A_432 = arith.index_cast %and3A_85 : i32 to index
            %swap3A_433 = arith.index_cast %scan3A_255#2 : i32 to index
            %swap3A_434 = arith.constant 176 : index
            %swap3A_435 = tpu.vector_load %arg9[%swap3A_432, %swap3A_433, %swap3A_434] {strides = array<i32>} : memref<2x64x256xf32, #tpu.memory_space<vmem>>, vector<16xf32>,
            tpu.vector_store %arg9[%swap3A_432, %swap3A_433, %swap3A_434], %add3A_431 {strides = array<i32>} : memref<2x64x256xf32, #tpu.memory_space<vmem>>, vector<16xf32>,
            %get3A_436 = arith.index_cast %and3A_85 : i32 to index
            %get3A_437 = arith.index_cast %scan3A_255#2 : i32 to index
            %get3A_438 = arith.constant 192 : index
            %get3A_439 = tpu.vector_load %arg9[%get3A_436, %get3A_437, %get3A_438] {strides = array<i32>} : memref<2x64x256xf32, #tpu.memory_space<vmem>>, vector<16xf32>,
            %mul3A_440 = arith.constant 0.899999976 : f32
            %mul3A_441 = vector.broadcast %mul3A_440 : f32 to vector<16xf32>
            %mul3A_442 = arith.mulf %mul3A_441, %get3A_439 : vector<16xf32>
            %mul3A_443 = arith.constant 1.000000e-01 : f32
            %mul3A_444 = vector.broadcast %mul3A_443 : f32 to vector<16xf32>
            %mul3A_445 = arith.mulf %mul3A_444, %get3A_238 : vector<16xf32>
            %add3A_446 = arith.addf %mul3A_442, %mul3A_445 : vector<16xf32>
            %swap3A_447 = arith.index_cast %and3A_85 : i32 to index
            %swap3A_448 = arith.index_cast %scan3A_255#2 : i32 to index
            %swap3A_449 = arith.constant 192 : index
            %swap3A_450 = tpu.vector_load %arg9[%swap3A_447, %swap3A_448, %swap3A_449] {strides = array<i32>} : memref<2x64x256xf32, #tpu.memory_space<vmem>>, vector<16xf32>,
            tpu.vector_store %arg9[%swap3A_447, %swap3A_448, %swap3A_449], %add3A_446 {strides = array<i32>} : memref<2x64x256xf32, #tpu.memory_space<vmem>>, vector<16xf32>,
            %get3A_451 = arith.index_cast %and3A_85 : i32 to index
            %get3A_452 = arith.index_cast %scan3A_255#2 : i32 to index
            %get3A_453 = arith.constant 208 : index
            %get3A_454 = tpu.vector_load %arg9[%get3A_451, %get3A_452, %get3A_453] {strides = array<i32>} : memref<2x64x256xf32, #tpu.memory_space<vmem>>, vector<16xf32>,
            %mul3A_455 = arith.constant 0.899999976 : f32
            %mul3A_456 = vector.broadcast %mul3A_455 : f32 to vector<16xf32>
            %mul3A_457 = arith.mulf %mul3A_456, %get3A_454 : vector<16xf32>
            %mul3A_458 = arith.constant 1.000000e-01 : f32
            %mul3A_459 = vector.broadcast %mul3A_458 : f32 to vector<16xf32>
            %mul3A_460 = arith.mulf %mul3A_459, %get3A_241 : vector<16xf32>
            %add3A_461 = arith.addf %mul3A_457, %mul3A_460 : vector<16xf32>
            %swap3A_462 = arith.index_cast %and3A_85 : i32 to index
            %swap3A_463 = arith.index_cast %scan3A_255#2 : i32 to index
            %swap3A_464 = arith.constant 208 : index
            %swap3A_465 = tpu.vector_load %arg9[%swap3A_462, %swap3A_463, %swap3A_464] {strides = array<i32>} : memref<2x64x256xf32, #tpu.memory_space<vmem>>, vector<16xf32>,
            tpu.vector_store %arg9[%swap3A_462, %swap3A_463, %swap3A_464], %add3A_461 {strides = array<i32>} : memref<2x64x256xf32, #tpu.memory_space<vmem>>, vector<16xf32>,
            %get3A_466 = arith.index_cast %and3A_85 : i32 to index
            %get3A_467 = arith.index_cast %scan3A_255#2 : i32 to index
            %get3A_468 = arith.constant 224 : index
            %get3A_469 = tpu.vector_load %arg9[%get3A_466, %get3A_467, %get3A_468] {strides = array<i32>} : memref<2x64x256xf32, #tpu.memory_space<vmem>>, vector<16xf32>,
            %mul3A_470 = arith.constant 0.899999976 : f32
            %mul3A_471 = vector.broadcast %mul3A_470 : f32 to vector<16xf32>
            %mul3A_472 = arith.mulf %mul3A_471, %get3A_469 : vector<16xf32>
            %mul3A_473 = arith.constant 1.000000e-01 : f32
            %mul3A_474 = vector.broadcast %mul3A_473 : f32 to vector<16xf32>
            %mul3A_475 = arith.mulf %mul3A_474, %get3A_244 : vector<16xf32>
            %add3A_476 = arith.addf %mul3A_472, %mul3A_475 : vector<16xf32>
            %swap3A_477 = arith.index_cast %and3A_85 : i32 to index
            %swap3A_478 = arith.index_cast %scan3A_255#2 : i32 to index
            %swap3A_479 = arith.constant 224 : index
            %swap3A_480 = tpu.vector_load %arg9[%swap3A_477, %swap3A_478, %swap3A_479] {strides = array<i32>} : memref<2x64x256xf32, #tpu.memory_space<vmem>>, vector<16xf32>,
            tpu.vector_store %arg9[%swap3A_477, %swap3A_478, %swap3A_479], %add3A_476 {strides = array<i32>} : memref<2x64x256xf32, #tpu.memory_space<vmem>>, vector<16xf32>,
            %get3A_481 = arith.index_cast %and3A_85 : i32 to index
            %get3A_482 = arith.index_cast %scan3A_255#2 : i32 to index
            %get3A_483 = arith.constant 240 : index
            %get3A_484 = tpu.vector_load %arg9[%get3A_481, %get3A_482, %get3A_483] {strides = array<i32>} : memref<2x64x256xf32, #tpu.memory_space<vmem>>, vector<16xf32>,
            %mul3A_485 = arith.constant 0.899999976 : f32
            %mul3A_486 = vector.broadcast %mul3A_485 : f32 to vector<16xf32>
            %mul3A_487 = arith.mulf %mul3A_486, %get3A_484 : vector<16xf32>
            %mul3A_488 = arith.constant 1.000000e-01 : f32
            %mul3A_489 = vector.broadcast %mul3A_488 : f32 to vector<16xf32>
            %mul3A_490 = arith.mulf %mul3A_489, %get3A_247 : vector<16xf32>
            %add3A_491 = arith.addf %mul3A_487, %mul3A_490 : vector<16xf32>
            %swap3A_492 = arith.index_cast %and3A_85 : i32 to index
            %swap3A_493 = arith.index_cast %scan3A_255#2 : i32 to index
            %swap3A_494 = arith.constant 240 : index
            %swap3A_495 = tpu.vector_load %arg9[%swap3A_492, %swap3A_493, %swap3A_494] {strides = array<i32>} : memref<2x64x256xf32, #tpu.memory_space<vmem>>, vector<16xf32>,
            tpu.vector_store %arg9[%swap3A_492, %swap3A_493, %swap3A_494], %add3A_491 {strides = array<i32>} : memref<2x64x256xf32, #tpu.memory_space<vmem>>, vector<16xf32>,
            %while3A_496 = arith.constant 0 : i32
            scf.yield %while3A_496 : i32
          }
          %while3A_164 = arith.constant 1 : i32
          %while3A_165 = scf.for %while3A_166 = %while3A_161 to %while3A_157 step %while3A_164 iter_args(%while3A_167 = %while3A_163) -> (i32)  : i32 {
            %add3A_168 = arith.addi %reduce_max3A_105, %while3A_166 : i32
            %broadcast_in_dim3A_169 = vector.broadcast %add3A_168 : i32 to vector<16xi32>
            %gather3A_170 = tpu.vector_load_idx %arg11[%broadcast_in_dim3A_169] : memref<4096xi32, #tpu.memory_space<vmem>>[vector<16xi32>], vector<16xi32>,
            %reduce_max3A_171 = arith.constant true
            %reduce_max3A_172 = vector.broadcast %reduce_max3A_171 : i1 to vector<16xi1>
            %reduce_max3A_173 = arith.constant -2147483648 : i32
            %reduce_max3A_174 = vector.broadcast %reduce_max3A_173 : i32 to vector<16xi32>
            %reduce_max3A_175 = arith.xori %gather3A_170, %reduce_max3A_174 : vector<16xi32>
            %reduce_max3A_176 = tpu.scan <max>, %reduce_max3A_175 masked %reduce_max3A_172 : vector<16xi32>, vector<16xi1> -> vector<16xi32>
            %reduce_max3A_177 = arith.xori %reduce_max3A_176, %reduce_max3A_174 : vector<16xi32>
            %reduce_max3A_178 = vector.extract %reduce_max3A_177[15] : i32 from vector<16xi32>
            %and3A_179 = arith.constant 1 : i32
            %and3A_180 = arith.andi %while3A_166, %and3A_179 : i32
            %dma_wait3A_181 = arith.constant 0 : i32
            %dma_wait3A_182 = tpu.memref_slice %arg10[%and3A_180, %dma_wait3A_181] : memref<2x256xf32, #tpu.memory_space<vmem>> -> memref<1x256xf32, #tpu.memory_space<vmem>>
            %dma_wait3A_183 = tpu.memref_squeeze %dma_wait3A_182 : memref<1x256xf32, #tpu.memory_space<vmem>> -> memref<256xf32, #tpu.memory_space<vmem>>
            %dma_wait3A_184 = arith.constant 0 : i32
            %dma_wait3A_185 = tpu.memref_slice %arg2[%reduce_max3A_178, %dma_wait3A_184] : memref<4096x256xf32, #tpu.memory_space<hbm>> -> memref<1x256xf32, #tpu.memory_space<hbm>>
            %dma_wait3A_186 = tpu.memref_squeeze %dma_wait3A_185 : memref<1x256xf32, #tpu.memory_space<hbm>> -> memref<256xf32, #tpu.memory_space<hbm>>
            %dma_wait3A_187 = arith.constant 0 : i32
            %dma_wait3A_188 = tpu.memref_slice %arg10[%and3A_180, %dma_wait3A_187] : memref<2x256xf32, #tpu.memory_space<vmem>> -> memref<1x256xf32, #tpu.memory_space<vmem>>
            %dma_wait3A_189 = tpu.memref_squeeze %dma_wait3A_188 : memref<1x256xf32, #tpu.memory_space<vmem>> -> memref<256xf32, #tpu.memory_space<vmem>>
            %dma_wait3A_190 = arith.constant 0 : i32
            %dma_wait3A_191 = tpu.memref_slice %arg2[%reduce_max3A_178, %dma_wait3A_190] : memref<4096x256xf32, #tpu.memory_space<hbm>> -> memref<1x256xf32, #tpu.memory_space<hbm>>
            %dma_wait3A_192 = tpu.memref_squeeze %dma_wait3A_191 : memref<1x256xf32, #tpu.memory_space<hbm>> -> memref<256xf32, #tpu.memory_space<hbm>>
            tpu.wait_dma2 semaphore(%arg17 : memref<!tpu.dma_semaphore, #tpu.memory_space<semaphore_mem>>) src(%dma_wait3A_192 : memref<256xf32, #tpu.memory_space<hbm>>) dst(%dma_wait3A_189 : memref<256xf32, #tpu.memory_space<vmem>>)
            %add3A_193 = arith.constant 1 : i32
            %add3A_194 = arith.addi %while3A_166, %add3A_193 : i32
            %lt3A_195 = arith.cmpi slt, %add3A_194, %reduce_max3A_95 : i32
            %convert_element_type3A_196 = arith.extui %lt3A_195 : i1 to i32
            %cond3A_197 = arith.constant 0 : i32
            %cond3A_198 = arith.cmpi ne, %convert_element_type3A_196, %cond3A_197 : i32
            scf.if %cond3A_198 {
              %add3A_497 = arith.constant 1 : i32
              %add3A_498 = arith.addi %while3A_166, %add3A_497 : i32
              %add3A_499 = arith.addi %reduce_max3A_105, %add3A_498 : i32
              %broadcast_in_dim3A_500 = vector.broadcast %add3A_499 : i32 to vector<16xi32>
              %gather3A_501 = tpu.vector_load_idx %arg11[%broadcast_in_dim3A_500] : memref<4096xi32, #tpu.memory_space<vmem>>[vector<16xi32>], vector<16xi32>,
              %reduce_max3A_502 = arith.constant true
              %reduce_max3A_503 = vector.broadcast %reduce_max3A_502 : i1 to vector<16xi1>
              %reduce_max3A_504 = arith.constant -2147483648 : i32
              %reduce_max3A_505 = vector.broadcast %reduce_max3A_504 : i32 to vector<16xi32>
              %reduce_max3A_506 = arith.xori %gather3A_501, %reduce_max3A_505 : vector<16xi32>
              %reduce_max3A_507 = tpu.scan <max>, %reduce_max3A_506 masked %reduce_max3A_503 : vector<16xi32>, vector<16xi1> -> vector<16xi32>
              %reduce_max3A_508 = arith.xori %reduce_max3A_507, %reduce_max3A_505 : vector<16xi32>
              %reduce_max3A_509 = vector.extract %reduce_max3A_508[15] : i32 from vector<16xi32>
              %and3A_510 = arith.constant 1 : i32
              %and3A_511 = arith.andi %add3A_498, %and3A_510 : i32
              %dma_start3A_512 = arith.constant 0 : i32
              %dma_start3A_513 = tpu.memref_slice %arg10[%and3A_511, %dma_start3A_512] : memref<2x256xf32, #tpu.memory_space<vmem>> -> memref<1x256xf32, #tpu.memory_space<vmem>>
              %dma_start3A_514 = tpu.memref_squeeze %dma_start3A_513 : memref<1x256xf32, #tpu.memory_space<vmem>> -> memref<256xf32, #tpu.memory_space<vmem>>
              %dma_start3A_515 = arith.constant 0 : i32
              %dma_start3A_516 = tpu.memref_slice %arg2[%reduce_max3A_509, %dma_start3A_515] : memref<4096x256xf32, #tpu.memory_space<hbm>> -> memref<1x256xf32, #tpu.memory_space<hbm>>
              %dma_start3A_517 = tpu.memref_squeeze %dma_start3A_516 : memref<1x256xf32, #tpu.memory_space<hbm>> -> memref<256xf32, #tpu.memory_space<hbm>>
              %dma_start3A_518 = arith.constant 0 : i32
              %dma_start3A_519 = tpu.memref_slice %arg10[%and3A_511, %dma_start3A_518] : memref<2x256xf32, #tpu.memory_space<vmem>> -> memref<1x256xf32, #tpu.memory_space<vmem>>
              %dma_start3A_520 = tpu.memref_squeeze %dma_start3A_519 : memref<1x256xf32, #tpu.memory_space<vmem>> -> memref<256xf32, #tpu.memory_space<vmem>>
              %dma_start3A_521 = arith.constant 0 : i32
              %dma_start3A_522 = tpu.memref_slice %arg2[%reduce_max3A_509, %dma_start3A_521] : memref<4096x256xf32, #tpu.memory_space<hbm>> -> memref<1x256xf32, #tpu.memory_space<hbm>>
              %dma_start3A_523 = tpu.memref_squeeze %dma_start3A_522 : memref<1x256xf32, #tpu.memory_space<hbm>> -> memref<256xf32, #tpu.memory_space<hbm>>
              tpu.enqueue_dma source(%dma_start3A_523 : memref<256xf32, #tpu.memory_space<hbm>>) target(%dma_start3A_520 : memref<256xf32, #tpu.memory_space<vmem>>) target_semaphore(%arg17 : memref<!tpu.dma_semaphore, #tpu.memory_space<semaphore_mem>>)
            } else {
            }
            %and3A_199 = arith.constant 1 : i32
            %and3A_200 = arith.andi %while3A_166, %and3A_199 : i32
            %get3A = arith.index_cast %and3A_200 : i32 to index
            %get3A_201 = arith.constant 0 : index
            %get3A_202 = tpu.vector_load %arg10[%get3A, %get3A_201] {strides = array<i32>} : memref<2x256xf32, #tpu.memory_space<vmem>>, vector<16xf32>,
            %get3A_203 = arith.index_cast %and3A_200 : i32 to index
            %get3A_204 = arith.constant 16 : index
            %get3A_205 = tpu.vector_load %arg10[%get3A_203, %get3A_204] {strides = array<i32>} : memref<2x256xf32, #tpu.memory_space<vmem>>, vector<16xf32>,
            %get3A_206 = arith.index_cast %and3A_200 : i32 to index
            %get3A_207 = arith.constant 32 : index
            %get3A_208 = tpu.vector_load %arg10[%get3A_206, %get3A_207] {strides = array<i32>} : memref<2x256xf32, #tpu.memory_space<vmem>>, vector<16xf32>,
            %get3A_209 = arith.index_cast %and3A_200 : i32 to index
            %get3A_210 = arith.constant 48 : index
            %get3A_211 = tpu.vector_load %arg10[%get3A_209, %get3A_210] {strides = array<i32>} : memref<2x256xf32, #tpu.memory_space<vmem>>, vector<16xf32>,
            %get3A_212 = arith.index_cast %and3A_200 : i32 to index
            %get3A_213 = arith.constant 64 : index
            %get3A_214 = tpu.vector_load %arg10[%get3A_212, %get3A_213] {strides = array<i32>} : memref<2x256xf32, #tpu.memory_space<vmem>>, vector<16xf32>,
            %get3A_215 = arith.index_cast %and3A_200 : i32 to index
            %get3A_216 = arith.constant 80 : index
            %get3A_217 = tpu.vector_load %arg10[%get3A_215, %get3A_216] {strides = array<i32>} : memref<2x256xf32, #tpu.memory_space<vmem>>, vector<16xf32>,
            %get3A_218 = arith.index_cast %and3A_200 : i32 to index
            %get3A_219 = arith.constant 96 : index
            %get3A_220 = tpu.vector_load %arg10[%get3A_218, %get3A_219] {strides = array<i32>} : memref<2x256xf32, #tpu.memory_space<vmem>>, vector<16xf32>,
            %get3A_221 = arith.index_cast %and3A_200 : i32 to index
            %get3A_222 = arith.constant 112 : index
            %get3A_223 = tpu.vector_load %arg10[%get3A_221, %get3A_222] {strides = array<i32>} : memref<2x256xf32, #tpu.memory_space<vmem>>, vector<16xf32>,
            %get3A_224 = arith.index_cast %and3A_200 : i32 to index
            %get3A_225 = arith.constant 128 : index
            %get3A_226 = tpu.vector_load %arg10[%get3A_224, %get3A_225] {strides = array<i32>} : memref<2x256xf32, #tpu.memory_space<vmem>>, vector<16xf32>,
            %get3A_227 = arith.index_cast %and3A_200 : i32 to index
            %get3A_228 = arith.constant 144 : index
            %get3A_229 = tpu.vector_load %arg10[%get3A_227, %get3A_228] {strides = array<i32>} : memref<2x256xf32, #tpu.memory_space<vmem>>, vector<16xf32>,
            %get3A_230 = arith.index_cast %and3A_200 : i32 to index
            %get3A_231 = arith.constant 160 : index
            %get3A_232 = tpu.vector_load %arg10[%get3A_230, %get3A_231] {strides = array<i32>} : memref<2x256xf32, #tpu.memory_space<vmem>>, vector<16xf32>,
            %get3A_233 = arith.index_cast %and3A_200 : i32 to index
            %get3A_234 = arith.constant 176 : index
            %get3A_235 = tpu.vector_load %arg10[%get3A_233, %get3A_234] {strides = array<i32>} : memref<2x256xf32, #tpu.memory_space<vmem>>, vector<16xf32>,
            %get3A_236 = arith.index_cast %and3A_200 : i32 to index
            %get3A_237 = arith.constant 192 : index
            %get3A_238 = tpu.vector_load %arg10[%get3A_236, %get3A_237] {strides = array<i32>} : memref<2x256xf32, #tpu.memory_space<vmem>>, vector<16xf32>,
            %get3A_239 = arith.index_cast %and3A_200 : i32 to index
            %get3A_240 = arith.constant 208 : index
            %get3A_241 = tpu.vector_load %arg10[%get3A_239, %get3A_240] {strides = array<i32>} : memref<2x256xf32, #tpu.memory_space<vmem>>, vector<16xf32>,
            %get3A_242 = arith.index_cast %and3A_200 : i32 to index
            %get3A_243 = arith.constant 224 : index
            %get3A_244 = tpu.vector_load %arg10[%get3A_242, %get3A_243] {strides = array<i32>} : memref<2x256xf32, #tpu.memory_space<vmem>>, vector<16xf32>,
            %get3A_245 = arith.index_cast %and3A_200 : i32 to index
            %get3A_246 = arith.constant 240 : index
            %get3A_247 = tpu.vector_load %arg10[%get3A_245, %get3A_246] {strides = array<i32>} : memref<2x256xf32, #tpu.memory_space<vmem>>, vector<16xf32>,
            %scan3A_248 = arith.constant 0xFF800000 : f32
            %scan3A_249 = arith.constant 1.000000e+00 : f32
            %scan3A_250 = arith.constant 0 : i32
            %scan3A_251 = arith.constant 0 : i32
            %scan3A_252 = arith.constant 16 : i32
            %scan3A_253 = arith.addi %scan3A_251, %scan3A_252 : i32
            %scan3A_254 = arith.constant 1 : i32
            %scan3A_255:3 = scf.for %scan3A_497 = %scan3A_251 to %scan3A_253 step %scan3A_254 iter_args(%scan3A_498 = %scan3A_248, %scan3A_499 = %scan3A_249, %scan3A_500 = %scan3A_250) -> (f32, f32, i32)  : i32 {
              %mul3A_501 = arith.constant 4 : i32
              %mul3A_502 = arith.muli %scan3A_497, %mul3A_501 : i32
              %add3A_503 = arith.constant 0 : i32
              %add3A_504 = arith.addi %mul3A_502, %add3A_503 : i32
              %broadcast_in_dim3A_505 = arith.constant 0.000000e+00 : f32
              %broadcast_in_dim3A_506 = vector.broadcast %broadcast_in_dim3A_505 : f32 to vector<16xf32>
              %broadcast_in_dim3A_507 = arith.constant 0.000000e+00 : f32
              %broadcast_in_dim3A_508 = vector.broadcast %broadcast_in_dim3A_507 : f32 to vector<16xf32>
              %get3A_509 = arith.index_cast %and3A_85 : i32 to index
              %get3A_510 = arith.index_cast %add3A_504 : i32 to index
              %get3A_511 = arith.constant 0 : index
              %get3A_512 = tpu.vector_load %arg9[%get3A_509, %get3A_510, %get3A_511] {strides = array<i32>} : memref<2x64x256xf32, #tpu.memory_space<vmem>>, vector<16xf32>,
              %mul3A_513 = arith.mulf %get3A_512, %get3A_202 : vector<16xf32>
              %add3A_514 = arith.addf %broadcast_in_dim3A_506, %mul3A_513 : vector<16xf32>
              %mul3A_515 = arith.mulf %get3A_512, %get3A_512 : vector<16xf32>
              %add3A_516 = arith.addf %broadcast_in_dim3A_508, %mul3A_515 : vector<16xf32>
              %get3A_517 = arith.index_cast %and3A_85 : i32 to index
              %get3A_518 = arith.index_cast %add3A_504 : i32 to index
              %get3A_519 = arith.constant 16 : index
              %get3A_520 = tpu.vector_load %arg9[%get3A_517, %get3A_518, %get3A_519] {strides = array<i32>} : memref<2x64x256xf32, #tpu.memory_space<vmem>>, vector<16xf32>,
              %mul3A_521 = arith.mulf %get3A_520, %get3A_205 : vector<16xf32>
              %add3A_522 = arith.addf %add3A_514, %mul3A_521 : vector<16xf32>
              %mul3A_523 = arith.mulf %get3A_520, %get3A_520 : vector<16xf32>
              %add3A_524 = arith.addf %add3A_516, %mul3A_523 : vector<16xf32>
              %get3A_525 = arith.index_cast %and3A_85 : i32 to index
              %get3A_526 = arith.index_cast %add3A_504 : i32 to index
              %get3A_527 = arith.constant 32 : index
              %get3A_528 = tpu.vector_load %arg9[%get3A_525, %get3A_526, %get3A_527] {strides = array<i32>} : memref<2x64x256xf32, #tpu.memory_space<vmem>>, vector<16xf32>,
              %mul3A_529 = arith.mulf %get3A_528, %get3A_208 : vector<16xf32>
              %add3A_530 = arith.addf %add3A_522, %mul3A_529 : vector<16xf32>
              %mul3A_531 = arith.mulf %get3A_528, %get3A_528 : vector<16xf32>
              %add3A_532 = arith.addf %add3A_524, %mul3A_531 : vector<16xf32>
              %get3A_533 = arith.index_cast %and3A_85 : i32 to index
              %get3A_534 = arith.index_cast %add3A_504 : i32 to index
              %get3A_535 = arith.constant 48 : index
              %get3A_536 = tpu.vector_load %arg9[%get3A_533, %get3A_534, %get3A_535] {strides = array<i32>} : memref<2x64x256xf32, #tpu.memory_space<vmem>>, vector<16xf32>,
              %mul3A_537 = arith.mulf %get3A_536, %get3A_211 : vector<16xf32>
              %add3A_538 = arith.addf %add3A_530, %mul3A_537 : vector<16xf32>
              %mul3A_539 = arith.mulf %get3A_536, %get3A_536 : vector<16xf32>
              %add3A_540 = arith.addf %add3A_532, %mul3A_539 : vector<16xf32>
              %get3A_541 = arith.index_cast %and3A_85 : i32 to index
              %get3A_542 = arith.index_cast %add3A_504 : i32 to index
              %get3A_543 = arith.constant 64 : index
              %get3A_544 = tpu.vector_load %arg9[%get3A_541, %get3A_542, %get3A_543] {strides = array<i32>} : memref<2x64x256xf32, #tpu.memory_space<vmem>>, vector<16xf32>,
              %mul3A_545 = arith.mulf %get3A_544, %get3A_214 : vector<16xf32>
              %add3A_546 = arith.addf %add3A_538, %mul3A_545 : vector<16xf32>
              %mul3A_547 = arith.mulf %get3A_544, %get3A_544 : vector<16xf32>
              %add3A_548 = arith.addf %add3A_540, %mul3A_547 : vector<16xf32>
              %get3A_549 = arith.index_cast %and3A_85 : i32 to index
              %get3A_550 = arith.index_cast %add3A_504 : i32 to index
              %get3A_551 = arith.constant 80 : index
              %get3A_552 = tpu.vector_load %arg9[%get3A_549, %get3A_550, %get3A_551] {strides = array<i32>} : memref<2x64x256xf32, #tpu.memory_space<vmem>>, vector<16xf32>,
              %mul3A_553 = arith.mulf %get3A_552, %get3A_217 : vector<16xf32>
              %add3A_554 = arith.addf %add3A_546, %mul3A_553 : vector<16xf32>
              %mul3A_555 = arith.mulf %get3A_552, %get3A_552 : vector<16xf32>
              %add3A_556 = arith.addf %add3A_548, %mul3A_555 : vector<16xf32>
              %get3A_557 = arith.index_cast %and3A_85 : i32 to index
              %get3A_558 = arith.index_cast %add3A_504 : i32 to index
              %get3A_559 = arith.constant 96 : index
              %get3A_560 = tpu.vector_load %arg9[%get3A_557, %get3A_558, %get3A_559] {strides = array<i32>} : memref<2x64x256xf32, #tpu.memory_space<vmem>>, vector<16xf32>,
              %mul3A_561 = arith.mulf %get3A_560, %get3A_220 : vector<16xf32>
              %add3A_562 = arith.addf %add3A_554, %mul3A_561 : vector<16xf32>
              %mul3A_563 = arith.mulf %get3A_560, %get3A_560 : vector<16xf32>
              %add3A_564 = arith.addf %add3A_556, %mul3A_563 : vector<16xf32>
              %get3A_565 = arith.index_cast %and3A_85 : i32 to index
              %get3A_566 = arith.index_cast %add3A_504 : i32 to index
              %get3A_567 = arith.constant 112 : index
              %get3A_568 = tpu.vector_load %arg9[%get3A_565, %get3A_566, %get3A_567] {strides = array<i32>} : memref<2x64x256xf32, #tpu.memory_space<vmem>>, vector<16xf32>,
              %mul3A_569 = arith.mulf %get3A_568, %get3A_223 : vector<16xf32>
              %add3A_570 = arith.addf %add3A_562, %mul3A_569 : vector<16xf32>
              %mul3A_571 = arith.mulf %get3A_568, %get3A_568 : vector<16xf32>
              %add3A_572 = arith.addf %add3A_564, %mul3A_571 : vector<16xf32>
              %get3A_573 = arith.index_cast %and3A_85 : i32 to index
              %get3A_574 = arith.index_cast %add3A_504 : i32 to index
              %get3A_575 = arith.constant 128 : index
              %get3A_576 = tpu.vector_load %arg9[%get3A_573, %get3A_574, %get3A_575] {strides = array<i32>} : memref<2x64x256xf32, #tpu.memory_space<vmem>>, vector<16xf32>,
              %mul3A_577 = arith.mulf %get3A_576, %get3A_226 : vector<16xf32>
              %add3A_578 = arith.addf %add3A_570, %mul3A_577 : vector<16xf32>
              %mul3A_579 = arith.mulf %get3A_576, %get3A_576 : vector<16xf32>
              %add3A_580 = arith.addf %add3A_572, %mul3A_579 : vector<16xf32>
              %get3A_581 = arith.index_cast %and3A_85 : i32 to index
              %get3A_582 = arith.index_cast %add3A_504 : i32 to index
              %get3A_583 = arith.constant 144 : index
              %get3A_584 = tpu.vector_load %arg9[%get3A_581, %get3A_582, %get3A_583] {strides = array<i32>} : memref<2x64x256xf32, #tpu.memory_space<vmem>>, vector<16xf32>,
              %mul3A_585 = arith.mulf %get3A_584, %get3A_229 : vector<16xf32>
              %add3A_586 = arith.addf %add3A_578, %mul3A_585 : vector<16xf32>
              %mul3A_587 = arith.mulf %get3A_584, %get3A_584 : vector<16xf32>
              %add3A_588 = arith.addf %add3A_580, %mul3A_587 : vector<16xf32>
              %get3A_589 = arith.index_cast %and3A_85 : i32 to index
              %get3A_590 = arith.index_cast %add3A_504 : i32 to index
              %get3A_591 = arith.constant 160 : index
              %get3A_592 = tpu.vector_load %arg9[%get3A_589, %get3A_590, %get3A_591] {strides = array<i32>} : memref<2x64x256xf32, #tpu.memory_space<vmem>>, vector<16xf32>,
              %mul3A_593 = arith.mulf %get3A_592, %get3A_232 : vector<16xf32>
              %add3A_594 = arith.addf %add3A_586, %mul3A_593 : vector<16xf32>
              %mul3A_595 = arith.mulf %get3A_592, %get3A_592 : vector<16xf32>
              %add3A_596 = arith.addf %add3A_588, %mul3A_595 : vector<16xf32>
              %get3A_597 = arith.index_cast %and3A_85 : i32 to index
              %get3A_598 = arith.index_cast %add3A_504 : i32 to index
              %get3A_599 = arith.constant 176 : index
              %get3A_600 = tpu.vector_load %arg9[%get3A_597, %get3A_598, %get3A_599] {strides = array<i32>} : memref<2x64x256xf32, #tpu.memory_space<vmem>>, vector<16xf32>,
              %mul3A_601 = arith.mulf %get3A_600, %get3A_235 : vector<16xf32>
              %add3A_602 = arith.addf %add3A_594, %mul3A_601 : vector<16xf32>
              %mul3A_603 = arith.mulf %get3A_600, %get3A_600 : vector<16xf32>
              %add3A_604 = arith.addf %add3A_596, %mul3A_603 : vector<16xf32>
              %get3A_605 = arith.index_cast %and3A_85 : i32 to index
              %get3A_606 = arith.index_cast %add3A_504 : i32 to index
              %get3A_607 = arith.constant 192 : index
              %get3A_608 = tpu.vector_load %arg9[%get3A_605, %get3A_606, %get3A_607] {strides = array<i32>} : memref<2x64x256xf32, #tpu.memory_space<vmem>>, vector<16xf32>,
              %mul3A_609 = arith.mulf %get3A_608, %get3A_238 : vector<16xf32>
              %add3A_610 = arith.addf %add3A_602, %mul3A_609 : vector<16xf32>
              %mul3A_611 = arith.mulf %get3A_608, %get3A_608 : vector<16xf32>
              %add3A_612 = arith.addf %add3A_604, %mul3A_611 : vector<16xf32>
              %get3A_613 = arith.index_cast %and3A_85 : i32 to index
              %get3A_614 = arith.index_cast %add3A_504 : i32 to index
              %get3A_615 = arith.constant 208 : index
              %get3A_616 = tpu.vector_load %arg9[%get3A_613, %get3A_614, %get3A_615] {strides = array<i32>} : memref<2x64x256xf32, #tpu.memory_space<vmem>>, vector<16xf32>,
              %mul3A_617 = arith.mulf %get3A_616, %get3A_241 : vector<16xf32>
              %add3A_618 = arith.addf %add3A_610, %mul3A_617 : vector<16xf32>
              %mul3A_619 = arith.mulf %get3A_616, %get3A_616 : vector<16xf32>
              %add3A_620 = arith.addf %add3A_612, %mul3A_619 : vector<16xf32>
              %get3A_621 = arith.index_cast %and3A_85 : i32 to index
              %get3A_622 = arith.index_cast %add3A_504 : i32 to index
              %get3A_623 = arith.constant 224 : index
              %get3A_624 = tpu.vector_load %arg9[%get3A_621, %get3A_622, %get3A_623] {strides = array<i32>} : memref<2x64x256xf32, #tpu.memory_space<vmem>>, vector<16xf32>,
              %mul3A_625 = arith.mulf %get3A_624, %get3A_244 : vector<16xf32>
              %add3A_626 = arith.addf %add3A_618, %mul3A_625 : vector<16xf32>
              %mul3A_627 = arith.mulf %get3A_624, %get3A_624 : vector<16xf32>
              %add3A_628 = arith.addf %add3A_620, %mul3A_627 : vector<16xf32>
              %get3A_629 = arith.index_cast %and3A_85 : i32 to index
              %get3A_630 = arith.index_cast %add3A_504 : i32 to index
              %get3A_631 = arith.constant 240 : index
              %get3A_632 = tpu.vector_load %arg9[%get3A_629, %get3A_630, %get3A_631] {strides = array<i32>} : memref<2x64x256xf32, #tpu.memory_space<vmem>>, vector<16xf32>,
              %mul3A_633 = arith.mulf %get3A_632, %get3A_247 : vector<16xf32>
              %add3A_634 = arith.addf %add3A_626, %mul3A_633 : vector<16xf32>
              %mul3A_635 = arith.mulf %get3A_632, %get3A_632 : vector<16xf32>
              %add3A_636 = arith.addf %add3A_628, %mul3A_635 : vector<16xf32>
              %reduce_sum3A = arith.constant true
              %reduce_sum3A_637 = vector.broadcast %reduce_sum3A : i1 to vector<16xi1>
              %reduce_sum3A_638 = tpu.scan <sum>, %add3A_634 masked %reduce_sum3A_637 : vector<16xf32>, vector<16xi1> -> vector<16xf32>
              %reduce_sum3A_639 = vector.extract %reduce_sum3A_638[15] : f32 from vector<16xf32>
              %abs3A = math.absf %reduce_sum3A_639 : f32
              %mul3A_640 = arith.mulf %reduce_sum3A_639, %abs3A : f32
              %reduce_sum3A_641 = arith.constant true
              %reduce_sum3A_642 = vector.broadcast %reduce_sum3A_641 : i1 to vector<16xi1>
              %reduce_sum3A_643 = tpu.scan <sum>, %add3A_636 masked %reduce_sum3A_642 : vector<16xf32>, vector<16xi1> -> vector<16xf32>
              %reduce_sum3A_644 = vector.extract %reduce_sum3A_643[15] : f32 from vector<16xf32>
              %max3A = arith.constant 1.000000e-30 : f32
              %max3A_645 = arith.maximumf %reduce_sum3A_644, %max3A : f32
              %mul3A_646 = arith.mulf %mul3A_640, %scan3A_499 : f32
              %mul3A_647 = arith.mulf %scan3A_498, %max3A_645 : f32
              %gt3A_648 = arith.cmpf ogt, %mul3A_646, %mul3A_647 : f32
              %select_n3A = arith.select %gt3A_648, %mul3A_640, %scan3A_498 : f32
              %select_n3A_649 = arith.select %gt3A_648, %max3A_645, %scan3A_499 : f32
              %select_n3A_650 = arith.select %gt3A_648, %add3A_504, %scan3A_500 : i32
              %mul3A_651 = arith.constant 4 : i32
              %mul3A_652 = arith.muli %scan3A_497, %mul3A_651 : i32
              %add3A_653 = arith.constant 1 : i32
              %add3A_654 = arith.addi %mul3A_652, %add3A_653 : i32
              %broadcast_in_dim3A_655 = arith.constant 0.000000e+00 : f32
              %broadcast_in_dim3A_656 = vector.broadcast %broadcast_in_dim3A_655 : f32 to vector<16xf32>
              %broadcast_in_dim3A_657 = arith.constant 0.000000e+00 : f32
              %broadcast_in_dim3A_658 = vector.broadcast %broadcast_in_dim3A_657 : f32 to vector<16xf32>
              %get3A_659 = arith.index_cast %and3A_85 : i32 to index
              %get3A_660 = arith.index_cast %add3A_654 : i32 to index
              %get3A_661 = arith.constant 0 : index
              %get3A_662 = tpu.vector_load %arg9[%get3A_659, %get3A_660, %get3A_661] {strides = array<i32>} : memref<2x64x256xf32, #tpu.memory_space<vmem>>, vector<16xf32>,
              %mul3A_663 = arith.mulf %get3A_662, %get3A_202 : vector<16xf32>
              %add3A_664 = arith.addf %broadcast_in_dim3A_656, %mul3A_663 : vector<16xf32>
              %mul3A_665 = arith.mulf %get3A_662, %get3A_662 : vector<16xf32>
              %add3A_666 = arith.addf %broadcast_in_dim3A_658, %mul3A_665 : vector<16xf32>
              %get3A_667 = arith.index_cast %and3A_85 : i32 to index
              %get3A_668 = arith.index_cast %add3A_654 : i32 to index
              %get3A_669 = arith.constant 16 : index
              %get3A_670 = tpu.vector_load %arg9[%get3A_667, %get3A_668, %get3A_669] {strides = array<i32>} : memref<2x64x256xf32, #tpu.memory_space<vmem>>, vector<16xf32>,
              %mul3A_671 = arith.mulf %get3A_670, %get3A_205 : vector<16xf32>
              %add3A_672 = arith.addf %add3A_664, %mul3A_671 : vector<16xf32>
              %mul3A_673 = arith.mulf %get3A_670, %get3A_670 : vector<16xf32>
              %add3A_674 = arith.addf %add3A_666, %mul3A_673 : vector<16xf32>
              %get3A_675 = arith.index_cast %and3A_85 : i32 to index
              %get3A_676 = arith.index_cast %add3A_654 : i32 to index
              %get3A_677 = arith.constant 32 : index
              %get3A_678 = tpu.vector_load %arg9[%get3A_675, %get3A_676, %get3A_677] {strides = array<i32>} : memref<2x64x256xf32, #tpu.memory_space<vmem>>, vector<16xf32>,
              %mul3A_679 = arith.mulf %get3A_678, %get3A_208 : vector<16xf32>
              %add3A_680 = arith.addf %add3A_672, %mul3A_679 : vector<16xf32>
              %mul3A_681 = arith.mulf %get3A_678, %get3A_678 : vector<16xf32>
              %add3A_682 = arith.addf %add3A_674, %mul3A_681 : vector<16xf32>
              %get3A_683 = arith.index_cast %and3A_85 : i32 to index
              %get3A_684 = arith.index_cast %add3A_654 : i32 to index
              %get3A_685 = arith.constant 48 : index
              %get3A_686 = tpu.vector_load %arg9[%get3A_683, %get3A_684, %get3A_685] {strides = array<i32>} : memref<2x64x256xf32, #tpu.memory_space<vmem>>, vector<16xf32>,
              %mul3A_687 = arith.mulf %get3A_686, %get3A_211 : vector<16xf32>
              %add3A_688 = arith.addf %add3A_680, %mul3A_687 : vector<16xf32>
              %mul3A_689 = arith.mulf %get3A_686, %get3A_686 : vector<16xf32>
              %add3A_690 = arith.addf %add3A_682, %mul3A_689 : vector<16xf32>
              %get3A_691 = arith.index_cast %and3A_85 : i32 to index
              %get3A_692 = arith.index_cast %add3A_654 : i32 to index
              %get3A_693 = arith.constant 64 : index
              %get3A_694 = tpu.vector_load %arg9[%get3A_691, %get3A_692, %get3A_693] {strides = array<i32>} : memref<2x64x256xf32, #tpu.memory_space<vmem>>, vector<16xf32>,
              %mul3A_695 = arith.mulf %get3A_694, %get3A_214 : vector<16xf32>
              %add3A_696 = arith.addf %add3A_688, %mul3A_695 : vector<16xf32>
              %mul3A_697 = arith.mulf %get3A_694, %get3A_694 : vector<16xf32>
              %add3A_698 = arith.addf %add3A_690, %mul3A_697 : vector<16xf32>
              %get3A_699 = arith.index_cast %and3A_85 : i32 to index
              %get3A_700 = arith.index_cast %add3A_654 : i32 to index
              %get3A_701 = arith.constant 80 : index
              %get3A_702 = tpu.vector_load %arg9[%get3A_699, %get3A_700, %get3A_701] {strides = array<i32>} : memref<2x64x256xf32, #tpu.memory_space<vmem>>, vector<16xf32>,
              %mul3A_703 = arith.mulf %get3A_702, %get3A_217 : vector<16xf32>
              %add3A_704 = arith.addf %add3A_696, %mul3A_703 : vector<16xf32>
              %mul3A_705 = arith.mulf %get3A_702, %get3A_702 : vector<16xf32>
              %add3A_706 = arith.addf %add3A_698, %mul3A_705 : vector<16xf32>
              %get3A_707 = arith.index_cast %and3A_85 : i32 to index
              %get3A_708 = arith.index_cast %add3A_654 : i32 to index
              %get3A_709 = arith.constant 96 : index
              %get3A_710 = tpu.vector_load %arg9[%get3A_707, %get3A_708, %get3A_709] {strides = array<i32>} : memref<2x64x256xf32, #tpu.memory_space<vmem>>, vector<16xf32>,
              %mul3A_711 = arith.mulf %get3A_710, %get3A_220 : vector<16xf32>
              %add3A_712 = arith.addf %add3A_704, %mul3A_711 : vector<16xf32>
              %mul3A_713 = arith.mulf %get3A_710, %get3A_710 : vector<16xf32>
              %add3A_714 = arith.addf %add3A_706, %mul3A_713 : vector<16xf32>
              %get3A_715 = arith.index_cast %and3A_85 : i32 to index
              %get3A_716 = arith.index_cast %add3A_654 : i32 to index
              %get3A_717 = arith.constant 112 : index
              %get3A_718 = tpu.vector_load %arg9[%get3A_715, %get3A_716, %get3A_717] {strides = array<i32>} : memref<2x64x256xf32, #tpu.memory_space<vmem>>, vector<16xf32>,
              %mul3A_719 = arith.mulf %get3A_718, %get3A_223 : vector<16xf32>
              %add3A_720 = arith.addf %add3A_712, %mul3A_719 : vector<16xf32>
              %mul3A_721 = arith.mulf %get3A_718, %get3A_718 : vector<16xf32>
              %add3A_722 = arith.addf %add3A_714, %mul3A_721 : vector<16xf32>
              %get3A_723 = arith.index_cast %and3A_85 : i32 to index
              %get3A_724 = arith.index_cast %add3A_654 : i32 to index
              %get3A_725 = arith.constant 128 : index
              %get3A_726 = tpu.vector_load %arg9[%get3A_723, %get3A_724, %get3A_725] {strides = array<i32>} : memref<2x64x256xf32, #tpu.memory_space<vmem>>, vector<16xf32>,
              %mul3A_727 = arith.mulf %get3A_726, %get3A_226 : vector<16xf32>
              %add3A_728 = arith.addf %add3A_720, %mul3A_727 : vector<16xf32>
              %mul3A_729 = arith.mulf %get3A_726, %get3A_726 : vector<16xf32>
              %add3A_730 = arith.addf %add3A_722, %mul3A_729 : vector<16xf32>
              %get3A_731 = arith.index_cast %and3A_85 : i32 to index
              %get3A_732 = arith.index_cast %add3A_654 : i32 to index
              %get3A_733 = arith.constant 144 : index
              %get3A_734 = tpu.vector_load %arg9[%get3A_731, %get3A_732, %get3A_733] {strides = array<i32>} : memref<2x64x256xf32, #tpu.memory_space<vmem>>, vector<16xf32>,
              %mul3A_735 = arith.mulf %get3A_734, %get3A_229 : vector<16xf32>
              %add3A_736 = arith.addf %add3A_728, %mul3A_735 : vector<16xf32>
              %mul3A_737 = arith.mulf %get3A_734, %get3A_734 : vector<16xf32>
              %add3A_738 = arith.addf %add3A_730, %mul3A_737 : vector<16xf32>
              %get3A_739 = arith.index_cast %and3A_85 : i32 to index
              %get3A_740 = arith.index_cast %add3A_654 : i32 to index
              %get3A_741 = arith.constant 160 : index
              %get3A_742 = tpu.vector_load %arg9[%get3A_739, %get3A_740, %get3A_741] {strides = array<i32>} : memref<2x64x256xf32, #tpu.memory_space<vmem>>, vector<16xf32>,
              %mul3A_743 = arith.mulf %get3A_742, %get3A_232 : vector<16xf32>
              %add3A_744 = arith.addf %add3A_736, %mul3A_743 : vector<16xf32>
              %mul3A_745 = arith.mulf %get3A_742, %get3A_742 : vector<16xf32>
              %add3A_746 = arith.addf %add3A_738, %mul3A_745 : vector<16xf32>
              %get3A_747 = arith.index_cast %and3A_85 : i32 to index
              %get3A_748 = arith.index_cast %add3A_654 : i32 to index
              %get3A_749 = arith.constant 176 : index
              %get3A_750 = tpu.vector_load %arg9[%get3A_747, %get3A_748, %get3A_749] {strides = array<i32>} : memref<2x64x256xf32, #tpu.memory_space<vmem>>, vector<16xf32>,
              %mul3A_751 = arith.mulf %get3A_750, %get3A_235 : vector<16xf32>
              %add3A_752 = arith.addf %add3A_744, %mul3A_751 : vector<16xf32>
              %mul3A_753 = arith.mulf %get3A_750, %get3A_750 : vector<16xf32>
              %add3A_754 = arith.addf %add3A_746, %mul3A_753 : vector<16xf32>
              %get3A_755 = arith.index_cast %and3A_85 : i32 to index
              %get3A_756 = arith.index_cast %add3A_654 : i32 to index
              %get3A_757 = arith.constant 192 : index
              %get3A_758 = tpu.vector_load %arg9[%get3A_755, %get3A_756, %get3A_757] {strides = array<i32>} : memref<2x64x256xf32, #tpu.memory_space<vmem>>, vector<16xf32>,
              %mul3A_759 = arith.mulf %get3A_758, %get3A_238 : vector<16xf32>
              %add3A_760 = arith.addf %add3A_752, %mul3A_759 : vector<16xf32>
              %mul3A_761 = arith.mulf %get3A_758, %get3A_758 : vector<16xf32>
              %add3A_762 = arith.addf %add3A_754, %mul3A_761 : vector<16xf32>
              %get3A_763 = arith.index_cast %and3A_85 : i32 to index
              %get3A_764 = arith.index_cast %add3A_654 : i32 to index
              %get3A_765 = arith.constant 208 : index
              %get3A_766 = tpu.vector_load %arg9[%get3A_763, %get3A_764, %get3A_765] {strides = array<i32>} : memref<2x64x256xf32, #tpu.memory_space<vmem>>, vector<16xf32>,
              %mul3A_767 = arith.mulf %get3A_766, %get3A_241 : vector<16xf32>
              %add3A_768 = arith.addf %add3A_760, %mul3A_767 : vector<16xf32>
              %mul3A_769 = arith.mulf %get3A_766, %get3A_766 : vector<16xf32>
              %add3A_770 = arith.addf %add3A_762, %mul3A_769 : vector<16xf32>
              %get3A_771 = arith.index_cast %and3A_85 : i32 to index
              %get3A_772 = arith.index_cast %add3A_654 : i32 to index
              %get3A_773 = arith.constant 224 : index
              %get3A_774 = tpu.vector_load %arg9[%get3A_771, %get3A_772, %get3A_773] {strides = array<i32>} : memref<2x64x256xf32, #tpu.memory_space<vmem>>, vector<16xf32>,
              %mul3A_775 = arith.mulf %get3A_774, %get3A_244 : vector<16xf32>
              %add3A_776 = arith.addf %add3A_768, %mul3A_775 : vector<16xf32>
              %mul3A_777 = arith.mulf %get3A_774, %get3A_774 : vector<16xf32>
              %add3A_778 = arith.addf %add3A_770, %mul3A_777 : vector<16xf32>
              %get3A_779 = arith.index_cast %and3A_85 : i32 to index
              %get3A_780 = arith.index_cast %add3A_654 : i32 to index
              %get3A_781 = arith.constant 240 : index
              %get3A_782 = tpu.vector_load %arg9[%get3A_779, %get3A_780, %get3A_781] {strides = array<i32>} : memref<2x64x256xf32, #tpu.memory_space<vmem>>, vector<16xf32>,
              %mul3A_783 = arith.mulf %get3A_782, %get3A_247 : vector<16xf32>
              %add3A_784 = arith.addf %add3A_776, %mul3A_783 : vector<16xf32>
              %mul3A_785 = arith.mulf %get3A_782, %get3A_782 : vector<16xf32>
              %add3A_786 = arith.addf %add3A_778, %mul3A_785 : vector<16xf32>
              %reduce_sum3A_787 = arith.constant true
              %reduce_sum3A_788 = vector.broadcast %reduce_sum3A_787 : i1 to vector<16xi1>
              %reduce_sum3A_789 = tpu.scan <sum>, %add3A_784 masked %reduce_sum3A_788 : vector<16xf32>, vector<16xi1> -> vector<16xf32>
              %reduce_sum3A_790 = vector.extract %reduce_sum3A_789[15] : f32 from vector<16xf32>
              %abs3A_791 = math.absf %reduce_sum3A_790 : f32
              %mul3A_792 = arith.mulf %reduce_sum3A_790, %abs3A_791 : f32
              %reduce_sum3A_793 = arith.constant true
              %reduce_sum3A_794 = vector.broadcast %reduce_sum3A_793 : i1 to vector<16xi1>
              %reduce_sum3A_795 = tpu.scan <sum>, %add3A_786 masked %reduce_sum3A_794 : vector<16xf32>, vector<16xi1> -> vector<16xf32>
              %reduce_sum3A_796 = vector.extract %reduce_sum3A_795[15] : f32 from vector<16xf32>
              %max3A_797 = arith.constant 1.000000e-30 : f32
              %max3A_798 = arith.maximumf %reduce_sum3A_796, %max3A_797 : f32
              %mul3A_799 = arith.mulf %mul3A_792, %select_n3A_649 : f32
              %mul3A_800 = arith.mulf %select_n3A, %max3A_798 : f32
              %gt3A_801 = arith.cmpf ogt, %mul3A_799, %mul3A_800 : f32
              %select_n3A_802 = arith.select %gt3A_801, %mul3A_792, %select_n3A : f32
              %select_n3A_803 = arith.select %gt3A_801, %max3A_798, %select_n3A_649 : f32
              %select_n3A_804 = arith.select %gt3A_801, %add3A_654, %select_n3A_650 : i32
              %mul3A_805 = arith.constant 4 : i32
              %mul3A_806 = arith.muli %scan3A_497, %mul3A_805 : i32
              %add3A_807 = arith.constant 2 : i32
              %add3A_808 = arith.addi %mul3A_806, %add3A_807 : i32
              %broadcast_in_dim3A_809 = arith.constant 0.000000e+00 : f32
              %broadcast_in_dim3A_810 = vector.broadcast %broadcast_in_dim3A_809 : f32 to vector<16xf32>
              %broadcast_in_dim3A_811 = arith.constant 0.000000e+00 : f32
              %broadcast_in_dim3A_812 = vector.broadcast %broadcast_in_dim3A_811 : f32 to vector<16xf32>
              %get3A_813 = arith.index_cast %and3A_85 : i32 to index
              %get3A_814 = arith.index_cast %add3A_808 : i32 to index
              %get3A_815 = arith.constant 0 : index
              %get3A_816 = tpu.vector_load %arg9[%get3A_813, %get3A_814, %get3A_815] {strides = array<i32>} : memref<2x64x256xf32, #tpu.memory_space<vmem>>, vector<16xf32>,
              %mul3A_817 = arith.mulf %get3A_816, %get3A_202 : vector<16xf32>
              %add3A_818 = arith.addf %broadcast_in_dim3A_810, %mul3A_817 : vector<16xf32>
              %mul3A_819 = arith.mulf %get3A_816, %get3A_816 : vector<16xf32>
              %add3A_820 = arith.addf %broadcast_in_dim3A_812, %mul3A_819 : vector<16xf32>
              %get3A_821 = arith.index_cast %and3A_85 : i32 to index
              %get3A_822 = arith.index_cast %add3A_808 : i32 to index
              %get3A_823 = arith.constant 16 : index
              %get3A_824 = tpu.vector_load %arg9[%get3A_821, %get3A_822, %get3A_823] {strides = array<i32>} : memref<2x64x256xf32, #tpu.memory_space<vmem>>, vector<16xf32>,
              %mul3A_825 = arith.mulf %get3A_824, %get3A_205 : vector<16xf32>
              %add3A_826 = arith.addf %add3A_818, %mul3A_825 : vector<16xf32>
              %mul3A_827 = arith.mulf %get3A_824, %get3A_824 : vector<16xf32>
              %add3A_828 = arith.addf %add3A_820, %mul3A_827 : vector<16xf32>
              %get3A_829 = arith.index_cast %and3A_85 : i32 to index
              %get3A_830 = arith.index_cast %add3A_808 : i32 to index
              %get3A_831 = arith.constant 32 : index
              %get3A_832 = tpu.vector_load %arg9[%get3A_829, %get3A_830, %get3A_831] {strides = array<i32>} : memref<2x64x256xf32, #tpu.memory_space<vmem>>, vector<16xf32>,
              %mul3A_833 = arith.mulf %get3A_832, %get3A_208 : vector<16xf32>
              %add3A_834 = arith.addf %add3A_826, %mul3A_833 : vector<16xf32>
              %mul3A_835 = arith.mulf %get3A_832, %get3A_832 : vector<16xf32>
              %add3A_836 = arith.addf %add3A_828, %mul3A_835 : vector<16xf32>
              %get3A_837 = arith.index_cast %and3A_85 : i32 to index
              %get3A_838 = arith.index_cast %add3A_808 : i32 to index
              %get3A_839 = arith.constant 48 : index
              %get3A_840 = tpu.vector_load %arg9[%get3A_837, %get3A_838, %get3A_839] {strides = array<i32>} : memref<2x64x256xf32, #tpu.memory_space<vmem>>, vector<16xf32>,
              %mul3A_841 = arith.mulf %get3A_840, %get3A_211 : vector<16xf32>
              %add3A_842 = arith.addf %add3A_834, %mul3A_841 : vector<16xf32>
              %mul3A_843 = arith.mulf %get3A_840, %get3A_840 : vector<16xf32>
              %add3A_844 = arith.addf %add3A_836, %mul3A_843 : vector<16xf32>
              %get3A_845 = arith.index_cast %and3A_85 : i32 to index
              %get3A_846 = arith.index_cast %add3A_808 : i32 to index
              %get3A_847 = arith.constant 64 : index
              %get3A_848 = tpu.vector_load %arg9[%get3A_845, %get3A_846, %get3A_847] {strides = array<i32>} : memref<2x64x256xf32, #tpu.memory_space<vmem>>, vector<16xf32>,
              %mul3A_849 = arith.mulf %get3A_848, %get3A_214 : vector<16xf32>
              %add3A_850 = arith.addf %add3A_842, %mul3A_849 : vector<16xf32>
              %mul3A_851 = arith.mulf %get3A_848, %get3A_848 : vector<16xf32>
              %add3A_852 = arith.addf %add3A_844, %mul3A_851 : vector<16xf32>
              %get3A_853 = arith.index_cast %and3A_85 : i32 to index
              %get3A_854 = arith.index_cast %add3A_808 : i32 to index
              %get3A_855 = arith.constant 80 : index
              %get3A_856 = tpu.vector_load %arg9[%get3A_853, %get3A_854, %get3A_855] {strides = array<i32>} : memref<2x64x256xf32, #tpu.memory_space<vmem>>, vector<16xf32>,
              %mul3A_857 = arith.mulf %get3A_856, %get3A_217 : vector<16xf32>
              %add3A_858 = arith.addf %add3A_850, %mul3A_857 : vector<16xf32>
              %mul3A_859 = arith.mulf %get3A_856, %get3A_856 : vector<16xf32>
              %add3A_860 = arith.addf %add3A_852, %mul3A_859 : vector<16xf32>
              %get3A_861 = arith.index_cast %and3A_85 : i32 to index
              %get3A_862 = arith.index_cast %add3A_808 : i32 to index
              %get3A_863 = arith.constant 96 : index
              %get3A_864 = tpu.vector_load %arg9[%get3A_861, %get3A_862, %get3A_863] {strides = array<i32>} : memref<2x64x256xf32, #tpu.memory_space<vmem>>, vector<16xf32>,
              %mul3A_865 = arith.mulf %get3A_864, %get3A_220 : vector<16xf32>
              %add3A_866 = arith.addf %add3A_858, %mul3A_865 : vector<16xf32>
              %mul3A_867 = arith.mulf %get3A_864, %get3A_864 : vector<16xf32>
              %add3A_868 = arith.addf %add3A_860, %mul3A_867 : vector<16xf32>
              %get3A_869 = arith.index_cast %and3A_85 : i32 to index
              %get3A_870 = arith.index_cast %add3A_808 : i32 to index
              %get3A_871 = arith.constant 112 : index
              %get3A_872 = tpu.vector_load %arg9[%get3A_869, %get3A_870, %get3A_871] {strides = array<i32>} : memref<2x64x256xf32, #tpu.memory_space<vmem>>, vector<16xf32>,
              %mul3A_873 = arith.mulf %get3A_872, %get3A_223 : vector<16xf32>
              %add3A_874 = arith.addf %add3A_866, %mul3A_873 : vector<16xf32>
              %mul3A_875 = arith.mulf %get3A_872, %get3A_872 : vector<16xf32>
              %add3A_876 = arith.addf %add3A_868, %mul3A_875 : vector<16xf32>
              %get3A_877 = arith.index_cast %and3A_85 : i32 to index
              %get3A_878 = arith.index_cast %add3A_808 : i32 to index
              %get3A_879 = arith.constant 128 : index
              %get3A_880 = tpu.vector_load %arg9[%get3A_877, %get3A_878, %get3A_879] {strides = array<i32>} : memref<2x64x256xf32, #tpu.memory_space<vmem>>, vector<16xf32>,
              %mul3A_881 = arith.mulf %get3A_880, %get3A_226 : vector<16xf32>
              %add3A_882 = arith.addf %add3A_874, %mul3A_881 : vector<16xf32>
              %mul3A_883 = arith.mulf %get3A_880, %get3A_880 : vector<16xf32>
              %add3A_884 = arith.addf %add3A_876, %mul3A_883 : vector<16xf32>
              %get3A_885 = arith.index_cast %and3A_85 : i32 to index
              %get3A_886 = arith.index_cast %add3A_808 : i32 to index
              %get3A_887 = arith.constant 144 : index
              %get3A_888 = tpu.vector_load %arg9[%get3A_885, %get3A_886, %get3A_887] {strides = array<i32>} : memref<2x64x256xf32, #tpu.memory_space<vmem>>, vector<16xf32>,
              %mul3A_889 = arith.mulf %get3A_888, %get3A_229 : vector<16xf32>
              %add3A_890 = arith.addf %add3A_882, %mul3A_889 : vector<16xf32>
              %mul3A_891 = arith.mulf %get3A_888, %get3A_888 : vector<16xf32>
              %add3A_892 = arith.addf %add3A_884, %mul3A_891 : vector<16xf32>
              %get3A_893 = arith.index_cast %and3A_85 : i32 to index
              %get3A_894 = arith.index_cast %add3A_808 : i32 to index
              %get3A_895 = arith.constant 160 : index
              %get3A_896 = tpu.vector_load %arg9[%get3A_893, %get3A_894, %get3A_895] {strides = array<i32>} : memref<2x64x256xf32, #tpu.memory_space<vmem>>, vector<16xf32>,
              %mul3A_897 = arith.mulf %get3A_896, %get3A_232 : vector<16xf32>
              %add3A_898 = arith.addf %add3A_890, %mul3A_897 : vector<16xf32>
              %mul3A_899 = arith.mulf %get3A_896, %get3A_896 : vector<16xf32>
              %add3A_900 = arith.addf %add3A_892, %mul3A_899 : vector<16xf32>
              %get3A_901 = arith.index_cast %and3A_85 : i32 to index
              %get3A_902 = arith.index_cast %add3A_808 : i32 to index
              %get3A_903 = arith.constant 176 : index
              %get3A_904 = tpu.vector_load %arg9[%get3A_901, %get3A_902, %get3A_903] {strides = array<i32>} : memref<2x64x256xf32, #tpu.memory_space<vmem>>, vector<16xf32>,
              %mul3A_905 = arith.mulf %get3A_904, %get3A_235 : vector<16xf32>
              %add3A_906 = arith.addf %add3A_898, %mul3A_905 : vector<16xf32>
              %mul3A_907 = arith.mulf %get3A_904, %get3A_904 : vector<16xf32>
              %add3A_908 = arith.addf %add3A_900, %mul3A_907 : vector<16xf32>
              %get3A_909 = arith.index_cast %and3A_85 : i32 to index
              %get3A_910 = arith.index_cast %add3A_808 : i32 to index
              %get3A_911 = arith.constant 192 : index
              %get3A_912 = tpu.vector_load %arg9[%get3A_909, %get3A_910, %get3A_911] {strides = array<i32>} : memref<2x64x256xf32, #tpu.memory_space<vmem>>, vector<16xf32>,
              %mul3A_913 = arith.mulf %get3A_912, %get3A_238 : vector<16xf32>
              %add3A_914 = arith.addf %add3A_906, %mul3A_913 : vector<16xf32>
              %mul3A_915 = arith.mulf %get3A_912, %get3A_912 : vector<16xf32>
              %add3A_916 = arith.addf %add3A_908, %mul3A_915 : vector<16xf32>
              %get3A_917 = arith.index_cast %and3A_85 : i32 to index
              %get3A_918 = arith.index_cast %add3A_808 : i32 to index
              %get3A_919 = arith.constant 208 : index
              %get3A_920 = tpu.vector_load %arg9[%get3A_917, %get3A_918, %get3A_919] {strides = array<i32>} : memref<2x64x256xf32, #tpu.memory_space<vmem>>, vector<16xf32>,
              %mul3A_921 = arith.mulf %get3A_920, %get3A_241 : vector<16xf32>
              %add3A_922 = arith.addf %add3A_914, %mul3A_921 : vector<16xf32>
              %mul3A_923 = arith.mulf %get3A_920, %get3A_920 : vector<16xf32>
              %add3A_924 = arith.addf %add3A_916, %mul3A_923 : vector<16xf32>
              %get3A_925 = arith.index_cast %and3A_85 : i32 to index
              %get3A_926 = arith.index_cast %add3A_808 : i32 to index
              %get3A_927 = arith.constant 224 : index
              %get3A_928 = tpu.vector_load %arg9[%get3A_925, %get3A_926, %get3A_927] {strides = array<i32>} : memref<2x64x256xf32, #tpu.memory_space<vmem>>, vector<16xf32>,
              %mul3A_929 = arith.mulf %get3A_928, %get3A_244 : vector<16xf32>
              %add3A_930 = arith.addf %add3A_922, %mul3A_929 : vector<16xf32>
              %mul3A_931 = arith.mulf %get3A_928, %get3A_928 : vector<16xf32>
              %add3A_932 = arith.addf %add3A_924, %mul3A_931 : vector<16xf32>
              %get3A_933 = arith.index_cast %and3A_85 : i32 to index
              %get3A_934 = arith.index_cast %add3A_808 : i32 to index
              %get3A_935 = arith.constant 240 : index
              %get3A_936 = tpu.vector_load %arg9[%get3A_933, %get3A_934, %get3A_935] {strides = array<i32>} : memref<2x64x256xf32, #tpu.memory_space<vmem>>, vector<16xf32>,
              %mul3A_937 = arith.mulf %get3A_936, %get3A_247 : vector<16xf32>
              %add3A_938 = arith.addf %add3A_930, %mul3A_937 : vector<16xf32>
              %mul3A_939 = arith.mulf %get3A_936, %get3A_936 : vector<16xf32>
              %add3A_940 = arith.addf %add3A_932, %mul3A_939 : vector<16xf32>
              %reduce_sum3A_941 = arith.constant true
              %reduce_sum3A_942 = vector.broadcast %reduce_sum3A_941 : i1 to vector<16xi1>
              %reduce_sum3A_943 = tpu.scan <sum>, %add3A_938 masked %reduce_sum3A_942 : vector<16xf32>, vector<16xi1> -> vector<16xf32>
              %reduce_sum3A_944 = vector.extract %reduce_sum3A_943[15] : f32 from vector<16xf32>
              %abs3A_945 = math.absf %reduce_sum3A_944 : f32
              %mul3A_946 = arith.mulf %reduce_sum3A_944, %abs3A_945 : f32
              %reduce_sum3A_947 = arith.constant true
              %reduce_sum3A_948 = vector.broadcast %reduce_sum3A_947 : i1 to vector<16xi1>
              %reduce_sum3A_949 = tpu.scan <sum>, %add3A_940 masked %reduce_sum3A_948 : vector<16xf32>, vector<16xi1> -> vector<16xf32>
              %reduce_sum3A_950 = vector.extract %reduce_sum3A_949[15] : f32 from vector<16xf32>
              %max3A_951 = arith.constant 1.000000e-30 : f32
              %max3A_952 = arith.maximumf %reduce_sum3A_950, %max3A_951 : f32
              %mul3A_953 = arith.mulf %mul3A_946, %select_n3A_803 : f32
              %mul3A_954 = arith.mulf %select_n3A_802, %max3A_952 : f32
              %gt3A_955 = arith.cmpf ogt, %mul3A_953, %mul3A_954 : f32
              %select_n3A_956 = arith.select %gt3A_955, %mul3A_946, %select_n3A_802 : f32
              %select_n3A_957 = arith.select %gt3A_955, %max3A_952, %select_n3A_803 : f32
              %select_n3A_958 = arith.select %gt3A_955, %add3A_808, %select_n3A_804 : i32
              %mul3A_959 = arith.constant 4 : i32
              %mul3A_960 = arith.muli %scan3A_497, %mul3A_959 : i32
              %add3A_961 = arith.constant 3 : i32
              %add3A_962 = arith.addi %mul3A_960, %add3A_961 : i32
              %broadcast_in_dim3A_963 = arith.constant 0.000000e+00 : f32
              %broadcast_in_dim3A_964 = vector.broadcast %broadcast_in_dim3A_963 : f32 to vector<16xf32>
              %broadcast_in_dim3A_965 = arith.constant 0.000000e+00 : f32
              %broadcast_in_dim3A_966 = vector.broadcast %broadcast_in_dim3A_965 : f32 to vector<16xf32>
              %get3A_967 = arith.index_cast %and3A_85 : i32 to index
              %get3A_968 = arith.index_cast %add3A_962 : i32 to index
              %get3A_969 = arith.constant 0 : index
              %get3A_970 = tpu.vector_load %arg9[%get3A_967, %get3A_968, %get3A_969] {strides = array<i32>} : memref<2x64x256xf32, #tpu.memory_space<vmem>>, vector<16xf32>,
              %mul3A_971 = arith.mulf %get3A_970, %get3A_202 : vector<16xf32>
              %add3A_972 = arith.addf %broadcast_in_dim3A_964, %mul3A_971 : vector<16xf32>
              %mul3A_973 = arith.mulf %get3A_970, %get3A_970 : vector<16xf32>
              %add3A_974 = arith.addf %broadcast_in_dim3A_966, %mul3A_973 : vector<16xf32>
              %get3A_975 = arith.index_cast %and3A_85 : i32 to index
              %get3A_976 = arith.index_cast %add3A_962 : i32 to index
              %get3A_977 = arith.constant 16 : index
              %get3A_978 = tpu.vector_load %arg9[%get3A_975, %get3A_976, %get3A_977] {strides = array<i32>} : memref<2x64x256xf32, #tpu.memory_space<vmem>>, vector<16xf32>,
              %mul3A_979 = arith.mulf %get3A_978, %get3A_205 : vector<16xf32>
              %add3A_980 = arith.addf %add3A_972, %mul3A_979 : vector<16xf32>
              %mul3A_981 = arith.mulf %get3A_978, %get3A_978 : vector<16xf32>
              %add3A_982 = arith.addf %add3A_974, %mul3A_981 : vector<16xf32>
              %get3A_983 = arith.index_cast %and3A_85 : i32 to index
              %get3A_984 = arith.index_cast %add3A_962 : i32 to index
              %get3A_985 = arith.constant 32 : index
              %get3A_986 = tpu.vector_load %arg9[%get3A_983, %get3A_984, %get3A_985] {strides = array<i32>} : memref<2x64x256xf32, #tpu.memory_space<vmem>>, vector<16xf32>,
              %mul3A_987 = arith.mulf %get3A_986, %get3A_208 : vector<16xf32>
              %add3A_988 = arith.addf %add3A_980, %mul3A_987 : vector<16xf32>
              %mul3A_989 = arith.mulf %get3A_986, %get3A_986 : vector<16xf32>
              %add3A_990 = arith.addf %add3A_982, %mul3A_989 : vector<16xf32>
              %get3A_991 = arith.index_cast %and3A_85 : i32 to index
              %get3A_992 = arith.index_cast %add3A_962 : i32 to index
              %get3A_993 = arith.constant 48 : index
              %get3A_994 = tpu.vector_load %arg9[%get3A_991, %get3A_992, %get3A_993] {strides = array<i32>} : memref<2x64x256xf32, #tpu.memory_space<vmem>>, vector<16xf32>,
              %mul3A_995 = arith.mulf %get3A_994, %get3A_211 : vector<16xf32>
              %add3A_996 = arith.addf %add3A_988, %mul3A_995 : vector<16xf32>
              %mul3A_997 = arith.mulf %get3A_994, %get3A_994 : vector<16xf32>
              %add3A_998 = arith.addf %add3A_990, %mul3A_997 : vector<16xf32>
              %get3A_999 = arith.index_cast %and3A_85 : i32 to index
              %get3A_1000 = arith.index_cast %add3A_962 : i32 to index
              %get3A_1001 = arith.constant 64 : index
              %get3A_1002 = tpu.vector_load %arg9[%get3A_999, %get3A_1000, %get3A_1001] {strides = array<i32>} : memref<2x64x256xf32, #tpu.memory_space<vmem>>, vector<16xf32>,
              %mul3A_1003 = arith.mulf %get3A_1002, %get3A_214 : vector<16xf32>
              %add3A_1004 = arith.addf %add3A_996, %mul3A_1003 : vector<16xf32>
              %mul3A_1005 = arith.mulf %get3A_1002, %get3A_1002 : vector<16xf32>
              %add3A_1006 = arith.addf %add3A_998, %mul3A_1005 : vector<16xf32>
              %get3A_1007 = arith.index_cast %and3A_85 : i32 to index
              %get3A_1008 = arith.index_cast %add3A_962 : i32 to index
              %get3A_1009 = arith.constant 80 : index
              %get3A_1010 = tpu.vector_load %arg9[%get3A_1007, %get3A_1008, %get3A_1009] {strides = array<i32>} : memref<2x64x256xf32, #tpu.memory_space<vmem>>, vector<16xf32>,
              %mul3A_1011 = arith.mulf %get3A_1010, %get3A_217 : vector<16xf32>
              %add3A_1012 = arith.addf %add3A_1004, %mul3A_1011 : vector<16xf32>
              %mul3A_1013 = arith.mulf %get3A_1010, %get3A_1010 : vector<16xf32>
              %add3A_1014 = arith.addf %add3A_1006, %mul3A_1013 : vector<16xf32>
              %get3A_1015 = arith.index_cast %and3A_85 : i32 to index
              %get3A_1016 = arith.index_cast %add3A_962 : i32 to index
              %get3A_1017 = arith.constant 96 : index
              %get3A_1018 = tpu.vector_load %arg9[%get3A_1015, %get3A_1016, %get3A_1017] {strides = array<i32>} : memref<2x64x256xf32, #tpu.memory_space<vmem>>, vector<16xf32>,
              %mul3A_1019 = arith.mulf %get3A_1018, %get3A_220 : vector<16xf32>
              %add3A_1020 = arith.addf %add3A_1012, %mul3A_1019 : vector<16xf32>
              %mul3A_1021 = arith.mulf %get3A_1018, %get3A_1018 : vector<16xf32>
              %add3A_1022 = arith.addf %add3A_1014, %mul3A_1021 : vector<16xf32>
              %get3A_1023 = arith.index_cast %and3A_85 : i32 to index
              %get3A_1024 = arith.index_cast %add3A_962 : i32 to index
              %get3A_1025 = arith.constant 112 : index
              %get3A_1026 = tpu.vector_load %arg9[%get3A_1023, %get3A_1024, %get3A_1025] {strides = array<i32>} : memref<2x64x256xf32, #tpu.memory_space<vmem>>, vector<16xf32>,
              %mul3A_1027 = arith.mulf %get3A_1026, %get3A_223 : vector<16xf32>
              %add3A_1028 = arith.addf %add3A_1020, %mul3A_1027 : vector<16xf32>
              %mul3A_1029 = arith.mulf %get3A_1026, %get3A_1026 : vector<16xf32>
              %add3A_1030 = arith.addf %add3A_1022, %mul3A_1029 : vector<16xf32>
              %get3A_1031 = arith.index_cast %and3A_85 : i32 to index
              %get3A_1032 = arith.index_cast %add3A_962 : i32 to index
              %get3A_1033 = arith.constant 128 : index
              %get3A_1034 = tpu.vector_load %arg9[%get3A_1031, %get3A_1032, %get3A_1033] {strides = array<i32>} : memref<2x64x256xf32, #tpu.memory_space<vmem>>, vector<16xf32>,
              %mul3A_1035 = arith.mulf %get3A_1034, %get3A_226 : vector<16xf32>
              %add3A_1036 = arith.addf %add3A_1028, %mul3A_1035 : vector<16xf32>
              %mul3A_1037 = arith.mulf %get3A_1034, %get3A_1034 : vector<16xf32>
              %add3A_1038 = arith.addf %add3A_1030, %mul3A_1037 : vector<16xf32>
              %get3A_1039 = arith.index_cast %and3A_85 : i32 to index
              %get3A_1040 = arith.index_cast %add3A_962 : i32 to index
              %get3A_1041 = arith.constant 144 : index
              %get3A_1042 = tpu.vector_load %arg9[%get3A_1039, %get3A_1040, %get3A_1041] {strides = array<i32>} : memref<2x64x256xf32, #tpu.memory_space<vmem>>, vector<16xf32>,
              %mul3A_1043 = arith.mulf %get3A_1042, %get3A_229 : vector<16xf32>
              %add3A_1044 = arith.addf %add3A_1036, %mul3A_1043 : vector<16xf32>
              %mul3A_1045 = arith.mulf %get3A_1042, %get3A_1042 : vector<16xf32>
              %add3A_1046 = arith.addf %add3A_1038, %mul3A_1045 : vector<16xf32>
              %get3A_1047 = arith.index_cast %and3A_85 : i32 to index
              %get3A_1048 = arith.index_cast %add3A_962 : i32 to index
              %get3A_1049 = arith.constant 160 : index
              %get3A_1050 = tpu.vector_load %arg9[%get3A_1047, %get3A_1048, %get3A_1049] {strides = array<i32>} : memref<2x64x256xf32, #tpu.memory_space<vmem>>, vector<16xf32>,
              %mul3A_1051 = arith.mulf %get3A_1050, %get3A_232 : vector<16xf32>
              %add3A_1052 = arith.addf %add3A_1044, %mul3A_1051 : vector<16xf32>
              %mul3A_1053 = arith.mulf %get3A_1050, %get3A_1050 : vector<16xf32>
              %add3A_1054 = arith.addf %add3A_1046, %mul3A_1053 : vector<16xf32>
              %get3A_1055 = arith.index_cast %and3A_85 : i32 to index
              %get3A_1056 = arith.index_cast %add3A_962 : i32 to index
              %get3A_1057 = arith.constant 176 : index
              %get3A_1058 = tpu.vector_load %arg9[%get3A_1055, %get3A_1056, %get3A_1057] {strides = array<i32>} : memref<2x64x256xf32, #tpu.memory_space<vmem>>, vector<16xf32>,
              %mul3A_1059 = arith.mulf %get3A_1058, %get3A_235 : vector<16xf32>
              %add3A_1060 = arith.addf %add3A_1052, %mul3A_1059 : vector<16xf32>
              %mul3A_1061 = arith.mulf %get3A_1058, %get3A_1058 : vector<16xf32>
              %add3A_1062 = arith.addf %add3A_1054, %mul3A_1061 : vector<16xf32>
              %get3A_1063 = arith.index_cast %and3A_85 : i32 to index
              %get3A_1064 = arith.index_cast %add3A_962 : i32 to index
              %get3A_1065 = arith.constant 192 : index
              %get3A_1066 = tpu.vector_load %arg9[%get3A_1063, %get3A_1064, %get3A_1065] {strides = array<i32>} : memref<2x64x256xf32, #tpu.memory_space<vmem>>, vector<16xf32>,
              %mul3A_1067 = arith.mulf %get3A_1066, %get3A_238 : vector<16xf32>
              %add3A_1068 = arith.addf %add3A_1060, %mul3A_1067 : vector<16xf32>
              %mul3A_1069 = arith.mulf %get3A_1066, %get3A_1066 : vector<16xf32>
              %add3A_1070 = arith.addf %add3A_1062, %mul3A_1069 : vector<16xf32>
              %get3A_1071 = arith.index_cast %and3A_85 : i32 to index
              %get3A_1072 = arith.index_cast %add3A_962 : i32 to index
              %get3A_1073 = arith.constant 208 : index
              %get3A_1074 = tpu.vector_load %arg9[%get3A_1071, %get3A_1072, %get3A_1073] {strides = array<i32>} : memref<2x64x256xf32, #tpu.memory_space<vmem>>, vector<16xf32>,
              %mul3A_1075 = arith.mulf %get3A_1074, %get3A_241 : vector<16xf32>
              %add3A_1076 = arith.addf %add3A_1068, %mul3A_1075 : vector<16xf32>
              %mul3A_1077 = arith.mulf %get3A_1074, %get3A_1074 : vector<16xf32>
              %add3A_1078 = arith.addf %add3A_1070, %mul3A_1077 : vector<16xf32>
              %get3A_1079 = arith.index_cast %and3A_85 : i32 to index
              %get3A_1080 = arith.index_cast %add3A_962 : i32 to index
              %get3A_1081 = arith.constant 224 : index
              %get3A_1082 = tpu.vector_load %arg9[%get3A_1079, %get3A_1080, %get3A_1081] {strides = array<i32>} : memref<2x64x256xf32, #tpu.memory_space<vmem>>, vector<16xf32>,
              %mul3A_1083 = arith.mulf %get3A_1082, %get3A_244 : vector<16xf32>
              %add3A_1084 = arith.addf %add3A_1076, %mul3A_1083 : vector<16xf32>
              %mul3A_1085 = arith.mulf %get3A_1082, %get3A_1082 : vector<16xf32>
              %add3A_1086 = arith.addf %add3A_1078, %mul3A_1085 : vector<16xf32>
              %get3A_1087 = arith.index_cast %and3A_85 : i32 to index
              %get3A_1088 = arith.index_cast %add3A_962 : i32 to index
              %get3A_1089 = arith.constant 240 : index
              %get3A_1090 = tpu.vector_load %arg9[%get3A_1087, %get3A_1088, %get3A_1089] {strides = array<i32>} : memref<2x64x256xf32, #tpu.memory_space<vmem>>, vector<16xf32>,
              %mul3A_1091 = arith.mulf %get3A_1090, %get3A_247 : vector<16xf32>
              %add3A_1092 = arith.addf %add3A_1084, %mul3A_1091 : vector<16xf32>
              %mul3A_1093 = arith.mulf %get3A_1090, %get3A_1090 : vector<16xf32>
              %add3A_1094 = arith.addf %add3A_1086, %mul3A_1093 : vector<16xf32>
              %reduce_sum3A_1095 = arith.constant true
              %reduce_sum3A_1096 = vector.broadcast %reduce_sum3A_1095 : i1 to vector<16xi1>
              %reduce_sum3A_1097 = tpu.scan <sum>, %add3A_1092 masked %reduce_sum3A_1096 : vector<16xf32>, vector<16xi1> -> vector<16xf32>
              %reduce_sum3A_1098 = vector.extract %reduce_sum3A_1097[15] : f32 from vector<16xf32>
              %abs3A_1099 = math.absf %reduce_sum3A_1098 : f32
              %mul3A_1100 = arith.mulf %reduce_sum3A_1098, %abs3A_1099 : f32
              %reduce_sum3A_1101 = arith.constant true
              %reduce_sum3A_1102 = vector.broadcast %reduce_sum3A_1101 : i1 to vector<16xi1>
              %reduce_sum3A_1103 = tpu.scan <sum>, %add3A_1094 masked %reduce_sum3A_1102 : vector<16xf32>, vector<16xi1> -> vector<16xf32>
              %reduce_sum3A_1104 = vector.extract %reduce_sum3A_1103[15] : f32 from vector<16xf32>
              %max3A_1105 = arith.constant 1.000000e-30 : f32
              %max3A_1106 = arith.maximumf %reduce_sum3A_1104, %max3A_1105 : f32
              %mul3A_1107 = arith.mulf %mul3A_1100, %select_n3A_957 : f32
              %mul3A_1108 = arith.mulf %select_n3A_956, %max3A_1106 : f32
              %gt3A_1109 = arith.cmpf ogt, %mul3A_1107, %mul3A_1108 : f32
              %select_n3A_1110 = arith.select %gt3A_1109, %mul3A_1100, %select_n3A_956 : f32
              %select_n3A_1111 = arith.select %gt3A_1109, %max3A_1106, %select_n3A_957 : f32
              %select_n3A_1112 = arith.select %gt3A_1109, %add3A_962, %select_n3A_958 : i32
              scf.yield %select_n3A_1110, %select_n3A_1111, %select_n3A_1112 : f32, f32, i32
            }
            %scan3A_256 = arith.constant 16 : i32
            %get3A_257 = arith.index_cast %and3A_85 : i32 to index
            %get3A_258 = arith.index_cast %scan3A_255#2 : i32 to index
            %get3A_259 = arith.constant 0 : index
            %get3A_260 = tpu.vector_load %arg9[%get3A_257, %get3A_258, %get3A_259] {strides = array<i32>} : memref<2x64x256xf32, #tpu.memory_space<vmem>>, vector<16xf32>,
            %mul3A_261 = arith.constant 0.899999976 : f32
            %mul3A_262 = vector.broadcast %mul3A_261 : f32 to vector<16xf32>
            %mul3A_263 = arith.mulf %mul3A_262, %get3A_260 : vector<16xf32>
            %mul3A_264 = arith.constant 1.000000e-01 : f32
            %mul3A_265 = vector.broadcast %mul3A_264 : f32 to vector<16xf32>
            %mul3A_266 = arith.mulf %mul3A_265, %get3A_202 : vector<16xf32>
            %add3A_267 = arith.addf %mul3A_263, %mul3A_266 : vector<16xf32>
            %swap3A = arith.index_cast %and3A_85 : i32 to index
            %swap3A_268 = arith.index_cast %scan3A_255#2 : i32 to index
            %swap3A_269 = arith.constant 0 : index
            %swap3A_270 = tpu.vector_load %arg9[%swap3A, %swap3A_268, %swap3A_269] {strides = array<i32>} : memref<2x64x256xf32, #tpu.memory_space<vmem>>, vector<16xf32>,
            tpu.vector_store %arg9[%swap3A, %swap3A_268, %swap3A_269], %add3A_267 {strides = array<i32>} : memref<2x64x256xf32, #tpu.memory_space<vmem>>, vector<16xf32>,
            %get3A_271 = arith.index_cast %and3A_85 : i32 to index
            %get3A_272 = arith.index_cast %scan3A_255#2 : i32 to index
            %get3A_273 = arith.constant 16 : index
            %get3A_274 = tpu.vector_load %arg9[%get3A_271, %get3A_272, %get3A_273] {strides = array<i32>} : memref<2x64x256xf32, #tpu.memory_space<vmem>>, vector<16xf32>,
            %mul3A_275 = arith.constant 0.899999976 : f32
            %mul3A_276 = vector.broadcast %mul3A_275 : f32 to vector<16xf32>
            %mul3A_277 = arith.mulf %mul3A_276, %get3A_274 : vector<16xf32>
            %mul3A_278 = arith.constant 1.000000e-01 : f32
            %mul3A_279 = vector.broadcast %mul3A_278 : f32 to vector<16xf32>
            %mul3A_280 = arith.mulf %mul3A_279, %get3A_205 : vector<16xf32>
            %add3A_281 = arith.addf %mul3A_277, %mul3A_280 : vector<16xf32>
            %swap3A_282 = arith.index_cast %and3A_85 : i32 to index
            %swap3A_283 = arith.index_cast %scan3A_255#2 : i32 to index
            %swap3A_284 = arith.constant 16 : index
            %swap3A_285 = tpu.vector_load %arg9[%swap3A_282, %swap3A_283, %swap3A_284] {strides = array<i32>} : memref<2x64x256xf32, #tpu.memory_space<vmem>>, vector<16xf32>,
            tpu.vector_store %arg9[%swap3A_282, %swap3A_283, %swap3A_284], %add3A_281 {strides = array<i32>} : memref<2x64x256xf32, #tpu.memory_space<vmem>>, vector<16xf32>,
            %get3A_286 = arith.index_cast %and3A_85 : i32 to index
            %get3A_287 = arith.index_cast %scan3A_255#2 : i32 to index
            %get3A_288 = arith.constant 32 : index
            %get3A_289 = tpu.vector_load %arg9[%get3A_286, %get3A_287, %get3A_288] {strides = array<i32>} : memref<2x64x256xf32, #tpu.memory_space<vmem>>, vector<16xf32>,
            %mul3A_290 = arith.constant 0.899999976 : f32
            %mul3A_291 = vector.broadcast %mul3A_290 : f32 to vector<16xf32>
            %mul3A_292 = arith.mulf %mul3A_291, %get3A_289 : vector<16xf32>
            %mul3A_293 = arith.constant 1.000000e-01 : f32
            %mul3A_294 = vector.broadcast %mul3A_293 : f32 to vector<16xf32>
            %mul3A_295 = arith.mulf %mul3A_294, %get3A_208 : vector<16xf32>
            %add3A_296 = arith.addf %mul3A_292, %mul3A_295 : vector<16xf32>
            %swap3A_297 = arith.index_cast %and3A_85 : i32 to index
            %swap3A_298 = arith.index_cast %scan3A_255#2 : i32 to index
            %swap3A_299 = arith.constant 32 : index
            %swap3A_300 = tpu.vector_load %arg9[%swap3A_297, %swap3A_298, %swap3A_299] {strides = array<i32>} : memref<2x64x256xf32, #tpu.memory_space<vmem>>, vector<16xf32>,
            tpu.vector_store %arg9[%swap3A_297, %swap3A_298, %swap3A_299], %add3A_296 {strides = array<i32>} : memref<2x64x256xf32, #tpu.memory_space<vmem>>, vector<16xf32>,
            %get3A_301 = arith.index_cast %and3A_85 : i32 to index
            %get3A_302 = arith.index_cast %scan3A_255#2 : i32 to index
            %get3A_303 = arith.constant 48 : index
            %get3A_304 = tpu.vector_load %arg9[%get3A_301, %get3A_302, %get3A_303] {strides = array<i32>} : memref<2x64x256xf32, #tpu.memory_space<vmem>>, vector<16xf32>,
            %mul3A_305 = arith.constant 0.899999976 : f32
            %mul3A_306 = vector.broadcast %mul3A_305 : f32 to vector<16xf32>
            %mul3A_307 = arith.mulf %mul3A_306, %get3A_304 : vector<16xf32>
            %mul3A_308 = arith.constant 1.000000e-01 : f32
            %mul3A_309 = vector.broadcast %mul3A_308 : f32 to vector<16xf32>
            %mul3A_310 = arith.mulf %mul3A_309, %get3A_211 : vector<16xf32>
            %add3A_311 = arith.addf %mul3A_307, %mul3A_310 : vector<16xf32>
            %swap3A_312 = arith.index_cast %and3A_85 : i32 to index
            %swap3A_313 = arith.index_cast %scan3A_255#2 : i32 to index
            %swap3A_314 = arith.constant 48 : index
            %swap3A_315 = tpu.vector_load %arg9[%swap3A_312, %swap3A_313, %swap3A_314] {strides = array<i32>} : memref<2x64x256xf32, #tpu.memory_space<vmem>>, vector<16xf32>,
            tpu.vector_store %arg9[%swap3A_312, %swap3A_313, %swap3A_314], %add3A_311 {strides = array<i32>} : memref<2x64x256xf32, #tpu.memory_space<vmem>>, vector<16xf32>,
            %get3A_316 = arith.index_cast %and3A_85 : i32 to index
            %get3A_317 = arith.index_cast %scan3A_255#2 : i32 to index
            %get3A_318 = arith.constant 64 : index
            %get3A_319 = tpu.vector_load %arg9[%get3A_316, %get3A_317, %get3A_318] {strides = array<i32>} : memref<2x64x256xf32, #tpu.memory_space<vmem>>, vector<16xf32>,
            %mul3A_320 = arith.constant 0.899999976 : f32
            %mul3A_321 = vector.broadcast %mul3A_320 : f32 to vector<16xf32>
            %mul3A_322 = arith.mulf %mul3A_321, %get3A_319 : vector<16xf32>
            %mul3A_323 = arith.constant 1.000000e-01 : f32
            %mul3A_324 = vector.broadcast %mul3A_323 : f32 to vector<16xf32>
            %mul3A_325 = arith.mulf %mul3A_324, %get3A_214 : vector<16xf32>
            %add3A_326 = arith.addf %mul3A_322, %mul3A_325 : vector<16xf32>
            %swap3A_327 = arith.index_cast %and3A_85 : i32 to index
            %swap3A_328 = arith.index_cast %scan3A_255#2 : i32 to index
            %swap3A_329 = arith.constant 64 : index
            %swap3A_330 = tpu.vector_load %arg9[%swap3A_327, %swap3A_328, %swap3A_329] {strides = array<i32>} : memref<2x64x256xf32, #tpu.memory_space<vmem>>, vector<16xf32>,
            tpu.vector_store %arg9[%swap3A_327, %swap3A_328, %swap3A_329], %add3A_326 {strides = array<i32>} : memref<2x64x256xf32, #tpu.memory_space<vmem>>, vector<16xf32>,
            %get3A_331 = arith.index_cast %and3A_85 : i32 to index
            %get3A_332 = arith.index_cast %scan3A_255#2 : i32 to index
            %get3A_333 = arith.constant 80 : index
            %get3A_334 = tpu.vector_load %arg9[%get3A_331, %get3A_332, %get3A_333] {strides = array<i32>} : memref<2x64x256xf32, #tpu.memory_space<vmem>>, vector<16xf32>,
            %mul3A_335 = arith.constant 0.899999976 : f32
            %mul3A_336 = vector.broadcast %mul3A_335 : f32 to vector<16xf32>
            %mul3A_337 = arith.mulf %mul3A_336, %get3A_334 : vector<16xf32>
            %mul3A_338 = arith.constant 1.000000e-01 : f32
            %mul3A_339 = vector.broadcast %mul3A_338 : f32 to vector<16xf32>
            %mul3A_340 = arith.mulf %mul3A_339, %get3A_217 : vector<16xf32>
            %add3A_341 = arith.addf %mul3A_337, %mul3A_340 : vector<16xf32>
            %swap3A_342 = arith.index_cast %and3A_85 : i32 to index
            %swap3A_343 = arith.index_cast %scan3A_255#2 : i32 to index
            %swap3A_344 = arith.constant 80 : index
            %swap3A_345 = tpu.vector_load %arg9[%swap3A_342, %swap3A_343, %swap3A_344] {strides = array<i32>} : memref<2x64x256xf32, #tpu.memory_space<vmem>>, vector<16xf32>,
            tpu.vector_store %arg9[%swap3A_342, %swap3A_343, %swap3A_344], %add3A_341 {strides = array<i32>} : memref<2x64x256xf32, #tpu.memory_space<vmem>>, vector<16xf32>,
            %get3A_346 = arith.index_cast %and3A_85 : i32 to index
            %get3A_347 = arith.index_cast %scan3A_255#2 : i32 to index
            %get3A_348 = arith.constant 96 : index
            %get3A_349 = tpu.vector_load %arg9[%get3A_346, %get3A_347, %get3A_348] {strides = array<i32>} : memref<2x64x256xf32, #tpu.memory_space<vmem>>, vector<16xf32>,
            %mul3A_350 = arith.constant 0.899999976 : f32
            %mul3A_351 = vector.broadcast %mul3A_350 : f32 to vector<16xf32>
            %mul3A_352 = arith.mulf %mul3A_351, %get3A_349 : vector<16xf32>
            %mul3A_353 = arith.constant 1.000000e-01 : f32
            %mul3A_354 = vector.broadcast %mul3A_353 : f32 to vector<16xf32>
            %mul3A_355 = arith.mulf %mul3A_354, %get3A_220 : vector<16xf32>
            %add3A_356 = arith.addf %mul3A_352, %mul3A_355 : vector<16xf32>
            %swap3A_357 = arith.index_cast %and3A_85 : i32 to index
            %swap3A_358 = arith.index_cast %scan3A_255#2 : i32 to index
            %swap3A_359 = arith.constant 96 : index
            %swap3A_360 = tpu.vector_load %arg9[%swap3A_357, %swap3A_358, %swap3A_359] {strides = array<i32>} : memref<2x64x256xf32, #tpu.memory_space<vmem>>, vector<16xf32>,
            tpu.vector_store %arg9[%swap3A_357, %swap3A_358, %swap3A_359], %add3A_356 {strides = array<i32>} : memref<2x64x256xf32, #tpu.memory_space<vmem>>, vector<16xf32>,
            %get3A_361 = arith.index_cast %and3A_85 : i32 to index
            %get3A_362 = arith.index_cast %scan3A_255#2 : i32 to index
            %get3A_363 = arith.constant 112 : index
            %get3A_364 = tpu.vector_load %arg9[%get3A_361, %get3A_362, %get3A_363] {strides = array<i32>} : memref<2x64x256xf32, #tpu.memory_space<vmem>>, vector<16xf32>,
            %mul3A_365 = arith.constant 0.899999976 : f32
            %mul3A_366 = vector.broadcast %mul3A_365 : f32 to vector<16xf32>
            %mul3A_367 = arith.mulf %mul3A_366, %get3A_364 : vector<16xf32>
            %mul3A_368 = arith.constant 1.000000e-01 : f32
            %mul3A_369 = vector.broadcast %mul3A_368 : f32 to vector<16xf32>
            %mul3A_370 = arith.mulf %mul3A_369, %get3A_223 : vector<16xf32>
            %add3A_371 = arith.addf %mul3A_367, %mul3A_370 : vector<16xf32>
            %swap3A_372 = arith.index_cast %and3A_85 : i32 to index
            %swap3A_373 = arith.index_cast %scan3A_255#2 : i32 to index
            %swap3A_374 = arith.constant 112 : index
            %swap3A_375 = tpu.vector_load %arg9[%swap3A_372, %swap3A_373, %swap3A_374] {strides = array<i32>} : memref<2x64x256xf32, #tpu.memory_space<vmem>>, vector<16xf32>,
            tpu.vector_store %arg9[%swap3A_372, %swap3A_373, %swap3A_374], %add3A_371 {strides = array<i32>} : memref<2x64x256xf32, #tpu.memory_space<vmem>>, vector<16xf32>,
            %get3A_376 = arith.index_cast %and3A_85 : i32 to index
            %get3A_377 = arith.index_cast %scan3A_255#2 : i32 to index
            %get3A_378 = arith.constant 128 : index
            %get3A_379 = tpu.vector_load %arg9[%get3A_376, %get3A_377, %get3A_378] {strides = array<i32>} : memref<2x64x256xf32, #tpu.memory_space<vmem>>, vector<16xf32>,
            %mul3A_380 = arith.constant 0.899999976 : f32
            %mul3A_381 = vector.broadcast %mul3A_380 : f32 to vector<16xf32>
            %mul3A_382 = arith.mulf %mul3A_381, %get3A_379 : vector<16xf32>
            %mul3A_383 = arith.constant 1.000000e-01 : f32
            %mul3A_384 = vector.broadcast %mul3A_383 : f32 to vector<16xf32>
            %mul3A_385 = arith.mulf %mul3A_384, %get3A_226 : vector<16xf32>
            %add3A_386 = arith.addf %mul3A_382, %mul3A_385 : vector<16xf32>
            %swap3A_387 = arith.index_cast %and3A_85 : i32 to index
            %swap3A_388 = arith.index_cast %scan3A_255#2 : i32 to index
            %swap3A_389 = arith.constant 128 : index
            %swap3A_390 = tpu.vector_load %arg9[%swap3A_387, %swap3A_388, %swap3A_389] {strides = array<i32>} : memref<2x64x256xf32, #tpu.memory_space<vmem>>, vector<16xf32>,
            tpu.vector_store %arg9[%swap3A_387, %swap3A_388, %swap3A_389], %add3A_386 {strides = array<i32>} : memref<2x64x256xf32, #tpu.memory_space<vmem>>, vector<16xf32>,
            %get3A_391 = arith.index_cast %and3A_85 : i32 to index
            %get3A_392 = arith.index_cast %scan3A_255#2 : i32 to index
            %get3A_393 = arith.constant 144 : index
            %get3A_394 = tpu.vector_load %arg9[%get3A_391, %get3A_392, %get3A_393] {strides = array<i32>} : memref<2x64x256xf32, #tpu.memory_space<vmem>>, vector<16xf32>,
            %mul3A_395 = arith.constant 0.899999976 : f32
            %mul3A_396 = vector.broadcast %mul3A_395 : f32 to vector<16xf32>
            %mul3A_397 = arith.mulf %mul3A_396, %get3A_394 : vector<16xf32>
            %mul3A_398 = arith.constant 1.000000e-01 : f32
            %mul3A_399 = vector.broadcast %mul3A_398 : f32 to vector<16xf32>
            %mul3A_400 = arith.mulf %mul3A_399, %get3A_229 : vector<16xf32>
            %add3A_401 = arith.addf %mul3A_397, %mul3A_400 : vector<16xf32>
            %swap3A_402 = arith.index_cast %and3A_85 : i32 to index
            %swap3A_403 = arith.index_cast %scan3A_255#2 : i32 to index
            %swap3A_404 = arith.constant 144 : index
            %swap3A_405 = tpu.vector_load %arg9[%swap3A_402, %swap3A_403, %swap3A_404] {strides = array<i32>} : memref<2x64x256xf32, #tpu.memory_space<vmem>>, vector<16xf32>,
            tpu.vector_store %arg9[%swap3A_402, %swap3A_403, %swap3A_404], %add3A_401 {strides = array<i32>} : memref<2x64x256xf32, #tpu.memory_space<vmem>>, vector<16xf32>,
            %get3A_406 = arith.index_cast %and3A_85 : i32 to index
            %get3A_407 = arith.index_cast %scan3A_255#2 : i32 to index
            %get3A_408 = arith.constant 160 : index
            %get3A_409 = tpu.vector_load %arg9[%get3A_406, %get3A_407, %get3A_408] {strides = array<i32>} : memref<2x64x256xf32, #tpu.memory_space<vmem>>, vector<16xf32>,
            %mul3A_410 = arith.constant 0.899999976 : f32
            %mul3A_411 = vector.broadcast %mul3A_410 : f32 to vector<16xf32>
            %mul3A_412 = arith.mulf %mul3A_411, %get3A_409 : vector<16xf32>
            %mul3A_413 = arith.constant 1.000000e-01 : f32
            %mul3A_414 = vector.broadcast %mul3A_413 : f32 to vector<16xf32>
            %mul3A_415 = arith.mulf %mul3A_414, %get3A_232 : vector<16xf32>
            %add3A_416 = arith.addf %mul3A_412, %mul3A_415 : vector<16xf32>
            %swap3A_417 = arith.index_cast %and3A_85 : i32 to index
            %swap3A_418 = arith.index_cast %scan3A_255#2 : i32 to index
            %swap3A_419 = arith.constant 160 : index
            %swap3A_420 = tpu.vector_load %arg9[%swap3A_417, %swap3A_418, %swap3A_419] {strides = array<i32>} : memref<2x64x256xf32, #tpu.memory_space<vmem>>, vector<16xf32>,
            tpu.vector_store %arg9[%swap3A_417, %swap3A_418, %swap3A_419], %add3A_416 {strides = array<i32>} : memref<2x64x256xf32, #tpu.memory_space<vmem>>, vector<16xf32>,
            %get3A_421 = arith.index_cast %and3A_85 : i32 to index
            %get3A_422 = arith.index_cast %scan3A_255#2 : i32 to index
            %get3A_423 = arith.constant 176 : index
            %get3A_424 = tpu.vector_load %arg9[%get3A_421, %get3A_422, %get3A_423] {strides = array<i32>} : memref<2x64x256xf32, #tpu.memory_space<vmem>>, vector<16xf32>,
            %mul3A_425 = arith.constant 0.899999976 : f32
            %mul3A_426 = vector.broadcast %mul3A_425 : f32 to vector<16xf32>
            %mul3A_427 = arith.mulf %mul3A_426, %get3A_424 : vector<16xf32>
            %mul3A_428 = arith.constant 1.000000e-01 : f32
            %mul3A_429 = vector.broadcast %mul3A_428 : f32 to vector<16xf32>
            %mul3A_430 = arith.mulf %mul3A_429, %get3A_235 : vector<16xf32>
            %add3A_431 = arith.addf %mul3A_427, %mul3A_430 : vector<16xf32>
            %swap3A_432 = arith.index_cast %and3A_85 : i32 to index
            %swap3A_433 = arith.index_cast %scan3A_255#2 : i32 to index
            %swap3A_434 = arith.constant 176 : index
            %swap3A_435 = tpu.vector_load %arg9[%swap3A_432, %swap3A_433, %swap3A_434] {strides = array<i32>} : memref<2x64x256xf32, #tpu.memory_space<vmem>>, vector<16xf32>,
            tpu.vector_store %arg9[%swap3A_432, %swap3A_433, %swap3A_434], %add3A_431 {strides = array<i32>} : memref<2x64x256xf32, #tpu.memory_space<vmem>>, vector<16xf32>,
            %get3A_436 = arith.index_cast %and3A_85 : i32 to index
            %get3A_437 = arith.index_cast %scan3A_255#2 : i32 to index
            %get3A_438 = arith.constant 192 : index
            %get3A_439 = tpu.vector_load %arg9[%get3A_436, %get3A_437, %get3A_438] {strides = array<i32>} : memref<2x64x256xf32, #tpu.memory_space<vmem>>, vector<16xf32>,
            %mul3A_440 = arith.constant 0.899999976 : f32
            %mul3A_441 = vector.broadcast %mul3A_440 : f32 to vector<16xf32>
            %mul3A_442 = arith.mulf %mul3A_441, %get3A_439 : vector<16xf32>
            %mul3A_443 = arith.constant 1.000000e-01 : f32
            %mul3A_444 = vector.broadcast %mul3A_443 : f32 to vector<16xf32>
            %mul3A_445 = arith.mulf %mul3A_444, %get3A_238 : vector<16xf32>
            %add3A_446 = arith.addf %mul3A_442, %mul3A_445 : vector<16xf32>
            %swap3A_447 = arith.index_cast %and3A_85 : i32 to index
            %swap3A_448 = arith.index_cast %scan3A_255#2 : i32 to index
            %swap3A_449 = arith.constant 192 : index
            %swap3A_450 = tpu.vector_load %arg9[%swap3A_447, %swap3A_448, %swap3A_449] {strides = array<i32>} : memref<2x64x256xf32, #tpu.memory_space<vmem>>, vector<16xf32>,
            tpu.vector_store %arg9[%swap3A_447, %swap3A_448, %swap3A_449], %add3A_446 {strides = array<i32>} : memref<2x64x256xf32, #tpu.memory_space<vmem>>, vector<16xf32>,
            %get3A_451 = arith.index_cast %and3A_85 : i32 to index
            %get3A_452 = arith.index_cast %scan3A_255#2 : i32 to index
            %get3A_453 = arith.constant 208 : index
            %get3A_454 = tpu.vector_load %arg9[%get3A_451, %get3A_452, %get3A_453] {strides = array<i32>} : memref<2x64x256xf32, #tpu.memory_space<vmem>>, vector<16xf32>,
            %mul3A_455 = arith.constant 0.899999976 : f32
            %mul3A_456 = vector.broadcast %mul3A_455 : f32 to vector<16xf32>
            %mul3A_457 = arith.mulf %mul3A_456, %get3A_454 : vector<16xf32>
            %mul3A_458 = arith.constant 1.000000e-01 : f32
            %mul3A_459 = vector.broadcast %mul3A_458 : f32 to vector<16xf32>
            %mul3A_460 = arith.mulf %mul3A_459, %get3A_241 : vector<16xf32>
            %add3A_461 = arith.addf %mul3A_457, %mul3A_460 : vector<16xf32>
            %swap3A_462 = arith.index_cast %and3A_85 : i32 to index
            %swap3A_463 = arith.index_cast %scan3A_255#2 : i32 to index
            %swap3A_464 = arith.constant 208 : index
            %swap3A_465 = tpu.vector_load %arg9[%swap3A_462, %swap3A_463, %swap3A_464] {strides = array<i32>} : memref<2x64x256xf32, #tpu.memory_space<vmem>>, vector<16xf32>,
            tpu.vector_store %arg9[%swap3A_462, %swap3A_463, %swap3A_464], %add3A_461 {strides = array<i32>} : memref<2x64x256xf32, #tpu.memory_space<vmem>>, vector<16xf32>,
            %get3A_466 = arith.index_cast %and3A_85 : i32 to index
            %get3A_467 = arith.index_cast %scan3A_255#2 : i32 to index
            %get3A_468 = arith.constant 224 : index
            %get3A_469 = tpu.vector_load %arg9[%get3A_466, %get3A_467, %get3A_468] {strides = array<i32>} : memref<2x64x256xf32, #tpu.memory_space<vmem>>, vector<16xf32>,
            %mul3A_470 = arith.constant 0.899999976 : f32
            %mul3A_471 = vector.broadcast %mul3A_470 : f32 to vector<16xf32>
            %mul3A_472 = arith.mulf %mul3A_471, %get3A_469 : vector<16xf32>
            %mul3A_473 = arith.constant 1.000000e-01 : f32
            %mul3A_474 = vector.broadcast %mul3A_473 : f32 to vector<16xf32>
            %mul3A_475 = arith.mulf %mul3A_474, %get3A_244 : vector<16xf32>
            %add3A_476 = arith.addf %mul3A_472, %mul3A_475 : vector<16xf32>
            %swap3A_477 = arith.index_cast %and3A_85 : i32 to index
            %swap3A_478 = arith.index_cast %scan3A_255#2 : i32 to index
            %swap3A_479 = arith.constant 224 : index
            %swap3A_480 = tpu.vector_load %arg9[%swap3A_477, %swap3A_478, %swap3A_479] {strides = array<i32>} : memref<2x64x256xf32, #tpu.memory_space<vmem>>, vector<16xf32>,
            tpu.vector_store %arg9[%swap3A_477, %swap3A_478, %swap3A_479], %add3A_476 {strides = array<i32>} : memref<2x64x256xf32, #tpu.memory_space<vmem>>, vector<16xf32>,
            %get3A_481 = arith.index_cast %and3A_85 : i32 to index
            %get3A_482 = arith.index_cast %scan3A_255#2 : i32 to index
            %get3A_483 = arith.constant 240 : index
            %get3A_484 = tpu.vector_load %arg9[%get3A_481, %get3A_482, %get3A_483] {strides = array<i32>} : memref<2x64x256xf32, #tpu.memory_space<vmem>>, vector<16xf32>,
            %mul3A_485 = arith.constant 0.899999976 : f32
            %mul3A_486 = vector.broadcast %mul3A_485 : f32 to vector<16xf32>
            %mul3A_487 = arith.mulf %mul3A_486, %get3A_484 : vector<16xf32>
            %mul3A_488 = arith.constant 1.000000e-01 : f32
            %mul3A_489 = vector.broadcast %mul3A_488 : f32 to vector<16xf32>
            %mul3A_490 = arith.mulf %mul3A_489, %get3A_247 : vector<16xf32>
            %add3A_491 = arith.addf %mul3A_487, %mul3A_490 : vector<16xf32>
            %swap3A_492 = arith.index_cast %and3A_85 : i32 to index
            %swap3A_493 = arith.index_cast %scan3A_255#2 : i32 to index
            %swap3A_494 = arith.constant 240 : index
            %swap3A_495 = tpu.vector_load %arg9[%swap3A_492, %swap3A_493, %swap3A_494] {strides = array<i32>} : memref<2x64x256xf32, #tpu.memory_space<vmem>>, vector<16xf32>,
            tpu.vector_store %arg9[%swap3A_492, %swap3A_493, %swap3A_494], %add3A_491 {strides = array<i32>} : memref<2x64x256xf32, #tpu.memory_space<vmem>>, vector<16xf32>,
            %while3A_496 = arith.constant 0 : i32
            scf.yield %while3A_496 : i32
          }
        } else {
        }
        %and3A_111 = arith.constant 1 : i32
        %and3A_112 = arith.andi %scan3A_39, %and3A_111 : i32
        %dma_start3A = arith.constant 0 : i32
        %dma_start3A_113 = arith.constant 0 : i32
        %dma_start3A_114 = tpu.memref_slice %arg9[%and3A_112, %dma_start3A, %dma_start3A_113] : memref<2x64x256xf32, #tpu.memory_space<vmem>> -> memref<1x64x256xf32, #tpu.memory_space<vmem>>
        %dma_start3A_115 = tpu.memref_squeeze %dma_start3A_114 : memref<1x64x256xf32, #tpu.memory_space<vmem>> -> memref<64x256xf32, #tpu.memory_space<vmem>>
        %dma_start3A_116 = arith.constant 0 : i32
        %dma_start3A_117 = arith.constant 0 : i32
        %dma_start3A_118 = tpu.memref_slice %arg8[%reduce_max3A_57, %dma_start3A_116, %dma_start3A_117] : memref<1000x64x256xf32, #tpu.memory_space<hbm>> -> memref<1x64x256xf32, #tpu.memory_space<hbm>>
        %dma_start3A_119 = tpu.memref_squeeze %dma_start3A_118 : memref<1x64x256xf32, #tpu.memory_space<hbm>> -> memref<64x256xf32, #tpu.memory_space<hbm>>
        %dma_start3A_120 = arith.constant 0 : i32
        %dma_start3A_121 = arith.constant 0 : i32
        %dma_start3A_122 = tpu.memref_slice %arg8[%reduce_max3A_57, %dma_start3A_120, %dma_start3A_121] : memref<1000x64x256xf32, #tpu.memory_space<hbm>> -> memref<1x64x256xf32, #tpu.memory_space<hbm>>
        %dma_start3A_123 = tpu.memref_squeeze %dma_start3A_122 : memref<1x64x256xf32, #tpu.memory_space<hbm>> -> memref<64x256xf32, #tpu.memory_space<hbm>>
        %dma_start3A_124 = arith.constant 0 : i32
        %dma_start3A_125 = arith.constant 0 : i32
        %dma_start3A_126 = tpu.memref_slice %arg9[%and3A_112, %dma_start3A_124, %dma_start3A_125] : memref<2x64x256xf32, #tpu.memory_space<vmem>> -> memref<1x64x256xf32, #tpu.memory_space<vmem>>
        %dma_start3A_127 = tpu.memref_squeeze %dma_start3A_126 : memref<1x64x256xf32, #tpu.memory_space<vmem>> -> memref<64x256xf32, #tpu.memory_space<vmem>>
        tpu.enqueue_dma source(%dma_start3A_127 : memref<64x256xf32, #tpu.memory_space<vmem>>) target(%dma_start3A_123 : memref<64x256xf32, #tpu.memory_space<hbm>>) target_semaphore(%arg16 : memref<!tpu.dma_semaphore, #tpu.memory_space<semaphore_mem>>)
      } else {
      }
      %scan3A_45 = arith.constant 0 : i32
      scf.yield %scan3A_45 : i32
    }
    %scan3A_33 = arith.constant 32 : i32
    %gt3A_34 = arith.constant 0 : i32
    %gt3A_35 = arith.cmpi sgt, %reduce_max3A_25, %gt3A_34 : i32
    %convert_element_type3A_36 = arith.extui %gt3A_35 : i1 to i32
    %cond3A_37 = arith.constant 0 : i32
    %cond3A_38 = arith.cmpi ne, %convert_element_type3A_36, %cond3A_37 : i32
    scf.if %cond3A_38 {
      %sub3A = arith.constant 1 : i32
      %sub3A_39 = arith.subi %reduce_max3A_25, %sub3A : i32
      %sub3A_40 = arith.constant 1 : i32
      %sub3A_41 = arith.subi %reduce_max3A_25, %sub3A_40 : i32
      %mul3A_42 = arith.constant 32 : i32
      %mul3A_43 = arith.muli %add3A, %mul3A_42 : i32
      %add3A_44 = arith.addi %mul3A_43, %sub3A_41 : i32
      %broadcast_in_dim3A = vector.broadcast %add3A_44 : i32 to vector<16xi32>
      %gather3A_45 = tpu.vector_load_idx %arg14[%broadcast_in_dim3A] : memref<1024xi32, #tpu.memory_space<vmem>>[vector<16xi32>], vector<16xi32>,
      %reduce_max3A_46 = arith.constant true
      %reduce_max3A_47 = vector.broadcast %reduce_max3A_46 : i1 to vector<16xi1>
      %reduce_max3A_48 = arith.constant -2147483648 : i32
      %reduce_max3A_49 = vector.broadcast %reduce_max3A_48 : i32 to vector<16xi32>
      %reduce_max3A_50 = arith.xori %gather3A_45, %reduce_max3A_49 : vector<16xi32>
      %reduce_max3A_51 = tpu.scan <max>, %reduce_max3A_50 masked %reduce_max3A_47 : vector<16xi32>, vector<16xi1> -> vector<16xi32>
      %reduce_max3A_52 = arith.xori %reduce_max3A_51, %reduce_max3A_49 : vector<16xi32>
      %reduce_max3A_53 = vector.extract %reduce_max3A_52[15] : i32 from vector<16xi32>
      %and3A = arith.constant 1 : i32
      %and3A_54 = arith.andi %sub3A_39, %and3A : i32
      %dma_wait3A = arith.constant 0 : i32
      %dma_wait3A_55 = arith.constant 0 : i32
      %dma_wait3A_56 = tpu.memref_slice %arg9[%and3A_54, %dma_wait3A, %dma_wait3A_55] : memref<2x64x256xf32, #tpu.memory_space<vmem>> -> memref<1x64x256xf32, #tpu.memory_space<vmem>>
      %dma_wait3A_57 = tpu.memref_squeeze %dma_wait3A_56 : memref<1x64x256xf32, #tpu.memory_space<vmem>> -> memref<64x256xf32, #tpu.memory_space<vmem>>
      %dma_wait3A_58 = arith.constant 0 : i32
      %dma_wait3A_59 = arith.constant 0 : i32
      %dma_wait3A_60 = tpu.memref_slice %arg8[%reduce_max3A_53, %dma_wait3A_58, %dma_wait3A_59] : memref<1000x64x256xf32, #tpu.memory_space<hbm>> -> memref<1x64x256xf32, #tpu.memory_space<hbm>>
      %dma_wait3A_61 = tpu.memref_squeeze %dma_wait3A_60 : memref<1x64x256xf32, #tpu.memory_space<hbm>> -> memref<64x256xf32, #tpu.memory_space<hbm>>
      %dma_wait3A_62 = arith.constant 0 : i32
      %dma_wait3A_63 = arith.constant 0 : i32
      %dma_wait3A_64 = tpu.memref_slice %arg8[%reduce_max3A_53, %dma_wait3A_62, %dma_wait3A_63] : memref<1000x64x256xf32, #tpu.memory_space<hbm>> -> memref<1x64x256xf32, #tpu.memory_space<hbm>>
      %dma_wait3A_65 = tpu.memref_squeeze %dma_wait3A_64 : memref<1x64x256xf32, #tpu.memory_space<hbm>> -> memref<64x256xf32, #tpu.memory_space<hbm>>
      %dma_wait3A_66 = arith.constant 0 : i32
      %dma_wait3A_67 = arith.constant 0 : i32
      %dma_wait3A_68 = tpu.memref_slice %arg9[%and3A_54, %dma_wait3A_66, %dma_wait3A_67] : memref<2x64x256xf32, #tpu.memory_space<vmem>> -> memref<1x64x256xf32, #tpu.memory_space<vmem>>
      %dma_wait3A_69 = tpu.memref_squeeze %dma_wait3A_68 : memref<1x64x256xf32, #tpu.memory_space<vmem>> -> memref<64x256xf32, #tpu.memory_space<vmem>>
      tpu.wait_dma2 semaphore(%arg16 : memref<!tpu.dma_semaphore, #tpu.memory_space<semaphore_mem>>) src(%dma_wait3A_69 : memref<64x256xf32, #tpu.memory_space<vmem>>) dst(%dma_wait3A_65 : memref<64x256xf32, #tpu.memory_space<hbm>>)
    } else {
    }
    return
  }
}

</mosaic_0001>

<sc_bundles>
// kernel: kernel.3.cloned.1.call-start
scs
__scs_entry_jumppad:
0x0: {  	(pc) =	sbr.rel $0x88, $3  }
0x1: {  	(tag) =	ssettag $0x0;
	lr =	simm.s32 $0x1  }
0x2: {  	[smem:$0x3F9E] =	sst lr;
	_ =	strace $0xD0000000  }
0x3: {  	_ = 	snop  }
0x4: {  	_ = 	snop  }
0x5: {  	_ = 	snop  }
0x6: {  	_ = 	snop  }
0x7: {  	_ = 	snop  }
__scs_overlays_trampoline_lowered:
0x8: {  	[smem:$0x3FAD] =	sst s0  }
0x9: {  	[smem:$0x3FAE] =	sst s1  }
0xa: {  	[smem:$0x3FAF] =	sst s2  }
0xb: {  	[smem:$0x3FB0] =	sst s3  }
0xc: {  	[smem:$0x3FB1] =	sst s4  }
0xd: {  	[smem:$0x3FB2] =	sst s5  }
0xe: {  	[smem:$0x3FB3] =	sst s6  }
0xf: {  	[smem:$0x3FB4] =	sst s7  }
0x10: {  	[smem:$0x3FB5] =	sst s8  }
0x11: {  	[smem:$0x3FB6] =	sst s9;
	s0 =	simm.s32 @!p0 $0x0  }
0x12: {  	s1 =	sld [smem:$0x3F9C];
	s0 =	simm.s32 @p0 $0x1  }
0x13: {  	[smem:$0x3FB7] =	sst s0;
	s0 =	simm.s32 @!p1 $0x0  }
0x14: {  	s2 =	sld [smem:$0x3F9B];
	s0 =	simm.s32 @p1 $0x1  }
0x15: {  	[smem:$0x3FB8] =	sst s0;
	s0 =	simm.s32 @!p2 $0x0  }
0x16: {  	s3 =	sld [smem:$0x3FDB];
	s0 =	simm.s32 @p2 $0x1  }
0x17: {  	s4 =	simm.s32 $0x1BF5;
	[smem:$0x3FBA] =	sst s0  }
0x18: {  	s0 =	sld [smem:$0x3F9D];
	_ =	swait.ge [sflag:s4], $0x0  }
0x19: {  	s7 =	sld [smem:$0x3F9E]  }
0x1a: {  	s8 =	sadd.s32 $0xFFFFE003, lr  }
0x1b: {  	s9 =	sadd.s32 $0xFFFFFEF7, lr;
	s5 =	simm.s32 $0xFFFFFFFF;
	p2 =	slt.u32 s8, $0xFFFFF086  }
0x1c: {  	p1 =	slt.u32 s9, $0xF7A;
	s5 =	simm.s32 @!p2 $0x0  }
0x1d: {  	s5 =	simm.s32 @p1 $0x1;
	p0 =	seq.s32 s7, s2  }
0x1e: {  	s7 =	smul.u32 @!p0 $0xF7A, s2;
	p2 =	seq.s32 @!p0 s5, $0x0  }
0x1f: {  	s9 =	smul.u32 $0xF7A, s1;
	s8 =	simm.s32 @!p0 $0x1BF5;
	p2 =	por !p2, p0  }
0x20: {  	[sflag:s8] =	ssyncset.s32 @!p0 $0xFFFFF086;
	s6 =	sadd.s32 @!p0 s3, s7;
	s7 =	simm.s32 @!p0 $0x108  }
0x21: {  	s3 =	sadd.s32 s3, s9;
	s6 =	sadd.s32 @!p0 $0x88, s6;
	s7 =	simm.s32 @p2 $0x1082  }
0x22: {  	[simem:s7], [sflag:s8] =	dma.local @!p0 [hbm:s6], $0xF7A  }
0x23: {  	s9 =	sor.u32 $0xD0000000, s2;
	s6 =	simm.s32 $0x108;
	_ =	swait.ge @!p0 [sflag:s8], $0x0  }
0x24: {  	s3 =	sadd.s32 $0x88, s3;
	s6 =	simm.s32 @!p1 $0x1082;
	[sflag:s4] =	ssyncset.s32 $0xFFFFF086  }
0x25: {  	[simem:s6], [sflag:s4] =	dma.local [hbm:s3], $0xF7A  }
0x26: {  	[smem:$0x3F9E] =	sst s1;
	(tag) =	ssettag s2;
	_ =	strace s9  }
0x27: {  	s1 =	sld [smem:$0x3FAE]  }
0x28: {  	s2 =	sld [smem:$0x3FAF]  }
0x29: {  	s4 =	sld [smem:$0x3FB1]  }
0x2a: {  	p0 =	seq.s32 s5, $0x0;
	s5 =	sld [smem:$0x3FB2]  }
0x2b: {  	s6 =	sld [smem:$0x3FB3]  }
0x2c: {  	s7 =	sld [smem:$0x3FB4]  }
0x2d: {  	s3 =	simm.s32 $0x108;
	s8 =	sld [smem:$0x3FB5]  }
0x2e: {  	s3 =	simm.s32 @!p0 $0x1082;
	s9 =	sld [smem:$0x3FB6]  }
0x2f: {  	lr =	sadd.s32 s0, s3;
	s0 =	sld [smem:$0x3FAD]  }
0x30: {  	s3 =	sld [smem:$0x3FB0]  }
0x31: {  	[smem:$0x3FB9] =	sst s10  }
0x32: {  	s10 =	sld [smem:$0x3FB7];
	_ =	sdelay $0x3  }
0x33: {  	p0 =	seq.s32 s10, $0x1;
	s10 =	sld [smem:$0x3FB9];
	_ =	sdelay $0x3  }
0x34: {  	[smem:$0x3FB9] =	sst s10  }
0x35: {  	s10 =	sld [smem:$0x3FB8];
	_ =	sdelay $0x3  }
0x36: {  	p1 =	seq.s32 s10, $0x1;
	s10 =	sld [smem:$0x3FB9];
	_ =	sdelay $0x3  }
0x37: {  	[smem:$0x3FB9] =	sst s10  }
0x38: {  	s10 =	sld [smem:$0x3FBA]  }
0x39: {  	_ = 	snop;
	(pc) =	sbr.ind lr, $3  }
0x3a: {  	_ = 	snop  }
0x3b: {  	_ = 	snop  }
0x3c: {  	p2 =	seq.s32 s10, $0x1;
	s10 =	sld [smem:$0x3FB9]  }
0x3d: {  	_ =	shalt  }
0x3e: {  	_ =	shalt  }
0x3f: {  	_ =	shalt  }
0x40: {  	_ =	shalt  }
0x41: {  	_ =	shalt  }
0x42: {  	_ =	shalt  }
0x43: {  	_ =	shalt  }
0x44: {  	_ =	shalt  }
0x45: {  	_ =	shalt  }
0x46: {  	_ =	shalt  }
0x47: {  	_ =	shalt  }
0x48: {  	_ =	shalt  }
0x49: {  	_ =	shalt  }
0x4a: {  	_ =	shalt  }
0x4b: {  	_ =	shalt  }
0x4c: {  	_ =	shalt  }
0x4d: {  	_ =	shalt  }
0x4e: {  	_ =	shalt  }
0x4f: {  	_ =	shalt  }
0x50: {  	_ =	shalt  }
0x51: {  	_ =	shalt  }
0x52: {  	_ =	shalt  }
0x53: {  	_ =	shalt  }
0x54: {  	_ =	shalt  }
0x55: {  	_ =	shalt  }
0x56: {  	_ =	shalt  }
0x57: {  	_ =	shalt  }
0x58: {  	_ =	shalt  }
0x59: {  	_ =	shalt  }
0x5a: {  	_ =	shalt  }
0x5b: {  	_ =	shalt  }
0x5c: {  	_ =	shalt  }
0x5d: {  	_ =	shalt  }
0x5e: {  	_ =	shalt  }
0x5f: {  	_ =	shalt  }
0x60: {  	_ =	shalt  }
0x61: {  	_ =	shalt  }
0x62: {  	_ =	shalt  }
0x63: {  	_ =	shalt  }
0x64: {  	_ =	shalt  }
0x65: {  	_ =	shalt  }
0x66: {  	_ =	shalt  }
0x67: {  	_ =	shalt  }
0x68: {  	_ =	shalt  }
0x69: {  	_ =	shalt  }
0x6a: {  	_ =	shalt  }
0x6b: {  	_ =	shalt  }
0x6c: {  	_ =	shalt  }
0x6d: {  	_ =	shalt  }
0x6e: {  	_ =	shalt  }
0x6f: {  	_ =	shalt  }
0x70: {  	_ =	shalt  }
0x71: {  	_ =	shalt  }
0x72: {  	_ =	shalt  }
0x73: {  	_ =	shalt  }
0x74: {  	_ =	shalt  }
0x75: {  	_ =	shalt  }
0x76: {  	_ =	shalt  }
0x77: {  	_ =	shalt  }
0x78: {  	_ =	shalt  }
0x79: {  	_ =	shalt  }
0x7a: {  	_ =	shalt  }
0x7b: {  	_ =	shalt  }
0x7c: {  	_ =	shalt  }
0x7d: {  	_ =	shalt  }
0x7e: {  	_ =	shalt  }
0x7f: {  	_ =	shalt  }
0x80: {  	_ =	shalt  }
0x81: {  	_ =	shalt  }
0x82: {  	_ =	shalt  }
0x83: {  	_ =	shalt  }
0x84: {  	_ =	shalt  }
0x85: {  	_ =	shalt  }
0x86: {  	_ =	shalt  }
0x87: {  	_ =	shalt  }
.Lfunc_end0:
.L_simem_size_0:
called_computation_lowered:
.L_overlay_start_0:
0x88: {  	s2 =	sld [smem:$0x3FD9]  }
0x89: {  	s3 =	sld [smem:$0x3FFE];
	_ =	sdelay $0x1  }
0x8a: {  	s1 =	srdreg.scid  }
0x8b: {  	s0 =	sand.u32 $0x1, s1  }
0x8c: {  	s17 =	sshll.u32 s0, $0xA;
	s2 =	sadd.s32 s3, s2  }
0x8d: {  	s2 =	sadd.s32 s2, s17  }
0x8e: {  	[smem:$0x3FC5] =	sst s2  }
0x8f: {  	_ = 	snop  }
0x90: {  	s2 =	sld [smem:$0x3FC9]  }
0x91: {  	s18 =	sld [smem:$0x3FC7]  }
0x92: {  	s4 =	sld [smem:$0x3FD0];
	(tm) =	ssettm $0x1  }
0x93: {  	s5 =	sld [smem:$0x3FFB];
	_ =	sdelay $0x3  }
0x94: {  	_ =	strace s5  }
0x95: {  	s5 =	sld [smem:$0x3FFC];
	_ =	sdelay $0x3  }
0x96: {  	_ =	strace s5  }
0x97: {  	s5 =	sld [smem:$0x3FFD];
	_ =	sdelay $0x3  }
0x98: {  	_ =	strace s5  }
0x99: {  	_ =	strace $0x8FFFFFFF  }
0x9a: {  	s19 =	sld [smem:$0x3FDB];
	_ =	sdelay $0x1  }
0x9b: {  	s6 =	simm.s32 $_scs_section_size  }
0x9c: {  	s7 =	simm.s32 $_size__tile_overlayer_lowered;
	s8 =	simm.s32 $_tile_overlayer_lowered  }
0x9d: {  	s22 =	simm.s32 $0x1BFF;
	s21 =	sshll.u32 s8, $0x1;
	s5 =	sadd.s32 s6, s19  }
0x9e: {  	s9 =	simm.s32 $0x0;
	s20 =	sshll.u32 s7, $0x1;
	s7 =	sadd.s32 s21, s5  }
0x9f: {  	[timem:s9], [sflag:s22] =	dma.local [hbm:s7], s20  }
0xa0: {  	_ =	swait.ge [sflag:s22], s20  }
0xa1: {  	s6 =	ssub.s32 $0x0, s20;
	[sflag:s22] =	ssyncset.done $0x0  }
0xa2: {  	[sflag:s22] =	ssyncadd.s32 s6;
	_ =	sdelay $0x1  }
0xa3: {  	s23 =	simm.s32 $0x1B8B  }
0xa4: {  	_ =	swait.ge [sflag:s23], $0x1  }
0xa5: {  	[sflag:s23] =	ssyncset.done $0x0  }
0xa6: {  	s25 =	simm.s32 $0x1B8E;
	s24 =	sld [smem:$0x3FFE];
	[sflag:s23] =	ssyncadd.s32 $0xFFFFFFFF  }
0xa7: {  	s26 =	simm.s32 $execute0_lowered;
	[smem:$0x3FD2] =	sst s25  }
0xa8: {  	s7 =	sshll.u32 s26, $0x1;
	_ =	strace $0x80000046;
	[dreg:$0x1] =	wrdreg $0xFFFFFFFF  }
0xa9: {  	s28 =	simm.s32 $_size_execute0_lowered;
	s5 =	sadd.s32 s5, s7;
	[dreg:$0x0] =	wrdreg $0x0  }
0xaa: {  	s7 =	sshll.u32 s28, $0x1;
	[dreg:$0x2] =	wrdreg s5  }
0xab: {  	[dreg:$0x3] =	wrdreg s7  }
0xac: {  	[dreg:$0x4] =	wrdreg $0xC0  }
0xad: {  	_ =	task [dreg:s9], $0x5FFFF  }
0xae: {  	[dreg:$0x1] =	wrdreg $0xFFFFFFFF  }
0xaf: {  	[dreg:$0x0] =	wrdreg $0x60  }
0xb0: {  	[dreg:$0x2] =	wrdreg s2  }
0xb1: {  	[dreg:$0x3] =	wrdreg s24  }
0xb2: {  	[dreg:$0x4] =	wrdreg s18  }
0xb3: {  	[dreg:$0x5] =	wrdreg s4  }
0xb4: {  	[dreg:$0x6] =	wrdreg $0x9  }
0xb5: {  	_ =	task.clear_ibuf [dreg:s9], $0x7FFFF;
	_ =	strace $0x90000046  }
0xb6: {  	s29 =	simm.s32 $0x9;
	_ =	strace $0x80000048  }
0xb7: {  	_ =	swait.ge [sflag:s29], $0x1  }
0xb8: {  	[sflag:s29] =	ssyncadd.s32 $0xFFFFFFFF  }
0xb9: {  	_ =	strace $0x90000048  }
0xba: {  	_ =	sfence  }
0xbb: {  	s30 =	sld [smem:$0x0];
	_ =	sdelay $0x2  }
0xbc: {  	s31 =	sshll.u32 s1, $0xD;
	s1 =	sshrl.u32 s1, $0x2  }
0xbd: {  	s3 =	sand.u32 $0x4000, s31;
	s1 =	sadd.s32 s1, s30  }
0xbe: {  	s0 =	sor.u32 s3, s0;
	s1 =	sshll.u32 s1, $0x11  }
0xbf: {  	s0 =	sor.u32 s1, s0  }
0xc0: {  	s0 =	sadd.s32 $0x8F2B, s0  }
0xc1: {  	[sflag:s0] =	ssyncadd.remote.s32 $0x1  }
0xc2: {  	_ =	sfence.sel $0xFFFF  }
0xc3: {  	[dreg:$0x0] =	wrdreg $0xFFFFFFFF;
	(pc) =	sbr.abs _section_cstart, $3  }
0xc4: {  	[dreg:$0x1] =	wrdreg $0xFFFFFFFF  }
0xc5: {  	_ =	task.clear_ibuf [dreg:s9], $0x2FFFF;
	_ =	strace $0x9FFFFFFF  }
0xc6: {  	(tm) =	ssettm $0x7FFFFFFF  }
0xc7: {  	_ =	shalt  }
tec
execute0_lowered:
.L_overlay_start_1:
0x0: {  	(tag) =	ssettag $0x1  }
0x1: {  	s1 =	rddreg [dreg:$0x0]  }
0x2: {  	s0 =	rddreg [dreg:$0x1]  }
0x3: {  	s4 =	simm.s32 $0x0;
	s5 =	srdreg.scid;
	s30 =	stileid.u32  }
0x4: {  	s15 =	simm.s32 $0x9600;
	s16 =	simm.s32 $0x9A00;
	s17 =	simm.s32 $0x1  }
0x5: {  	[smem:$0x7FF] =	sst s4;
	s2 =	sadd.s32 $0x200, s0;
	s26 =	sadd.s32 $0x400, s0  }
0x6: {  	s5 =	sand.u32 $0x1, s5;
	s28 =	sadd.s32 $0x600, s0;
	s8 =	sshll.u32 s30, $0x6  }
0x7: {  	_ =	strace $0x80000047;
	s6 =	ssub.s32 $0x2, s5;
	s5 =	sshll.u32 s5, $0x5  }
.Ltmp0:
0x8: {  	[dreg:$0x5] =	wrdreg s2;
	s10 =	sor.u32 s5, s8;
	(pc) =	sbr.rel .LBB2_1-.Ltmp0, $4  }
0x9: {  	v0 =	vlaneseq.u32;
	s0 =	sadd.s32 $0x800, s0;
	[dreg:$0x6] =	wrdreg s26;
	s7 =	sshrl.u32 s6, $0x1;
	v1 =	vmov s10  }
0xa: {  	[dreg:$0x7] =	wrdreg s28;
	s31 =	ssub.s32 s6, s7;
	s5 =	sor.u32 $0x10, s10;
	v63 =	vor.u32 s10, v0;
	[tilespmem:$0x1FFD0] =	vst v1  }
0xb: {  	s20 =	simm.s32 $0x3;
	[dreg:$0x8] =	wrdreg s0;
	s0 =	smax.u32 s31, $0x1;
	[tilespmem:$0x1FFE0] =	vst v63;
	v0 =	vor.u32 s5, v0  }
0xc: {  	s3 =	simm.s32 $0x0;
	s29 =	simm.s32 $0x0;
	[dreg:$0x9] =	wrdreg s0;
	[tilespmem:$0x1FFF0] =	vst v0  }
.LBB2_11:
0xd: {  	s0 =	simm.s32 @!p0 $0x2  }
0xe: {  	_ =	swait.ge @!p0 [sflag:s0], $0x4000  }
0xf: {  	s3 =	rddreg [dreg:$0xa]  }
0x10: {  	s2 =	rddreg [dreg:$0x9];
	s3 =	sadd.s32 $0x1, s3  }
0x11: {  	p1 =	sne.s32 s3, s2  }
.Ltmp1:
0x12: {  	_ = 	snop;
	(pc) =	sbr.rel @!p1 .LBB2_12-.Ltmp1, $3  }
0x13: {  	_ =	sdelay $0x1  }
0x14: {  	[sflag:s0] =	ssyncset.done @!p0 $0x0  }
0x15: {  	[sflag:s0] =	ssyncadd.s32 @!p0 $0xFFFFC000  }
.LBB2_1:
0x16: {  	[dreg:$0xa] =	wrdreg s3  }
0x17: {  	s0 =	rddreg [dreg:$0x5];
	s2 =	simm.s32 $0x8200;
	s24 =	simm.s32 $0x4  }
0x18: {  	[tilespmem:s2], [sflag:$0x4] =	stream.linear.gather [hbm4b:s0+s4], $0x1000, $0x38;
	[tilespmem:$0x9E00] =	vst v63  }
0x19: {  	_ =	swait.ge [sflag:s24], $0x1000  }
0x1a: {  	[sflag:s24] =	ssyncset.done $0x0  }
0x1b: {  	s26 =	simm.s32 $0x9200;
	s25 =	rddreg [dreg:$0x6];
	[sflag:s24] =	ssyncadd.s32 $0xFFFFF000  }
0x1c: {  	[tilespmem:s26], [sflag:$0x4] =	stream.linear.gather [hbm4b:s25+s4], $0x400, $0x38;
	[tilespmem:$0x9E00] =	vst v63  }
0x1d: {  	_ =	swait.ge [sflag:s24], $0x400  }
0x1e: {  	[sflag:s24] =	ssyncset.done $0x0  }
0x1f: {  	s28 =	rddreg [dreg:$0x7];
	[sflag:s24] =	ssyncadd.s32 $0xFFFFFC00  }
0x20: {  	[tilespmem:s15], [sflag:$0x4] =	stream.linear.gather [hbm4b:s28+s4], $0x400, $0x38;
	[tilespmem:$0x9E00] =	vst v63  }
0x21: {  	_ =	swait.ge [sflag:s24], $0x400  }
0x22: {  	[sflag:s24] =	ssyncset.done $0x0  }
0x23: {  	s30 =	rddreg [dreg:$0x8];
	[sflag:s24] =	ssyncadd.s32 $0xFFFFFC00  }
0x24: {  	[tilespmem:s16], [sflag:$0x4] =	stream.linear.gather [hbm4b:s30+s4], $0x400, $0x38;
	[tilespmem:$0x9E00] =	vst v63  }
0x25: {  	_ =	swait.ge [sflag:s24], $0x400  }
0x26: {  	v0 =	vld [tilespmem:$0x1FFE0]  }
0x27: {  	v1 =	vld [tilespmem:$0x1FFF0];
	_ =	sdelay $0x4  }
0x28: {  	[sflag:s24] =	ssyncset.done $0x0  }
0x29: {  	[sflag:s24] =	ssyncadd.s32 $0xFFFFFC00  }
0x2a: {  	v0 =	vld.idx.msk [tilespmem:v0+s16+$0x0], $0xffff  }
0x2b: {  	v1 =	vld.idx.msk [tilespmem:v1+s16+$0x0], $0xffff;
	_ =	sdelay $0x4  }
0x2c: {  	vm0 =	vlt.s32 v0, $0x3E8;
	vm1 =	vlt.s32 v1, $0x3E8  }
0x2d: {  	v0 =	vmpcnt.ones.xlane vm0;
	v1 =	vmpcnt.ones.xlane vm1;
	_ =	sdelay $0x1  }
0x2e: {  	v0 =	vadd.s32 v0, v1  }
0x2f: {  	v0 =	vxor.u32 $0x80000000, v0  }
0x30: {  	(xrf0) =	vmax.scan.msk.u32 $0xffff, v0;
	_ =	sdelay $0x5  }
0x31: {  	v0, _, _ =	vpop (xrf0)  }
0x32: {  	(v2sf) =	vpush v0, $0xF;
	_ =	sdelay $0xa  }
0x33: {  	v0 =	vld [tilespmem:$0x1FFD0];
	_ =	sdelay $0x3  }
0x34: {  	s31 =	spop (v2sf)  }
0x35: {  	s22 =	sxor.u32 $0x80000000, s31  }
0x36: {  	p0 =	slt.s32 s22, $0x1  }
0x37: {  	s0 =	simm.s32 @!p0 $0x9A00  }
0x38: {  	v0 =	vld.idx.msk @!p0 [tilespmem:v0+s0+$0x0], $0xffff;
	_ =	sdelay $0x4  }
0x39: {  	v0 =	vxor.u32 @!p0 $0x80000000, v0  }
0x3a: {  	(xrf0) =	vmax.scan.msk.u32 @!p0 $0xffff, v0;
	_ =	sdelay $0x5  }
0x3b: {  	v0, _, _ =	vpop @!p0 (xrf0)  }
0x3c: {  	(v2sf) =	vpush @!p0 v0, $0xF;
	_ =	sdelay $0xe  }
.Ltmp2:
0x3d: {  	s0 =	spop @!p0 (v2sf);
	(pc) =	sbr.rel .LBB2_2-.Ltmp2, $4  }
0x3e: {  	s0 =	sshll.u32 @!p0 s0, $0xB  }
0x3f: {  	s2 =	rddreg [dreg:$0x2];
	s0 =	sand.u32 @!p0 $0x1FFFF800, s0  }
0x40: {  	s23 =	simm.s32 $0x0;
	s5 =	simm.s32 @!p0 $0x0;
	s0 =	sadd.s32 @!p0 s2, s0  }
0x41: {  	[tilespmem:s5], [sflag:$0x1] =	stream.linear.gather @!p0 [hbm4b:s0+s5], $0x4000, $0x38;
	[tilespmem:$0x9E00] =	vst v63  }
.LBB2_3:
0x42: {  	s23 =	sadd.s32 $0x1, s23  }
.LBB2_10:
0x43: {  	p1 =	sne.s32 s23, $0x20  }
.Ltmp3:
0x44: {  	_ = 	snop;
	(pc) =	sbr.rel @!p1 .LBB2_11-.Ltmp3, $1  }
0x45: {  	_ =	sdelay $0x3  }
.LBB2_2:
0x46: {  	p1 =	slt.s32 s23, s22  }
.Ltmp4:
0x47: {  	_ = 	snop;
	(pc) =	sbr.rel @!p1 .LBB2_3-.Ltmp4, $1  }
0x48: {  	_ =	sdelay $0x3  }
0x49: {  	s0 =	sor.u32 s10, s23  }
0x4a: {  	v0 =	vmov s0;
	_ =	sdelay $0x4  }
0x4b: {  	v0 =	vld.idx.msk [tilespmem:v0+s16+$0x0], $0xffff;
	_ =	sdelay $0x4  }
0x4c: {  	v0 =	vxor.u32 $0x80000000, v0  }
0x4d: {  	(xrf0) =	vmax.scan.msk.u32 $0xffff, v0;
	_ =	sdelay $0x5  }
0x4e: {  	v0, _, _ =	vpop (xrf0)  }
0x4f: {  	(v2sf) =	vpush v0, $0xF;
	_ =	sdelay $0xd  }
0x50: {  	s25 =	sshll.u32 s23, $0xE;
	p2 =	seq.s32 s23, $0x0;
	s23 =	sadd.s32 $0x1, s23  }
0x51: {  	p1 =	sge.u32 s23, s22;
	s24 =	spop (v2sf)  }
0x52: {  	s5 =	sadd.s32 @!p1 s10, s23;
	_ =	swait.ge [sflag:s17], $0x4000  }
0x53: {  	v0 =	vmov @!p1 s5;
	[sflag:s17] =	ssyncset.done $0x0  }
0x54: {  	s5 =	simm.s32 @!p2 $0x2;
	[sflag:s17] =	ssyncadd.s32 $0xFFFFC000  }
0x55: {  	_ =	swait.ge @!p2 [sflag:s5], $0x4000  }
0x56: {  	[sflag:s5] =	ssyncset.done @!p2 $0x0  }
0x57: {  	[sflag:s5] =	ssyncadd.s32 @!p2 $0xFFFFC000;
	s5 =	simm.s32 @!p1 $0x9A00  }
0x58: {  	v0 =	vld.idx.msk @!p1 [tilespmem:v0+s5+$0x0], $0xffff;
	_ =	sdelay $0x4  }
0x59: {  	v0 =	vxor.u32 @!p1 $0x80000000, v0  }
0x5a: {  	(xrf0) =	vmax.scan.msk.u32 @!p1 $0xffff, v0;
	_ =	sdelay $0x5  }
0x5b: {  	v0, _, _ =	vpop @!p1 (xrf0)  }
0x5c: {  	(v2sf) =	vpush @!p1 v0, $0xF;
	_ =	sdelay $0xd  }
0x5d: {  	s28 =	sxor.u32 $0x80000000, s24  }
0x5e: {  	v61 =	vmov s28;
	s6 =	spop @!p1 (v2sf)  }
0x5f: {  	s5 =	sshll.u32 @!p1 s6, $0xB  }
0x60: {  	s2 =	rddreg [dreg:$0x2];
	s6 =	sshll.u32 @!p1 s23, $0xE;
	s5 =	sand.u32 @!p1 $0x1FFFF800, s5  }
0x61: {  	s7 =	simm.s32 @!p1 $0x0;
	s6 =	sand.u32 @!p1 $0x4000, s6;
	s5 =	sadd.s32 @!p1 s2, s5  }
0x62: {  	[tilespmem:s6], [sflag:$0x1] =	stream.linear.gather @!p1 [hbm4b:s5+s7], $0x4000, $0x38;
	[tilespmem:$0x9E00] =	vst v63  }
0x63: {  	v1 =	vld.idx.msk [tilespmem:v61+s15+$0x0], $0xffff;
	_ =	sdelay $0x4  }
0x64: {  	v1 =	vxor.u32 $0x80000000, v1  }
0x65: {  	s30 =	simm.s32 $0x9200;
	(xrf0) =	vmax.scan.msk.u32 $0xffff, v1  }
0x66: {  	v0 =	vld.idx.msk [tilespmem:v61+s30+$0x0], $0xffff;
	_ =	sdelay $0x4  }
0x67: {  	v0 =	vxor.u32 $0x80000000, v0;
	v62, _, _ =	vpop (xrf0)  }
0x68: {  	(xrf0) =	vmax.scan.msk.u32 $0xffff, v0;
	(v2sf) =	vpush v62, $0xF;
	_ =	sdelay $0x5  }
0x69: {  	v63, _, _ =	vpop (xrf0)  }
0x6a: {  	(v2sf) =	vpush v63, $0xF;
	_ =	sdelay $0x7  }
0x6b: {  	s31 =	spop (v2sf)  }
0x6c: {  	s26 =	sxor.u32 $0x80000000, s31  }
0x6d: {  	p1 =	slt.s32 s26, $0x1  }
.Ltmp5:
0x6e: {  	_ = 	snop;
	(pc) =	sbr.rel @p1 .LBB2_9-.Ltmp5, $2  }
0x6f: {  	_ =	sdelay $0x2  }
0x70: {  	s25 =	sand.u32 $0x4000, s25;
	s0 =	spop (v2sf)  }
0x71: {  	s28 =	sxor.u32 $0x80000000, s0  }
0x72: {  	v0 =	vmov s28;
	_ =	sdelay $0x3  }
0x73: {  	s19 =	simm.s32 $0x8200  }
0x74: {  	v0 =	vld.idx.msk [tilespmem:v0+s19+$0x0], $0xffff;
	_ =	sdelay $0x4  }
0x75: {  	v0 =	vxor.u32 $0x80000000, v0  }
0x76: {  	(xrf0) =	vmax.scan.msk.u32 $0xffff, v0;
	_ =	sdelay $0x5  }
0x77: {  	v0, _, _ =	vpop (xrf0)  }
0x78: {  	(v2sf) =	vpush v0, $0xF;
	_ =	sdelay $0xe  }
0x79: {  	s21 =	spop (v2sf)  }
0x7a: {  	s5 =	sshll.u32 s21, $0x8;
	s0 =	sshll.u32 s21, $0x7  }
0x7b: {  	s5 =	sand.u32 $0xFFFFF800, s5;
	s0 =	sand.u32 $0x380, s0  }
0x7c: {  	s0 =	sor.u32 s0, s5  }
0x7d: {  	s0 =	sshrl.u32 s0, $0x3  }
0x7e: {  	s2 =	simm.s32 $0x8000;
	s0 =	sadd.s32 s1, s0  }
0x7f: {  	[tilespmem:s2], [sflag:$0x3] =	stream.linear.gather [hbm4b:s0+s29], $0x80, $0x38;
	[tilespmem:$0x9E00] =	vst v63  }
0x80: {  	s31 =	simm.s32 $0x8100;
	s30 =	simm.s32 $0x0;
	s0 =	sadd.s32 $0x80, s0  }
0x81: {  	[tilespmem:s31], [sflag:$0x3] =	stream.linear.gather [hbm4b:s0+s29], $0x80, $0x38;
	[tilespmem:$0x9E00] =	vst v63  }
.LBB2_6:
0x82: {  	s0 =	smov.u32 s30;
	s30 =	sadd.s32 $0x1, s30  }
0x83: {  	p1 =	sge.s32 s30, s26  }
0x84: {  	s5 =	sadd.s32 @!p1 s28, s30  }
0x85: {  	v0 =	vmov @!p1 s5;
	_ =	sdelay $0x1  }
0x86: {  	_ =	swait.ge [sflag:s20], $0x100  }
0x87: {  	[sflag:s20] =	ssyncset.done $0x0  }
0x88: {  	[sflag:s20] =	ssyncadd.s32 $0xFFFFFF00;
	s5 =	simm.s32 @!p1 $0x8200  }
0x89: {  	v0 =	vld.idx.msk @!p1 [tilespmem:v0+s5+$0x0], $0xffff;
	_ =	sdelay $0x4  }
0x8a: {  	v0 =	vxor.u32 @!p1 $0x80000000, v0  }
0x8b: {  	(xrf0) =	vmax.scan.msk.u32 @!p1 $0xffff, v0;
	_ =	sdelay $0x5  }
0x8c: {  	v0, _, _ =	vpop @!p1 (xrf0)  }
0x8d: {  	(v2sf) =	vpush @!p1 v0, $0xF;
	_ =	sdelay $0xe  }
0x8e: {  	s5 =	spop @!p1 (v2sf)  }
0x8f: {  	s6 =	sshll.u32 @!p1 s5, $0x8;
	s5 =	sshll.u32 @!p1 s5, $0x7  }
0x90: {  	s6 =	sand.u32 @!p1 $0xFFFFF800, s6;
	s5 =	sand.u32 @!p1 $0x380, s5  }
0x91: {  	s7 =	sshll.u32 @!p1 s30, $0x7;
	s5 =	sor.u32 @!p1 s5, s6  }
0x92: {  	s6 =	sand.u32 @!p1 $0x80, s7;
	s5 =	sshrl.u32 @!p1 s5, $0x3  }
0x93: {  	s8 =	simm.s32 @!p1 $0x0;
	s7 =	sor.u32 @!p1 $0x8000, s6;
	s5 =	sadd.s32 @!p1 s1, s5  }
0x94: {  	[tilespmem:s7], [sflag:$0x3] =	stream.linear.gather @!p1 [hbm4b:s5+s8], $0x80, $0x38;
	[tilespmem:$0x9E00] =	vst v63  }
0x95: {  	s0 =	sshll.u32 s0, $0x7;
	s6 =	sor.u32 @!p1 $0x8100, s6;
	s5 =	sadd.s32 @!p1 $0x80, s5  }
0x96: {  	[tilespmem:s6], [sflag:$0x3] =	stream.linear.gather @!p1 [hbm4b:s5+s8], $0x80, $0x38;
	[tilespmem:$0x9E00] =	vst v63  }
0x97: {  	s5 =	sand.u32 $0x80, s0  }
0x98: {  	s11 =	sand.u32 $0x3800, s29;
	s12 =	simm.s32 $0x100;
	v63 =	vld [tilespmem:s5+$0x8000]  }
0x99: {  	s13 =	simm.s32 $0x180;
	s9 =	sadd.s32 s11, s25;
	s14 =	sand.u32 $0x300, s12;
	v62 =	vld [tilespmem:s5+$0x8010]  }
0x9a: {  	s18 =	sand.u32 $0x380, s13;
	s19 =	sadd.s32 s14, s9;
	v31 =	vld [tilespmem:s5+$0x8170]  }
0x9b: {  	s21 =	sadd.s32 s18, s9;
	v4 =	vld [tilespmem:s19+$0x470]  }
0x9c: {  	v2 =	vld [tilespmem:s21+$0x430]  }
0x9d: {  	v9 =	vld [tilespmem:s19+$0x450]  }
0x9e: {  	v6 =	vld [tilespmem:s21+$0x420]  }
0x9f: {  	v10 =	vld [tilespmem:s19+$0x440]  }
0xa0: {  	v12 =	vld [tilespmem:s21+$0x410]  }
0xa1: {  	v14 =	vld [tilespmem:s19+$0x430]  }
0xa2: {  	v25 =	vld [tilespmem:s21+$0x400]  }
0xa3: {  	v29 =	vld [tilespmem:s21+$0x70]  }
0xa4: {  	v33 =	vld [tilespmem:s21+$0x60]  }
0xa5: {  	v20 =	vld [tilespmem:s19+$0x400]  }
0xa6: {  	v35 =	vld [tilespmem:s21+$0x50]  }
0xa7: {  	v36 =	vld [tilespmem:s21+$0x20]  }
0xa8: {  	v37 =	vld [tilespmem:s21+$0x10]  }
0xa9: {  	v38 =	vld [tilespmem:s21+$0x0];
	v0 =	vmul.f32 v4, v4  }
0xaa: {  	v39 =	vld [tilespmem:s19+$0x20];
	v8 =	vmul.f32 v2, v2;
	v11 =	vmul.f32 v9, v9  }
0xab: {  	s2 =	simm.s32 $0x80;
	v40 =	vld [tilespmem:s19+$0x0];
	v17 =	vmul.f32 v10, v10;
	v13 =	vmul.f32 v6, v6  }
0xac: {  	s6 =	sand.u32 $0x280, s2;
	v42 =	vld [tilespmem:s19+$0x10];
	v18 =	vmul.f32 v14, v14;
	v1 =	vmul.f32 v12, v12  }
0xad: {  	s3 =	sadd.s32 s6, s9;
	v28 =	vld [tilespmem:s5+$0x8020];
	v30 =	vmul.f32 v25, v25;
	v34 =	vmul.f32 v29, v29  }
0xae: {  	v16 =	vld [tilespmem:s3+$0x470];
	v41 =	vmul.f32 v33, v33;
	v32 =	vmul.f32 v20, v20  }
0xaf: {  	s11 =	sand.u32 $0x200, s29;
	v15 =	vld [tilespmem:s3+$0x460];
	v44 =	vmul.f32 v35, v35;
	v45 =	vmul.f32 v36, v36  }
0xb0: {  	s6 =	sadd.s32 s11, s9;
	v26 =	vld [tilespmem:s3+$0x450];
	v47 =	vmul.f32 v38, v38;
	v48 =	vmul.f32 v37, v37  }
0xb1: {  	v19 =	vld [tilespmem:s6+$0x470];
	v37 =	vmul.f32 v37, v62;
	v50 =	vmul.f32 v39, v39  }
0xb2: {  	v43 =	vld [tilespmem:s3+$0x10];
	v52 =	vmul.f32 v40, v40;
	v38 =	vmul.f32 v38, v63  }
0xb3: {  	v46 =	vld [tilespmem:s3+$0x0];
	v53 =	vmul.f32 v42, v42;
	v40 =	vmul.f32 v40, v63  }
0xb4: {  	v49 =	vld [tilespmem:s6+$0x0];
	v42 =	vmul.f32 v42, v62;
	v36 =	vmul.f32 v36, v28  }
0xb5: {  	v51 =	vld [tilespmem:s6+$0x10];
	v39 =	vmul.f32 v39, v28;
	v21 =	vmul.f32 v16, v16  }
0xb6: {  	v24 =	vmul.f32 v15, v15;
	v7 =	vmul.f32 v16, v31  }
0xb7: {  	v61 =	vld [tilespmem:s5+$0x8070];
	v27 =	vmul.f32 v26, v26;
	v22 =	vmul.f32 v19, v19  }
0xb8: {  	v5 =	vld [tilespmem:s21+$0x440];
	v55 =	vmul.f32 v46, v46;
	v56 =	vmul.f32 v43, v43  }
0xb9: {  	v54 =	vld [tilespmem:s3+$0x20];
	v57 =	vmul.f32 v49, v49;
	v46 =	vmul.f32 v46, v63  }
0xba: {  	v3 =	vld [tilespmem:s19+$0x460];
	v59 =	vmul.f32 v51, v51;
	v60 =	vmul.f32 v49, v63;
	v38 =	vadd.f32 $0.0e+00, v38  }
0xbb: {  	v23 =	vld [tilespmem:s3+$0x420];
	v43 =	vmul.f32 v43, v62;
	v47 =	vadd.f32 v48, v47;
	v40 =	vadd.f32 $0.0e+00, v40  }
0xbc: {  	v58 =	vld [tilespmem:s6+$0x20];
	v19 =	vmul.f32 v19, v31;
	v49 =	vadd.f32 v53, v52;
	v46 =	vadd.f32 $0.0e+00, v46  }
0xbd: {  	v16 =	vld [tilespmem:s5+$0x8150];
	[tilespmem:$0x1FD50] =	vst v0;
	v0 =	vmul.f32 v5, v5;
	v53 =	vadd.f32 v56, v55;
	v55 =	vadd.f32 v59, v57  }
0xbe: {  	v52 =	vld [tilespmem:s21+$0x30];
	v57 =	vmul.f32 v54, v54;
	v48 =	vadd.f32 $0.0e+00, v60;
	v59 =	vmul.f32 v51, v62  }
0xbf: {  	v56 =	vld [tilespmem:s19+$0x30];
	v54 =	vmul.f32 v54, v28;
	v37 =	vadd.f32 v37, v38;
	v45 =	vadd.f32 v45, v47  }
0xc0: {  	v60 =	vld [tilespmem:s5+$0x8030];
	[tilespmem:$0x1FD60] =	vst v0;
	v0 =	vmul.f32 v3, v3;
	v40 =	vadd.f32 v42, v40;
	v49 =	vadd.f32 v50, v49  }
0xc1: {  	v38 =	vld [tilespmem:s3+$0x30];
	v42 =	vmul.f32 v58, v58;
	v43 =	vadd.f32 v43, v46;
	v46 =	vadd.f32 v57, v53  }
0xc2: {  	v50 =	vld [tilespmem:s6+$0x30];
	v47 =	vadd.f32 v59, v48;
	[tilespmem:$0x1FD40] =	vst v0;
	v0 =	vmul.f32 v29, v61;
	v29 =	vmul.f32 v23, v23  }
0xc3: {  	v53 =	vld [tilespmem:s3+$0x40];
	v42 =	vadd.f32 v42, v55;
	v36 =	vadd.f32 v36, v37;
	v26 =	vmul.f32 v26, v16  }
0xc4: {  	v51 =	vld [tilespmem:s21+$0x40];
	v39 =	vadd.f32 v39, v40;
	v9 =	vmul.f32 v9, v16;
	v57 =	vmul.f32 v52, v52  }
0xc5: {  	v48 =	vld [tilespmem:s19+$0x40];
	v43 =	vadd.f32 v54, v43;
	v55 =	vmul.f32 v56, v56;
	v52 =	vmul.f32 v52, v60  }
0xc6: {  	v54 =	vld [tilespmem:s19+$0x50];
	v56 =	vmul.f32 v56, v60;
	v37 =	vmul.f32 v38, v38;
	v45 =	vadd.f32 v57, v45  }
0xc7: {  	v57 =	vmul.f32 v58, v28;
	v58 =	vld [tilespmem:s5+$0x8040];
	v38 =	vmul.f32 v38, v60;
	v40 =	vadd.f32 v55, v49  }
0xc8: {  	v55 =	vmul.f32 v50, v50;
	v36 =	vadd.f32 v52, v36;
	v52 =	vmul.f32 v53, v53  }
0xc9: {  	v49 =	vld [tilespmem:s6+$0x40];
	v50 =	vmul.f32 v50, v60;
	v39 =	vadd.f32 v56, v39;
	v37 =	vadd.f32 v37, v46  }
0xca: {  	v56 =	vld [tilespmem:s6+$0x50];
	v46 =	vmul.f32 v51, v51;
	v47 =	vadd.f32 v57, v47;
	v38 =	vadd.f32 v38, v43  }
0xcb: {  	v57 =	vld [tilespmem:s5+$0x8050];
	v42 =	vadd.f32 v55, v42;
	v55 =	vmul.f32 v48, v48;
	v59 =	vmul.f32 v54, v54  }
0xcc: {  	v45 =	vadd.f32 v46, v45;
	v37 =	vadd.f32 v52, v37;
	v43 =	vmul.f32 v51, v58  }
0xcd: {  	v46 =	vld [tilespmem:s3+$0x50];
	v47 =	vadd.f32 v50, v47;
	v40 =	vadd.f32 v55, v40;
	v48 =	vmul.f32 v48, v58  }
0xce: {  	v50 =	vld [tilespmem:s19+$0x60];
	v52 =	vmul.f32 v53, v58;
	v55 =	vmul.f32 v49, v49;
	v36 =	vadd.f32 v43, v36  }
0xcf: {  	v53 =	vld [tilespmem:s5+$0x8100];
	v49 =	vmul.f32 v49, v58;
	v43 =	vadd.f32 v44, v45;
	v39 =	vadd.f32 v48, v39  }
0xd0: {  	v44 =	vld [tilespmem:s3+$0x60];
	v40 =	vadd.f32 v59, v40;
	v59 =	vmul.f32 v56, v56;
	v35 =	vmul.f32 v35, v57  }
0xd1: {  	v48 =	vld [tilespmem:s6+$0x60];
	v38 =	vadd.f32 v52, v38;
	v52 =	vmul.f32 v54, v57;
	v42 =	vadd.f32 v55, v42  }
0xd2: {  	v55 =	vld [tilespmem:s5+$0x8060];
	v45 =	vmul.f32 v46, v46;
	v46 =	vmul.f32 v46, v57;
	v35 =	vadd.f32 v35, v36  }
0xd3: {  	v36 =	vadd.f32 v41, v43;
	v42 =	vadd.f32 v59, v42;
	v59 =	vmul.f32 v56, v57  }
0xd4: {  	v51 =	vld [tilespmem:s3+$0x70];
	v39 =	vadd.f32 v52, v39;
	v25 =	vmul.f32 v25, v53;
	v20 =	vmul.f32 v20, v53  }
0xd5: {  	v37 =	vadd.f32 v45, v37;
	v45 =	vadd.f32 v49, v47;
	v49 =	vmul.f32 v50, v50  }
0xd6: {  	v47 =	vld [tilespmem:s19+$0x70];
	v38 =	vadd.f32 v46, v38;
	v41 =	vmul.f32 v44, v44;
	v56 =	vmul.f32 v48, v48  }
0xd7: {  	v46 =	vld [tilespmem:s3+$0x400];
	v34 =	vadd.f32 v34, v36;
	v33 =	vmul.f32 v33, v55;
	v50 =	vmul.f32 v50, v55  }
0xd8: {  	v52 =	vld [tilespmem:s6+$0x70];
	v40 =	vadd.f32 v49, v40;
	v44 =	vmul.f32 v44, v55;
	v48 =	vmul.f32 v48, v55  }
0xd9: {  	v54 =	vld [tilespmem:s5+$0x8110];
	v49 =	vmul.f32 v51, v61;
	v30 =	vadd.f32 v30, v34;
	v37 =	vadd.f32 v41, v37  }
0xda: {  	v43 =	vld [tilespmem:s3+$0x410];
	v41 =	vadd.f32 v59, v45;
	v42 =	vadd.f32 v56, v42;
	v59 =	vmul.f32 v51, v51  }
0xdb: {  	v36 =	vld [tilespmem:s6+$0x400];
	v33 =	vadd.f32 v33, v35;
	v39 =	vadd.f32 v50, v39;
	v45 =	vmul.f32 v47, v47  }
0xdc: {  	v56 =	vld [tilespmem:s5+$0x8120];
	v38 =	vadd.f32 v44, v38;
	v35 =	vadd.f32 v59, v37;
	v59 =	vmul.f32 v46, v46  }
0xdd: {  	v44 =	vld [tilespmem:s6+$0x410];
	v41 =	vadd.f32 v48, v41;
	v40 =	vadd.f32 v45, v40;
	v45 =	vmul.f32 v52, v52  }
0xde: {  	v48 =	vld [tilespmem:s3+$0x430];
	v47 =	vmul.f32 v47, v61;
	v51 =	vadd.f32 v0, v33;
	v35 =	vadd.f32 v59, v35  }
0xdf: {  	v37 =	vld [tilespmem:s6+$0x420];
	v59 =	vmul.f32 v52, v61;
	v42 =	vadd.f32 v45, v42;
	v45 =	vmul.f32 v43, v43  }
0xe0: {  	v33 =	vld [tilespmem:s3+$0x440];
	v38 =	vadd.f32 v49, v38;
	v32 =	vadd.f32 v32, v40;
	v40 =	vmul.f32 v36, v36  }
0xe1: {  	v41 =	vadd.f32 v59, v41;
	v36 =	vmul.f32 v36, v53;
	v35 =	vadd.f32 v45, v35;
	v45 =	vld [tilespmem:s6+$0x430]  }
0xe2: {  	v39 =	vadd.f32 v47, v39;
	v47 =	vld [tilespmem:s19+$0x410];
	v52 =	vmul.f32 v44, v44;
	v40 =	vadd.f32 v40, v42  }
0xe3: {  	v0 =	vadd.f32 v1, v30;
	v59 =	vmul.f32 v44, v54;
	v30 =	vadd.f32 v36, v41  }
0xe4: {  	v42 =	vld [tilespmem:s6+$0x440];
	v29 =	vadd.f32 v29, v35;
	v35 =	vadd.f32 v52, v40;
	v40 =	vmul.f32 v37, v37  }
0xe5: {  	v23 =	vmul.f32 v23, v56;
	v13 =	vadd.f32 v13, v0;
	v49 =	vmul.f32 v48, v48  }
0xe6: {  	v1 =	vld [tilespmem:s5+$0x8130];
	v30 =	vadd.f32 v59, v30;
	v35 =	vadd.f32 v40, v35;
	v59 =	vmul.f32 v45, v45  }
0xe7: {  	v44 =	vmul.f32 v33, v33;
	v41 =	vld [tilespmem:s6+$0x450];
	v29 =	vadd.f32 v49, v29;
	v49 =	vmul.f32 v47, v47  }
0xe8: {  	v34 =	vld [tilespmem:s19+$0x420];
	v20 =	vadd.f32 v20, v39;
	v35 =	vadd.f32 v59, v35;
	v59 =	vmul.f32 v37, v56  }
0xe9: {  	v52 =	vld [tilespmem:s5+$0x8140];
	v29 =	vadd.f32 v44, v29;
	v32 =	vadd.f32 v49, v32;
	v49 =	vmul.f32 v42, v42  }
0xea: {  	v50 =	vld [tilespmem:s6+$0x460];
	v8 =	vadd.f32 v8, v13;
	v30 =	vadd.f32 v59, v30;
	v59 =	vmul.f32 v46, v53  }
0xeb: {  	v45 =	vmul.f32 v45, v1;
	v27 =	vadd.f32 v27, v29;
	v29 =	vadd.f32 v49, v35  }
0xec: {  	v49 =	vmul.f32 v41, v41;
	v36 =	vadd.f32 v59, v38;
	v59 =	vmul.f32 v43, v54  }
0xed: {  	v40 =	vmul.f32 v34, v34;
	v24 =	vadd.f32 v24, v27;
	v30 =	vadd.f32 v45, v30  }
0xee: {  	v44 =	vld [tilespmem:s5+$0x8160];
	v42 =	vmul.f32 v42, v52;
	v27 =	vadd.f32 v49, v29;
	v29 =	vadd.f32 v59, v36  }
0xef: {  	v37 =	vmul.f32 v50, v50;
	v21 =	vadd.f32 v21, v24;
	v24 =	vmul.f32 v48, v1  }
0xf0: {  	v36 =	vmul.f32 v41, v16;
	v30 =	vadd.f32 v42, v30;
	v23 =	vadd.f32 v23, v29  }
0xf1: {  	v12 =	vmul.f32 v12, v54;
	v27 =	vadd.f32 v37, v27;
	(xrf2) =	vadd.scan.msk.f32 $0xffff, v21;
	v21 =	vadd.f32 v40, v32  }
0xf2: {  	v33 =	vmul.f32 v33, v52;
	v29 =	vadd.f32 v36, v30;
	v23 =	vadd.f32 v24, v23  }
0xf3: {  	s6 =	simm.s32 $0x400;
	v30 =	vmul.f32 v50, v44;
	v22 =	vadd.f32 v22, v27;
	v24 =	vmul.f32 v47, v54  }
0xf4: {  	s13 =	simm.s32 $0x380;
	v6 =	vmul.f32 v6, v56;
	s12 =	sand.u32 $0x3800, s6;
	v18 =	vadd.f32 v18, v21;
	v23 =	vadd.f32 v33, v23  }
0xf5: {  	s14 =	simm.s32 $0x300;
	s7 =	sand.u32 $0x380, s13;
	s5 =	sadd.s32 s12, s25;
	v27 =	vadd.f32 v30, v29;
	v20 =	vadd.f32 v24, v20;
	v24 =	vmul.f32 v34, v56  }
0xf6: {  	s8 =	sand.u32 $0x300, s14;
	v0 =	vld [tilespmem:$0x1FD40];
	s31 =	sadd.s32 s7, s5;
	v15 =	vmul.f32 v15, v44;
	(xrf2) =	vadd.scan.msk.f32 $0xffff, v22;
	v17 =	vadd.f32 v17, v18;
	v22 =	vadd.f32 v26, v23  }
0xf7: {  	v14 =	vmul.f32 v14, v1;
	s7 =	sadd.s32 s8, s5;
	v13 =	vld [tilespmem:s31+$0x70];
	v19 =	vadd.f32 v19, v27;
	v20 =	vadd.f32 v24, v20  }
0xf8: {  	v2 =	vmul.f32 v2, v1;
	v39 =	vld [tilespmem:s7+$0x400];
	v23 =	vadd.f32 v25, v51;
	v15 =	vadd.f32 v15, v22  }
0xf9: {  	v10 =	vmul.f32 v10, v52;
	v38 =	vld [tilespmem:s21+$0x450];
	v11 =	vadd.f32 v11, v17;
	(xrf2) =	vadd.scan.msk.f32 $0xffff, v19;
	v14 =	vadd.f32 v14, v20  }
0xfa: {  	[tilespmem:$0x1FD30] =	vst v1;
	v1 =	vmul.f32 v4, v31;
	v4 =	vld [tilespmem:$0x1FD50];
	v12 =	vadd.f32 v12, v23;
	v15 =	vadd.f32 v7, v15  }
0xfb: {  	s18 =	simm.s32 $0x280;
	v10 =	vadd.f32 v10, v14;
	v7 =	vadd.f32 v0, v11;
	v0 =	vmul.f32 v5, v52;
	v5 =	vld [tilespmem:$0x1FD60]  }
0xfc: {  	s0 =	sand.u32 $0x280, s18;
	v46 =	vld [tilespmem:s7+$0x470];
	v6 =	vadd.f32 v6, v12  }
0xfd: {  	s9 =	sadd.s32 s0, s5;
	v3 =	vmul.f32 v3, v44;
	v30 =	vld [tilespmem:s21+$0x460];
	v9 =	vadd.f32 v9, v10  }
0xfe: {  	v14 =	vld [tilespmem:s9+$0x470];
	v2 =	vadd.f32 v2, v6  }
0xff: {  	v29 =	vld [tilespmem:s21+$0x470];
	(xrf2) =	vadd.scan.msk.f32 $0xffff, v15;
	v4 =	vadd.f32 v4, v7;
	v3 =	vadd.f32 v3, v9  }
0x100: {  	v45 =	vld [tilespmem:s31+$0x450];
	v6 =	vmul.f32 v38, v38;
	v5 =	vadd.f32 v5, v8  }
0x101: {  	v7 =	vld [tilespmem:s9+$0x450];
	v0 =	vadd.f32 v0, v2;
	v2 =	vmul.f32 v38, v16;
	v9, _, _ =	vpop (xrf2);
	v1 =	vadd.f32 v1, v3  }
0x102: {  	v17 =	vld [tilespmem:s7+$0x10];
	(xrf2) =	vadd.scan.msk.f32 $0xffff, v4;
	v8, _, _ =	vpop (xrf2);
	v3 =	vadd.f32 v6, v5;
	v5 =	vmul.f32 v30, v30  }
0x103: {  	v12 =	vld [tilespmem:s31+$0x420];
	v0 =	vadd.f32 v2, v0;
	v2 =	vmul.f32 v30, v44;
	v4, _, _ =	vpop (xrf2);
	(xrf2) =	vadd.scan.msk.f32 $0xffff, v1;
	v1 =	vmul.f32 v14, v14  }
0x104: {  	s19 =	simm.s32 $0x200;
	v10 =	vld [tilespmem:s31+$0x400];
	(v2sf) =	vpush v4, $0xF;
	v3 =	vadd.f32 v5, v3;
	v4 =	vmul.f32 v29, v29  }
0x105: {  	s0 =	sand.u32 $0x200, s19;
	v22 =	vld [tilespmem:s9+$0x10];
	v0 =	vadd.f32 v2, v0;
	(v2sf) =	vpush v8, $0xF;
	v8 =	vmul.f32 v29, v31  }
0x106: {  	s11 =	sadd.s32 s0, s5;
	v6 =	vld [tilespmem:s9+$0x440];
	[tilespmem:$0x1FD80] =	vst v1;
	v1 =	vmul.f32 v7, v7;
	v2 =	vadd.f32 v4, v3  }
0x107: {  	[tilespmem:$0x1FD70] =	vst v44;
	v11 =	vld [tilespmem:s11+$0x450];
	v0 =	vadd.f32 v8, v0  }
0x108: {  	v44 =	vmov v12;
	v12 =	vld [tilespmem:s31+$0x40];
	[tilespmem:$0x1FDA0] =	vst v1;
	v1 =	vmul.f32 v13, v13;
	(xrf2) =	vadd.scan.msk.f32 $0xffff, v2  }
0x109: {  	[tilespmem:$0x1FD10] =	vst v54;
	v5 =	vld [tilespmem:s31+$0x60];
	v4, _, _ =	vpop (xrf2);
	v2 =	vmul.f32 v13, v61;
	(xrf2) =	vadd.scan.msk.f32 $0xffff, v0;
	v0 =	vmul.f32 v10, v10  }
0x10a: {  	v54 =	vmul.f32 v7, v16;
	v7 =	vld [tilespmem:s7+$0x50];
	[tilespmem:$0x1FDD0] =	vst v1  }
0x10b: {  	v26 =	vmul.f32 v17, v17;
	v3 =	vld [tilespmem:s31+$0x50];
	(v2sf) =	vpush v4, $0xF;
	[tilespmem:$0x1FDB0] =	vst v0;
	v0 =	vmul.f32 v6, v6  }
0x10c: {  	v8 =	vmul.f32 v11, v11;
	v1 =	vmul.f32 v10, v53;
	v10 =	vld [tilespmem:s31+$0x10];
	(v2sf) =	vpush v9, $0xF;
	[tilespmem:$0x1FE30] =	vst v2;
	v9, _, _ =	vpop (xrf2)  }
0x10d: {  	v48 =	vmul.f32 v14, v31;
	v29 =	vmul.f32 v22, v22;
	[tilespmem:$0x1FDC0] =	vst v0;
	v0 =	vld [tilespmem:s31+$0x30];
	v2, _, _ =	vpop (xrf2)  }
0x10e: {  	v25 =	vld [tilespmem:s11+$0x0];
	v14 =	vmul.f32 v12, v58;
	[tilespmem:$0x1FE40] =	vst v8;
	(v2sf) =	vpush v2, $0xF;
	v2 =	vmul.f32 v5, v55  }
0x10f: {  	v15 =	vld [tilespmem:s31+$0x0];
	v13 =	vmul.f32 v7, v7;
	[tilespmem:$0x1FDF0] =	vst v1;
	v1 =	vmul.f32 v6, v52  }
0x110: {  	v8 =	vmul.f32 v3, v3;
	[tilespmem:$0x1FE50] =	vst v2;
	v2 =	vmul.f32 v11, v16;
	v11 =	vld [tilespmem:s7+$0x0]  }
0x111: {  	v23 =	vld [tilespmem:s9+$0x0];
	v21 =	vmul.f32 v10, v10;
	(v2sf) =	vpush v9, $0xF;
	v9 =	vmul.f32 v3, v57  }
0x112: {  	v3 =	vmul.f32 v0, v0;
	v19, _, _ =	vpop (xrf2);
	v18 =	vmul.f32 v0, v60;
	v0 =	vld [tilespmem:s11+$0x10]  }
0x113: {  	[tilespmem:$0x1FE60] =	vst v16;
	v16 =	vmul.f32 v12, v12;
	v12 =	vmul.f32 v7, v57;
	v7 =	vld [tilespmem:s7+$0x40];
	s21 =	spop (v2sf);
	v20, _, _ =	vpop (xrf2)  }
0x114: {  	v49 =	vld [tilespmem:s31+$0x430];
	s18 =	spop (v2sf);
	(v2sf) =	vpush v20, $0xF;
	v20 =	vmul.f32 v15, v15;
	v15 =	vmul.f32 v15, v63  }
0x115: {  	v59 =	vld [tilespmem:s7+$0x450];
	v10 =	vmul.f32 v10, v62;
	(v2sf) =	vpush v19, $0xF;
	v19 =	vmul.f32 v11, v11  }
0x116: {  	[tilespmem:$0x1FD90] =	vst v31;
	v31 =	vld [tilespmem:s7+$0x20];
	v27 =	vadd.f32 v21, v20;
	v20 =	vmul.f32 v23, v23;
	v15 =	vadd.f32 $0.0e+00, v15  }
0x117: {  	v6 =	vld [tilespmem:s31+$0x20];
	v26 =	vadd.f32 v26, v19;
	v19 =	vmul.f32 v25, v25;
	v42 =	vmul.f32 v0, v0  }
0x118: {  	[tilespmem:$0x1FE20] =	vst v61;
	v40 =	vld [tilespmem:s7+$0x460];
	v33 =	vadd.f32 v29, v20;
	v20 =	vmul.f32 v7, v7;
	v15 =	vadd.f32 v10, v15  }
0x119: {  	[tilespmem:$0x1FEB0] =	vst v63;
	s2 =	sand.u32 $0x7FFFFFFF, s21;
	v10 =	vld [tilespmem:s11+$0x20];
	v43 =	vadd.f32 v42, v19;
	v19 =	vmul.f32 v7, v58;
	v7 =	vmul.f32 v11, v63  }
0x11a: {  	[tilespmem:$0x1FEC0] =	vst v62;
	s0 =	simm.f32 $-Inf;
	s8 =	smul.f32 s2, s21;
	s18 =	smax.f32 s18, $1.000000000e-30;
	v11 =	vld [tilespmem:s9+$0x20]  }
0x11b: {  	[tilespmem:$0x1FED0] =	vst v28;
	s5 =	simm.f32 $1.000000000e+00;
	v50 =	vld [tilespmem:s9+$0x460];
	v17 =	vmul.f32 v17, v62;
	s19 =	smul.f32 s18, s0;
	v7 =	vadd.f32 $0.0e+00, v7  }
0x11c: {  	[tilespmem:$0x1FE90] =	vst v57;
	v47 =	vld [tilespmem:s31+$0x440];
	v24 =	vmul.f32 v6, v6;
	v57 =	vmul.f32 v31, v31;
	s12 =	smul.f32 s8, s5  }
0x11d: {  	[tilespmem:$0x1FD20] =	vst v56;
	v56 =	vld [tilespmem:s7+$0x440];
	v0 =	vmul.f32 v0, v62;
	s13 =	spop (v2sf);
	v7 =	vadd.f32 v17, v7;
	v17 =	vmul.f32 v25, v63  }
0x11e: {  	[tilespmem:$0x1FEA0] =	vst v58;
	v4 =	vld [tilespmem:s7+$0x60];
	v24 =	vadd.f32 v24, v27;
	v27 =	vmul.f32 v31, v28;
	p1 =	sgt.f32 s12, s19;
	s3 =	sand.u32 $0x7FFFFFFF, s13;
	v31 =	vmul.f32 v10, v10  }
0x11f: {  	[tilespmem:$0x1FDE0] =	vst v53;
	v51 =	vld [tilespmem:s7+$0x430];
	s12 =	smul.f32 s3, s13;
	v38 =	vmul.f32 v10, v28;
	v25 =	vmul.f32 v11, v11;
	v10 =	vadd.f32 $0.0e+00, v17  }
0x120: {  	v22 =	vmul.f32 v22, v62;
	[tilespmem:$0x1FE70] =	vst v2;
	v2 =	vld [tilespmem:s11+$0x470];
	s14 =	spop (v2sf);
	s5 =	smov.u32 @p1 s18  }
0x121: {  	[tilespmem:$0x1FE80] =	vst v55;
	v30 =	vld [tilespmem:s11+$0x460];
	s13 =	smax.f32 s14, $1.000000000e-30;
	s0 =	smov.u32 @p1 s8;
	s19 =	smul.f32 s12, s5;
	v17 =	vadd.f32 v25, v33;
	v33 =	vadd.f32 v0, v10;
	v0 =	vmul.f32 v59, v59  }
0x122: {  	v61 =	vld [tilespmem:s11+$0x440];
	v53 =	vmul.f32 v45, v45;
	[tilespmem:$0x1FE10] =	vst v1;
	v1 =	vmul.f32 v5, v5;
	s21 =	smul.f32 s13, s0  }
0x123: {  	v5 =	vmul.f32 v4, v4;
	v29 =	vld [tilespmem:s7+$0x420];
	s2 =	spop (v2sf);
	[tilespmem:$0x1FEF0] =	vst v0;
	v0 =	vmul.f32 v56, v56  }
0x124: {  	[tilespmem:$0x1FE00] =	vst v52;
	v52 =	vld [tilespmem:s31+$0x410];
	v4 =	vmul.f32 v4, v55;
	v23 =	vmul.f32 v23, v63;
	p2 =	sgt.f32 s19, s21;
	s3 =	sand.u32 $0x7FFFFFFF, s2  }
0x125: {  	v55 =	vmul.f32 v46, v46;
	v62 =	vmov v2;
	v58 =	vld [tilespmem:s9+$0x30];
	s8 =	smul.f32 s3, s2;
	[tilespmem:$0x1FF00] =	vst v0;
	v0 =	vmul.f32 v44, v44  }
0x126: {  	[tilespmem:$0x1FEE0] =	vst v60;
	v21 =	vld [tilespmem:s7+$0x30];
	v23 =	vadd.f32 $0.0e+00, v23;
	v35 =	vadd.f32 v3, v24;
	v3 =	vmul.f32 v62, v62;
	s14 =	spop (v2sf);
	s5 =	smov.u32 @p2 s13  }
0x127: {  	v6 =	vmul.f32 v6, v28;
	v2 =	vld [tilespmem:s7+$0x410];
	v26 =	vadd.f32 v57, v26;
	s18 =	smax.f32 s14, $1.000000000e-30;
	s0 =	smov.u32 @p2 s12;
	s21 =	smul.f32 s8, s5;
	[tilespmem:$0x1FF10] =	vst v0;
	v0 =	vmul.f32 v50, v50  }
0x128: {  	v57 =	vmul.f32 v47, v47;
	v23 =	vadd.f32 v22, v23;
	v22 =	vld [tilespmem:s11+$0x30];
	[tilespmem:$0x1FF50] =	vst v3;
	v3 =	vmul.f32 v29, v29;
	s2 =	smul.f32 s18, s0  }
0x129: {  	v11 =	vmul.f32 v11, v28;
	v28 =	vld [tilespmem:s9+$0x430];
	[tilespmem:$0x1FF20] =	vst v0;
	v0 =	vmul.f32 v51, v51  }
0x12a: {  	[tilespmem:$0x1FFC0] =	vst v39;
	v34 =	vadd.f32 v6, v15;
	v37 =	vmul.f32 v58, v58;
	v32 =	vmul.f32 v58, v60;
	v58 =	vld [tilespmem:s9+$0x420];
	s3 =	spop (v2sf);
	p3 =	sgt.f32 s21, s2  }
0x12b: {  	v15 =	vmul.f32 v39, v39;
	v41 =	vadd.f32 v31, v43;
	v31 =	vld [tilespmem:s9+$0x40];
	s13 =	sand.u32 $0x7FFFFFFF, s3;
	s14 =	spop (v2sf);
	[tilespmem:$0x1FF30] =	vst v0;
	v0 =	vmul.f32 v52, v52  }
0x12c: {  	v36 =	vmul.f32 v21, v21;
	v21 =	vmul.f32 v21, v60;
	[tilespmem:$0x1FF70] =	vst v3;
	v10 =	vld [tilespmem:s7+$0x70];
	s12 =	smul.f32 s13, s3;
	s13 =	smax.f32 s14, $1.000000000e-30;
	s0 =	smov.u32 @p3 s8  }
0x12d: {  	v63 =	vmul.f32 v40, v40;
	v3 =	vmul.f32 v30, v30;
	s5 =	smov.u32 @p3 s18;
	s21 =	smul.f32 s13, s0;
	[tilespmem:$0x1FF40] =	vst v0;
	v0 =	vld [tilespmem:s9+$0x410]  }
0x12e: {  	[tilespmem:$0x1FF80] =	vst v30;
	v26 =	vadd.f32 v36, v26;
	v60 =	vmul.f32 v49, v49;
	s19 =	simm.s32 $0x0;
	v25 =	vadd.f32 v27, v7;
	s7 =	simm.s32 $0x0;
	s18 =	smul.f32 s12, s5  }
0x12f: {  	v36 =	vadd.f32 v11, v23;
	v7 =	vmul.f32 v61, v61;
	[tilespmem:$0x1FF90] =	vst v3;
	v3 =	vmul.f32 v2, v2;
	s7 =	smov.u32 @p1 s19;
	s19 =	simm.s32 $0x1  }
0x130: {  	v24 =	vld [tilespmem:s11+$0x40];
	[tilespmem:$0x1FFA0] =	vst v2;
	v37 =	vadd.f32 v37, v17;
	v17 =	vmul.f32 v22, v22;
	v6 =	vmul.f32 v28, v28;
	s7 =	smov.u32 @p2 s19;
	s8 =	simm.s32 $0x2;
	p1 =	sgt.f32 s18, s21  }
0x131: {  	[tilespmem:$0x1FF60] =	vst v29;
	v23 =	vld [tilespmem:s9+$0x50];
	v11 =	vmul.f32 v58, v58;
	v38 =	vadd.f32 v38, v33;
	v42 =	vmul.f32 v31, v31;
	s7 =	smov.u32 @p3 s8;
	s8 =	simm.s32 $0x3;
	s18 =	simm.s32 $0x400  }
0x132: {  	[tilespmem:$0x1FFB0] =	vst v28;
	v33 =	vld [tilespmem:s11+$0x50];
	v41 =	vadd.f32 v17, v41;
	v27 =	vmul.f32 v10, v10;
	s0 =	smov.u32 @p1 s12;
	s5 =	smov.u32 @p1 s13;
	s7 =	smov.u32 @p1 s8;
	v17 =	vmul.f32 v0, v0  }
.LBB2_7:
0x133: {  	v16 =	vadd.f32 v16, v35;
	v39 =	vld [tilespmem:$0x1FEE0]  }
0x134: {  	v28 =	vld [tilespmem:$0x1FEA0];
	v18 =	vadd.f32 v18, v34;
	v21 =	vadd.f32 v21, v25  }
0x135: {  	v29 =	vld [tilespmem:$0x1FE90];
	v20 =	vadd.f32 v20, v26;
	v25 =	vadd.f32 v32, v36  }
0x136: {  	v34 =	vld [tilespmem:s9+$0x60];
	v26 =	vadd.f32 v42, v37;
	v8 =	vadd.f32 v8, v16  }
0x137: {  	v14 =	vadd.f32 v14, v18;
	v19 =	vadd.f32 v19, v21;
	v43 =	vmul.f32 v24, v24  }
0x138: {  	v18 =	vld [tilespmem:s9+$0x70];
	v13 =	vadd.f32 v13, v20;
	v32 =	vmul.f32 v23, v23;
	v22 =	vmul.f32 v22, v39  }
0x139: {  	v2 =	vadd.f32 v1, v8;
	v1 =	vld [tilespmem:$0x1FE50];
	v31 =	vmul.f32 v31, v28;
	v16 =	vmul.f32 v24, v28  }
0x13a: {  	v42 =	vld [tilespmem:s11+$0x60];
	v23 =	vmul.f32 v23, v29;
	v9 =	vadd.f32 v9, v14;
	v12 =	vadd.f32 v12, v19  }
0x13b: {  	v14 =	vld [tilespmem:s9+$0x400];
	v5 =	vadd.f32 v5, v13;
	v21 =	vadd.f32 v32, v26;
	v24 =	vmul.f32 v34, v34  }
0x13c: {  	v30 =	vld [tilespmem:$0x1FE80];
	v8 =	vmul.f32 v33, v29;
	v41 =	vadd.f32 v43, v41;
	v20 =	vadd.f32 v31, v25  }
0x13d: {  	v43 =	vmul.f32 v33, v33;
	v22 =	vadd.f32 v22, v38;
	v25 =	vld [tilespmem:s11+$0x70];
	v19 =	vadd.f32 v24, v21  }
0x13e: {  	v13 =	vadd.f32 v23, v20;
	v20 =	vmul.f32 v18, v18;
	v1 =	vadd.f32 v1, v9;
	v9 =	vld [tilespmem:$0x1FDD0]  }
0x13f: {  	v26 =	vmul.f32 v42, v42;
	v5 =	vadd.f32 v27, v5;
	v16 =	vadd.f32 v16, v22  }
0x140: {  	v22 =	vadd.f32 v43, v41;
	v19 =	vadd.f32 v20, v19;
	v20 =	vmul.f32 v14, v14  }
0x141: {  	v5 =	vadd.f32 v15, v5;
	v8 =	vadd.f32 v8, v16  }
0x142: {  	v23 =	vld [tilespmem:s11+$0x400];
	v16 =	vadd.f32 v26, v22;
	v19 =	vadd.f32 v20, v19  }
0x143: {  	v15 =	vld [tilespmem:$0x1FE30];
	v22 =	vmul.f32 v25, v25;
	v2 =	vadd.f32 v9, v2;
	v9 =	vmul.f32 v42, v30  }
0x144: {  	v20 =	vld [tilespmem:$0x1FDB0];
	v17 =	vadd.f32 v17, v19  }
0x145: {  	v8 =	vadd.f32 v9, v8;
	v9 =	vadd.f32 v22, v16;
	v22 =	vld [tilespmem:$0x1FE20]  }
0x146: {  	v11 =	vadd.f32 v11, v17;
	v17 =	vld [tilespmem:$0x1FF40]  }
0x147: {  	v4 =	vadd.f32 v4, v12;
	v12 =	vld [tilespmem:s11+$0x410];
	v21 =	vmul.f32 v34, v30  }
0x148: {  	v24 =	vld [tilespmem:$0x1FDE0]  }
0x149: {  	v13 =	vadd.f32 v21, v13;
	v21 =	vld [tilespmem:s11+$0x430];
	v2 =	vadd.f32 v20, v2  }
0x14a: {  	v1 =	vadd.f32 v15, v1;
	v16 =	vld [tilespmem:s11+$0x420];
	v20 =	vmul.f32 v23, v23  }
0x14b: {  	v10 =	vmul.f32 v10, v22;
	v18 =	vmul.f32 v18, v22;
	v2 =	vadd.f32 v17, v2;
	v17 =	vld [tilespmem:$0x1FD10]  }
0x14c: {  	v6 =	vadd.f32 v6, v11;
	v11 =	vld [tilespmem:$0x1FDF0];
	v9 =	vadd.f32 v20, v9;
	v15 =	vmul.f32 v25, v22  }
0x14d: {  	v4 =	vadd.f32 v10, v4;
	v10 =	vmul.f32 v12, v12;
	v13 =	vadd.f32 v18, v13;
	v18 =	vld [tilespmem:$0x1FD20]  }
0x14e: {  	v8 =	vadd.f32 v15, v8;
	v15 =	vmul.f32 v23, v24  }
0x14f: {  	v19 =	vld [tilespmem:$0x1FD30];
	v9 =	vadd.f32 v10, v9;
	v10 =	vmul.f32 v16, v16  }
0x150: {  	v8 =	vadd.f32 v15, v8;
	v12 =	vmul.f32 v12, v17  }
0x151: {  	v25 =	vld [tilespmem:$0x1FE00];
	v9 =	vadd.f32 v10, v9;
	v10 =	vmul.f32 v21, v21  }
0x152: {  	v1 =	vadd.f32 v11, v1;
	v11 =	vmul.f32 v16, v18;
	v8 =	vadd.f32 v12, v8  }
0x153: {  	v12 =	vld [tilespmem:$0x1FDC0];
	v9 =	vadd.f32 v10, v9;
	v10 =	vmul.f32 v14, v24  }
0x154: {  	v3 =	vadd.f32 v3, v5;
	v5 =	vadd.f32 v11, v8;
	v8 =	vmul.f32 v21, v19  }
0x155: {  	v0 =	vmul.f32 v0, v17;
	v11 =	vld [tilespmem:$0x1FDA0];
	v7 =	vadd.f32 v7, v9;
	v9 =	vadd.f32 v10, v13  }
0x156: {  	v5 =	vadd.f32 v8, v5;
	v8 =	vmul.f32 v61, v25  }
0x157: {  	v10 =	vld [tilespmem:$0x1FF20];
	v0 =	vadd.f32 v0, v9;
	v9 =	vmul.f32 v58, v18  }
0x158: {  	v6 =	vadd.f32 v12, v6;
	v5 =	vadd.f32 v8, v5;
	v8 =	vld [tilespmem:$0x1FD80]  }
0x159: {  	v0 =	vadd.f32 v9, v0;
	v9 =	vld [tilespmem:$0x1FFB0]  }
0x15a: {  	v6 =	vadd.f32 v11, v6  }
0x15b: {  	v26 =	vld [tilespmem:$0x1FD70]  }
0x15c: {  	v14 =	vld [tilespmem:$0x1FE10];
	v6 =	vadd.f32 v10, v6  }
0x15d: {  	v11 =	vld [tilespmem:$0x1FE70]  }
0x15e: {  	v6 =	vadd.f32 v8, v6;
	v8 =	vld [tilespmem:$0x1FFC0];
	v9 =	vmul.f32 v9, v19  }
0x15f: {  	v10 =	vld [tilespmem:$0x1FE40]  }
0x160: {  	v0 =	vadd.f32 v9, v0;
	v9 =	vld [tilespmem:$0x1FFA0]  }
0x161: {  	v21 =	vld [tilespmem:$0x1FD90]  }
0x162: {  	v13 =	vld [tilespmem:$0x1FF70]  }
0x163: {  	v12 =	vld [tilespmem:$0x1FF50];
	v8 =	vmul.f32 v8, v24  }
0x164: {  	v5 =	vadd.f32 v11, v5;
	v11 =	vld [tilespmem:$0x1FF80]  }
0x165: {  	s6 =	sadd.s32 $0x400, s6;
	v7 =	vadd.f32 v10, v7;
	v10 =	vld [tilespmem:$0x1FF90];
	v4 =	vadd.f32 v8, v4;
	v9 =	vmul.f32 v9, v17  }
0x166: {  	s19 =	sadd.s32 $0x100, s18;
	s13 =	sand.u32 $0x3800, s6;
	v0 =	vadd.f32 v14, v0;
	v14 =	vld [tilespmem:$0x1FF30]  }
0x167: {  	s21 =	sadd.s32 $0x80, s18;
	s14 =	sadd.s32 s13, s25;
	s9 =	sand.u32 $0x300, s19;
	v4 =	vadd.f32 v9, v4;
	v9 =	vld [tilespmem:$0x1FF60]  }
0x168: {  	s19 =	sadd.s32 s9, s14;
	s9 =	sand.u32 $0x280, s21;
	v16 =	vld [tilespmem:$0x1FF00]  }
0x169: {  	s9 =	sadd.s32 s9, s14;
	v27 =	vld [tilespmem:s19+$0x420];
	v3 =	vadd.f32 v13, v3;
	v11 =	vmul.f32 v11, v26  }
0x16a: {  	v31 =	vld [tilespmem:s9+$0x460];
	v7 =	vadd.f32 v10, v7  }
0x16b: {  	v20 =	vld [tilespmem:$0x1FEF0];
	v5 =	vadd.f32 v11, v5;
	v11 =	vmul.f32 v62, v21;
	v3 =	vadd.f32 v14, v3  }
0x16c: {  	v23 =	vld [tilespmem:$0x1FE60];
	(xrf2) =	vadd.scan.msk.f32 $0xffff, v6;
	v7 =	vadd.f32 v12, v7;
	v9 =	vmul.f32 v9, v18  }
0x16d: {  	v5 =	vadd.f32 v11, v5;
	v3 =	vadd.f32 v16, v3;
	v16 =	vmul.f32 v52, v17;
	v17 =	vld [tilespmem:$0x1FF10]  }
0x16e: {  	v34 =	vld [tilespmem:s19+$0x0];
	(xrf2) =	vadd.scan.msk.f32 $0xffff, v7;
	v4 =	vadd.f32 v9, v4;
	v9 =	vmul.f32 v51, v19  }
0x16f: {  	v15 =	vld [tilespmem:s19+$0x450];
	v0 =	vadd.f32 v54, v0;
	v11 =	vmul.f32 v50, v26;
	(xrf2) =	vadd.scan.msk.f32 $0xffff, v5  }
0x170: {  	s12 =	sadd.s32 $0x180, s18;
	s2 =	sand.u32 $0x200, s18;
	v8 =	vld [tilespmem:s31+$0x460];
	v4 =	vadd.f32 v9, v4;
	v9 =	vmul.f32 v56, v25  }
0x171: {  	s12 =	sand.u32 $0x380, s12;
	s11 =	sadd.s32 s2, s14;
	v10 =	vld [tilespmem:s31+$0x470];
	v0 =	vadd.f32 v11, v0;
	v3 =	vadd.f32 v20, v3  }
0x172: {  	s31 =	sadd.s32 s12, s14;
	v62 =	vld [tilespmem:s11+$0x470];
	v2 =	vadd.f32 v17, v2;
	v17 =	vmul.f32 v59, v23;
	v4 =	vadd.f32 v9, v4  }
0x173: {  	v6 =	vld [tilespmem:s31+$0x450];
	v1 =	vadd.f32 v16, v1;
	v0 =	vadd.f32 v48, v0;
	v9 =	vmul.f32 v44, v18  }
0x174: {  	v13 =	vld [tilespmem:s31+$0x440];
	v20 =	vmul.f32 v40, v26;
	v2 =	vadd.f32 v60, v2;
	v4 =	vadd.f32 v17, v4  }
0x175: {  	v14 =	vld [tilespmem:s31+$0x430];
	v3 =	vadd.f32 v63, v3;
	v1 =	vadd.f32 v9, v1;
	v9 =	vmul.f32 v49, v19  }
0x176: {  	v54 =	vld [tilespmem:s31+$0x410];
	v18, _, _ =	vpop (xrf2);
	(xrf2) =	vadd.scan.msk.f32 $0xffff, v0;
	v0 =	vmul.f32 v46, v21;
	v2 =	vadd.f32 v57, v2;
	v4 =	vadd.f32 v20, v4  }
0x177: {  	v12 =	vld [tilespmem:s19+$0x470];
	v3 =	vadd.f32 v55, v3;
	v1 =	vadd.f32 v9, v1;
	v9 =	vmul.f32 v47, v25  }
0x178: {  	v50 =	vld [tilespmem:s19+$0x440];
	v16, _, _ =	vpop (xrf2);
	v2 =	vadd.f32 v53, v2;
	v20 =	vmul.f32 v8, v8;
	v0 =	vadd.f32 v0, v4  }
0x179: {  	v7 =	vld [tilespmem:s19+$0x460];
	v1 =	vadd.f32 v9, v1;
	v4 =	vmul.f32 v10, v21;
	v9 =	vmul.f32 v10, v10;
	v10, _, _ =	vpop (xrf2)  }
0x17a: {  	[tilespmem:$0x1FD00] =	vst v31;
	v5 =	vld [tilespmem:s9+$0x470];
	v56 =	vmov v6;
	(xrf2) =	vadd.scan.msk.f32 $0xffff, v3;
	(v2sf) =	vpush v10, $0xF  }
0x17b: {  	v2 =	vadd.f32 v20, v2;
	(xrf2) =	vadd.scan.msk.f32 $0xffff, v0;
	v0 =	vmul.f32 v6, v56;
	(v2sf) =	vpush v16, $0xF;
	v16 =	vld [tilespmem:s11+$0x460]  }
0x17c: {  	[tilespmem:$0x1FF60] =	vst v27;
	v57 =	vmov v12;
	v10 =	vmul.f32 v62, v62;
	v6 =	vld [tilespmem:s19+$0x410]  }
0x17d: {  	v19 =	vld [tilespmem:s31+$0x400];
	v3 =	vmul.f32 v45, v23;
	[tilespmem:$0x1FCA0] =	vst v0;
	v0 =	vadd.f32 v9, v2;
	v2 =	vmul.f32 v12, v57  }
0x17e: {  	v52 =	vld [tilespmem:$0x1FEB0];
	[tilespmem:$0x1FF50] =	vst v10  }
0x17f: {  	v11 =	vld [tilespmem:s31+$0x420];
	v63 =	vmov v13;
	v1 =	vadd.f32 v3, v1;
	[tilespmem:$0x1FCD0] =	vst v2  }
0x180: {  	v51 =	vld [tilespmem:s19+$0x430];
	v2 =	vmul.f32 v13, v63;
	[tilespmem:$0x1FF80] =	vst v16  }
0x181: {  	v55 =	vld [tilespmem:$0x1FED0];
	v3 =	vmul.f32 v8, v26;
	(xrf2) =	vadd.scan.msk.f32 $0xffff, v0;
	v0 =	vmul.f32 v5, v5;
	[tilespmem:$0x1FFA0] =	vst v6  }
0x182: {  	v40 =	vmov v7;
	v17 =	vld [tilespmem:s9+$0x450];
	v13 =	vmul.f32 v19, v19;
	[tilespmem:$0x1FCC0] =	vst v2  }
0x183: {  	v59 =	vmov v15;
	v20 =	vld [tilespmem:s9+$0x440];
	v3 =	vadd.f32 v3, v1;
	v1, _, _ =	vpop (xrf2);
	v2 =	vmul.f32 v7, v40;
	[tilespmem:$0x1FD80] =	vst v0  }
0x184: {  	v26 =	vld [tilespmem:s19+$0x30];
	(v2sf) =	vpush v1, $0xF;
	v0 =	vmul.f32 v15, v59;
	[tilespmem:$0x1FDB0] =	vst v13  }
0x185: {  	v60 =	vmov v14;
	v8 =	vld [tilespmem:s31+$0x70];
	(v2sf) =	vpush v18, $0xF;
	v18 =	vmul.f32 v51, v51;
	[tilespmem:$0x1FCB0] =	vst v2  }
0x186: {  	v7 =	vld [tilespmem:s9+$0x430];
	v2 =	vmul.f32 v14, v60;
	[tilespmem:$0x1FEF0] =	vst v0  }
0x187: {  	v13 =	vld [tilespmem:s31+$0x40];
	v0 =	vadd.f32 v4, v3;
	v3 =	vmul.f32 v31, v31;
	[tilespmem:$0x1FF30] =	vst v18  }
0x188: {  	v44 =	vmul.f32 v34, v34;
	v31 =	vld [tilespmem:s19+$0x20];
	[tilespmem:$0x1FCE0] =	vst v2;
	v2 =	vmul.f32 v50, v50  }
0x189: {  	v48 =	vmov v11;
	v49 =	vld [tilespmem:s19+$0x10];
	v41 =	vmul.f32 v26, v26;
	[tilespmem:$0x1FF20] =	vst v3;
	v3 =	vmul.f32 v20, v20  }
0x18a: {  	v53 =	vld [tilespmem:$0x1FEC0];
	v1, _, _ =	vpop (xrf2);
	v15 =	vmul.f32 v54, v54;
	v14 =	vmul.f32 v17, v17;
	(xrf2) =	vadd.scan.msk.f32 $0xffff, v0;
	[tilespmem:$0x1FF00] =	vst v2  }
0x18b: {  	v10 =	vld [tilespmem:s19+$0x70];
	v2 =	vmul.f32 v11, v48;
	[tilespmem:$0x1FDC0] =	vst v3;
	v0, _, _ =	vpop (xrf2);
	v3 =	vmul.f32 v8, v8  }
0x18c: {  	v9 =	vld [tilespmem:s11+$0x450];
	[tilespmem:$0x1FF40] =	vst v15;
	(v2sf) =	vpush v0, $0xF;
	v0 =	vmul.f32 v16, v16;
	v16 =	vmul.f32 v13, v13  }
0x18d: {  	v12 =	vld [tilespmem:s31+$0x50];
	[tilespmem:$0x1FFB0] =	vst v7;
	v43 =	vmul.f32 v31, v31;
	v45 =	vmul.f32 v31, v55  }
0x18e: {  	v4 =	vld [tilespmem:s31+$0x60];
	v31 =	vmul.f32 v34, v52;
	[tilespmem:$0x1FF10] =	vst v2;
	v2 =	vmul.f32 v5, v21  }
0x18f: {  	v11 =	vld [tilespmem:s19+$0x400];
	v34 =	vmul.f32 v49, v53;
	v5 =	vmul.f32 v27, v27;
	[tilespmem:$0x1FDD0] =	vst v3  }
0x190: {  	v3 =	vmul.f32 v19, v24;
	(v2sf) =	vpush v1, $0xF;
	v1 =	vmul.f32 v20, v25;
	v19 =	vld [tilespmem:s31+$0x30];
	[tilespmem:$0x1FCF0] =	vst v2  }
0x191: {  	v21 =	vld [tilespmem:s19+$0x50];
	v27 =	vmul.f32 v10, v10;
	[tilespmem:$0x1FF70] =	vst v5;
	v2 =	vmul.f32 v17, v23  }
0x192: {  	s3 =	spop (v2sf);
	v24 =	vld [tilespmem:s31+$0x10];
	[tilespmem:$0x1FDF0] =	vst v3;
	v3 =	vmul.f32 v6, v6;
	v6 =	vmul.f32 v7, v7  }
0x193: {  	v25 =	vld [tilespmem:s31+$0x0];
	s13 =	sand.u32 $0x7FFFFFFF, s3;
	s21 =	spop (v2sf);
	[tilespmem:$0x1FE10] =	vst v1;
	v1 =	vmul.f32 v4, v4;
	v7 =	vmul.f32 v8, v22;
	v5, _, _ =	vpop (xrf2)  }
0x194: {  	v38 =	vld [tilespmem:s9+$0x10];
	[tilespmem:$0x1FDA0] =	vst v14;
	v8 =	vmul.f32 v12, v12;
	v4 =	vmul.f32 v4, v30;
	s12 =	smul.f32 s13, s3;
	s13 =	smax.f32 s21, $1.000000000e-30;
	v14, _, _ =	vpop (xrf2)  }
0x195: {  	v18 =	vld [tilespmem:s19+$0x60];
	v15 =	vmul.f32 v11, v11;
	s21 =	smul.f32 s13, s0;
	[tilespmem:$0x1FE30] =	vst v7;
	v7 =	vmul.f32 v9, v9;
	(v2sf) =	vpush v14, $0xF  }
0x196: {  	v22 =	vld [tilespmem:s31+$0x20];
	[tilespmem:$0x1FE50] =	vst v4;
	v4 =	vmul.f32 v9, v23;
	s3 =	smul.f32 s12, s5;
	v9 =	vmul.f32 v12, v29;
	(v2sf) =	vpush v5, $0xF  }
0x197: {  	v32 =	vmul.f32 v19, v19;
	v12 =	vmul.f32 v21, v29  }
0x198: {  	v58 =	vld [tilespmem:s9+$0x420];
	v36 =	vmul.f32 v25, v25;
	v37 =	vmul.f32 v24, v24;
	s2 =	spop (v2sf);
	p2 =	sgt.f32 s3, s21  }
0x199: {  	v23 =	vld [tilespmem:s19+$0x40];
	v25 =	vmul.f32 v25, v52;
	v29 =	vmul.f32 v38, v38;
	s3 =	sand.u32 $0x7FFFFFFF, s2;
	s21 =	spop (v2sf)  }
0x19a: {  	v61 =	vld [tilespmem:s11+$0x440];
	[tilespmem:$0x1FE70] =	vst v4;
	v4 =	vmul.f32 v18, v30;
	v14 =	vmul.f32 v13, v28;
	s2 =	smul.f32 s3, s2;
	s3 =	smax.f32 s21, $1.000000000e-30;
	s0 =	smov.u32 @p2 s12  }
0x19b: {  	v46 =	vld [tilespmem:s9+$0x20];
	v13 =	vmul.f32 v21, v21;
	v33 =	vmul.f32 v22, v22;
	s5 =	smov.u32 @p2 s13;
	s21 =	smul.f32 s3, s0  }
0x19c: {  	s8 =	sadd.s32 $0x4, s8;
	v42 =	vmul.f32 v22, v55;
	v22 =	vld [tilespmem:s9+$0x0];
	v21 =	vmul.f32 v26, v39;
	s13 =	smul.f32 s2, s5  }
0x19d: {  	s14 =	sadd.s32 $0xFFFFFFFD, s8;
	v26 =	vld [tilespmem:s11+$0x10];
	v5 =	vmul.f32 v18, v18;
	v18 =	vmul.f32 v19, v39  }
0x19e: {  	[tilespmem:$0x1FF90] =	vst v0;
	v0 =	vld [tilespmem:s9+$0x410];
	v25 =	vadd.f32 $0.0e+00, v25;
	s7 =	smov.u32 @p2 s14;
	v19 =	vmul.f32 v23, v28;
	v28 =	vmul.f32 v49, v49;
	p2 =	sgt.f32 s13, s21;
	s14 =	spop (v2sf)  }
0x19f: {  	v36 =	vadd.f32 v37, v36;
	v20 =	vmul.f32 v23, v23;
	v23 =	vmul.f32 v24, v53;
	v24 =	vld [tilespmem:s11+$0x0];
	s13 =	sand.u32 $0x7FFFFFFF, s14;
	s21 =	spop (v2sf)  }
0x1a0: {  	v38 =	vmul.f32 v38, v53;
	v37 =	vadd.f32 $0.0e+00, v31;
	v31 =	vld [tilespmem:s9+$0x40];
	v28 =	vadd.f32 v28, v44;
	s0 =	smov.u32 @p2 s2;
	s12 =	smul.f32 s13, s14;
	s13 =	smax.f32 s21, $1.000000000e-30  }
0x1a1: {  	s19 =	sadd.s32 $0xFFFFFFFE, s8;
	v49 =	vld [tilespmem:s11+$0x20];
	v23 =	vadd.f32 v23, v25;
	v35 =	vmul.f32 v22, v22;
	v22 =	vmul.f32 v22, v52;
	s5 =	smov.u32 @p2 s3;
	s21 =	smul.f32 s13, s0  }
0x1a2: {  	v25 =	vadd.f32 v33, v36;
	v30 =	vmul.f32 v26, v26;
	v26 =	vmul.f32 v26, v53;
	v53 =	vld [tilespmem:$0x1FCA0];
	s7 =	smov.u32 @p2 s19;
	s19 =	smul.f32 s12, s5  }
0x1a3: {  	[tilespmem:$0x1FFC0] =	vst v11;
	v11 =	vmul.f32 v58, v58;
	v33 =	vadd.f32 v34, v37;
	v34 =	vadd.f32 v42, v23;
	v23 =	vld [tilespmem:s9+$0x50]  }
0x1a4: {  	v47 =	vmul.f32 v24, v24;
	v24 =	vmul.f32 v24, v52;
	v44 =	vadd.f32 $0.0e+00, v22;
	v22 =	vld [tilespmem:s11+$0x30];
	p2 =	sgt.f32 s19, s21;
	s14 =	spop (v2sf)  }
0x1a5: {  	[tilespmem:$0x1FE40] =	vst v7;
	v7 =	vmul.f32 v61, v61;
	v52 =	vld [tilespmem:s9+$0x30];
	v29 =	vadd.f32 v29, v35;
	v35 =	vmul.f32 v46, v46;
	s3 =	sand.u32 $0x7FFFFFFF, s14;
	s21 =	spop (v2sf)  }
0x1a6: {  	v28 =	vadd.f32 v43, v28;
	v43 =	vmul.f32 v46, v55;
	v46 =	vmovc v57;
	v57 =	vld [tilespmem:$0x1FCC0];
	v24 =	vadd.f32 $0.0e+00, v24;
	s0 =	smov.u32 @p2 s12;
	s2 =	smul.f32 s3, s14;
	s3 =	smax.f32 s21, $1.000000000e-30  }
0x1a7: {  	v29 =	vadd.f32 v35, v29;
	v35 =	vadd.f32 v32, v25;
	v32 =	vmul.f32 v49, v55;
	v55 =	vld [tilespmem:$0x1FCD0];
	s19 =	sadd.s32 $0xFFFFFFFF, s8;
	s5 =	smov.u32 @p2 s13;
	s21 =	smul.f32 s3, s0  }
0x1a8: {  	p1 =	sne.s32 s18, $0x1E00;
	v30 =	vadd.f32 v30, v47;
	v47 =	vmul.f32 v49, v49;
	v36 =	vadd.f32 v38, v44;
	v49 =	vmovc v60;
	v60 =	vld [tilespmem:$0x1FCE0];
	s7 =	smov.u32 @p2 s19;
	s19 =	smul.f32 s2, s5  }
.Ltmp6:
0x1a9: {  	v25 =	vadd.f32 v45, v33;
	v45 =	vmovc v56;
	v56 =	vmov v50;
	v50 =	vld [tilespmem:$0x1FD00];
	v44 =	vmul.f32 v22, v22;
	(pc) =	sbr.rel @p1 .LBB2_7-.Ltmp6, $4  }
0x1aa: {  	v17 =	vmul.f32 v0, v0;
	v42 =	vmul.f32 v31, v31;
	v33 =	vld [tilespmem:s11+$0x50];
	v38 =	vadd.f32 v26, v24  }
0x1ab: {  	v30 =	vadd.f32 v47, v30;
	v24 =	vld [tilespmem:s11+$0x40];
	v26 =	vadd.f32 v41, v28;
	v37 =	vmul.f32 v52, v52;
	p2 =	sgt.f32 s19, s21  }
0x1ac: {  	s18 =	sadd.s32 $0x200, s18;
	v36 =	vadd.f32 v43, v36;
	v47 =	vmovc v63;
	v63 =	vld [tilespmem:$0x1FCB0];
	v38 =	vadd.f32 v32, v38;
	v32 =	vmul.f32 v52, v39  }
0x1ad: {  	v52 =	vmovc v54;
	v54 =	vmovc v2;
	v37 =	vadd.f32 v37, v29;
	v41 =	vadd.f32 v44, v30;
	v44 =	vmov v48;
	v48 =	vld [tilespmem:$0x1FCF0];
	s0 =	smov.u32 @p2 s2;
	s5 =	smov.u32 @p2 s3;
	s7 =	smov.u32 @p2 s8  }
0x1ae: {  	v30 =	vld [tilespmem:$0x1FEE0]  }
0x1af: {  	v18 =	vadd.f32 v18, v34;
	v2 =	vadd.f32 v32, v36;
	v32 =	vld [tilespmem:$0x1FEA0]  }
0x1b0: {  	v16 =	vadd.f32 v16, v35;
	v20 =	vadd.f32 v20, v26;
	v26 =	vld [tilespmem:$0x1FE90]  }
0x1b1: {  	v21 =	vadd.f32 v21, v25;
	v35 =	vld [tilespmem:$0x1FE50];
	v28 =	vadd.f32 v42, v37;
	v43 =	vmul.f32 v24, v24  }
0x1b2: {  	v37 =	vld [tilespmem:s9+$0x60];
	v14 =	vadd.f32 v14, v18;
	v13 =	vadd.f32 v13, v20  }
0x1b3: {  	v25 =	vadd.f32 v43, v41;
	v43 =	vadd.f32 v19, v21;
	v41 =	vld [tilespmem:s11+$0x60];
	v22 =	vmul.f32 v22, v30  }
0x1b4: {  	v29 =	vmul.f32 v33, v33;
	v9 =	vadd.f32 v9, v14;
	v14 =	vld [tilespmem:s9+$0x70];
	v5 =	vadd.f32 v5, v13  }
0x1b5: {  	v19 =	vld [tilespmem:$0x1FDA0];
	v36 =	vmul.f32 v31, v32;
	v22 =	vadd.f32 v22, v38;
	v38 =	vmul.f32 v23, v23  }
0x1b6: {  	v42 =	vadd.f32 v29, v25;
	v25 =	vld [tilespmem:$0x1FE80];
	v5 =	vadd.f32 v27, v5  }
0x1b7: {  	v27 =	vld [tilespmem:$0x1FDB0];
	v18 =	vadd.f32 v36, v2;
	v21 =	vadd.f32 v38, v28;
	v28 =	vmul.f32 v23, v26  }
0x1b8: {  	v43 =	vadd.f32 v12, v43;
	v36 =	vld [tilespmem:$0x1FDD0]  }
0x1b9: {  	v12 =	vadd.f32 v28, v18;
	v18 =	vld [tilespmem:s9+$0x400]  }
0x1ba: {  	v29 =	vmul.f32 v37, v37;
	v4 =	vadd.f32 v4, v43;
	v43 =	vld [tilespmem:s11+$0x410]  }
0x1bb: {  	v8 =	vadd.f32 v8, v16;
	v39 =	vmul.f32 v24, v32;
	v5 =	vadd.f32 v15, v5;
	v15 =	vld [tilespmem:$0x1FE00]  }
0x1bc: {  	v23 =	vld [tilespmem:s11+$0x70];
	v38 =	vmul.f32 v14, v14;
	v16 =	vadd.f32 v29, v21  }
0x1bd: {  	v31 =	vmul.f32 v33, v26;
	v2 =	vadd.f32 v1, v8;
	v20 =	vadd.f32 v39, v22;
	v39 =	vld [tilespmem:s11+$0x400]  }
0x1be: {  	v1 =	vadd.f32 v35, v9;
	v22 =	vld [tilespmem:$0x1FE20];
	v9 =	vadd.f32 v38, v16;
	v24 =	vmul.f32 v18, v18  }
0x1bf: {  	v33 =	vmul.f32 v41, v41;
	v28 =	vld [tilespmem:s11+$0x420]  }
0x1c0: {  	v13 =	vadd.f32 v31, v20;
	v31 =	vld [tilespmem:$0x1FE30];
	v9 =	vadd.f32 v24, v9  }
0x1c1: {  	v34 =	vadd.f32 v33, v42;
	v37 =	vmul.f32 v37, v25;
	v16 =	vld [tilespmem:$0x1FD30]  }
0x1c2: {  	v2 =	vadd.f32 v36, v2;
	v42 =	vmul.f32 v23, v23;
	v9 =	vadd.f32 v17, v9;
	v17 =	vld [tilespmem:$0x1FDE0]  }
0x1c3: {  	v41 =	vmul.f32 v41, v25;
	v8 =	vadd.f32 v37, v12;
	v33 =	vmul.f32 v23, v22;
	v23 =	vld [tilespmem:$0x1FF20]  }
0x1c4: {  	v2 =	vadd.f32 v27, v2;
	v29 =	vmul.f32 v39, v39;
	v27 =	vld [tilespmem:$0x1FE40];
	v20 =	vadd.f32 v42, v34  }
0x1c5: {  	v13 =	vadd.f32 v41, v13;
	v36 =	vmul.f32 v43, v43;
	v14 =	vmul.f32 v14, v22;
	v34 =	vld [tilespmem:s11+$0x430]  }
0x1c6: {  	v10 =	vmul.f32 v10, v22;
	v1 =	vadd.f32 v31, v1;
	v42 =	vld [tilespmem:$0x1FDC0];
	v35 =	vadd.f32 v29, v20  }
0x1c7: {  	v13 =	vadd.f32 v33, v13;
	v8 =	vadd.f32 v14, v8;
	v14 =	vld [tilespmem:$0x1FD20];
	v37 =	vmul.f32 v39, v17  }
0x1c8: {  	v4 =	vadd.f32 v10, v4;
	v38 =	vmul.f32 v28, v28;
	v31 =	vld [tilespmem:$0x1FF90];
	v10 =	vadd.f32 v36, v35  }
0x1c9: {  	v9 =	vadd.f32 v11, v9;
	v11 =	vadd.f32 v37, v13;
	v13 =	vld [tilespmem:$0x1FD10]  }
0x1ca: {  	v33 =	vld [tilespmem:$0x1FFC0];
	v41 =	vmul.f32 v34, v34;
	v10 =	vadd.f32 v38, v10  }
0x1cb: {  	v29 =	vld [tilespmem:$0x1FD80]  }
0x1cc: {  	v35 =	vld [tilespmem:$0x1FFB0];
	v10 =	vadd.f32 v41, v10  }
0x1cd: {  	v36 =	vld [tilespmem:$0x1FF80];
	v12 =	vmul.f32 v18, v17  }
0x1ce: {  	v3 =	vadd.f32 v3, v5;
	v38 =	vld [tilespmem:$0x1FFA0];
	v7 =	vadd.f32 v7, v10;
	v39 =	vmul.f32 v43, v13  }
0x1cf: {  	v6 =	vadd.f32 v6, v9;
	v5 =	vadd.f32 v12, v8;
	v37 =	vld [tilespmem:$0x1FF50];
	v0 =	vmul.f32 v0, v13  }
0x1d0: {  	v41 =	vld [tilespmem:$0x1FF70];
	v7 =	vadd.f32 v27, v7;
	v43 =	vmul.f32 v28, v14;
	v9 =	vadd.f32 v39, v11  }
0x1d1: {  	v6 =	vadd.f32 v42, v6;
	v42 =	vld [tilespmem:$0x1FF60];
	v0 =	vadd.f32 v0, v5;
	v5 =	vmul.f32 v33, v17  }
0x1d2: {  	v20 =	vmul.f32 v34, v16;
	v34 =	vld [tilespmem:$0x1FE70];
	v7 =	vadd.f32 v31, v7;
	v9 =	vadd.f32 v43, v9  }
0x1d3: {  	v24 =	vmul.f32 v61, v15;
	v18 =	vld [tilespmem:$0x1FD70];
	v6 =	vadd.f32 v19, v6;
	v4 =	vadd.f32 v5, v4  }
0x1d4: {  	v19 =	vld [tilespmem:$0x1FDF0];
	v5 =	vadd.f32 v37, v7;
	v7 =	vmul.f32 v38, v13;
	v21 =	vadd.f32 v20, v9  }
0x1d5: {  	v61 =	vmul.f32 v51, v16;
	v3 =	vadd.f32 v41, v3;
	v28 =	vmul.f32 v58, v14;
	v11 =	vld [tilespmem:$0x1FD90]  }
0x1d6: {  	v43 =	vld [tilespmem:$0x1FE10];
	v4 =	vadd.f32 v7, v4;
	v7 =	vmul.f32 v42, v14;
	v8 =	vadd.f32 v24, v21  }
0x1d7: {  	v6 =	vadd.f32 v23, v6;
	v0 =	vadd.f32 v28, v0;
	v9 =	vmul.f32 v35, v16  }
0x1d8: {  	v27 =	vld [tilespmem:$0x1FF10];
	v10 =	vmul.f32 v36, v18;
	v4 =	vadd.f32 v7, v4;
	v8 =	vadd.f32 v34, v8  }
0x1d9: {  	v12 =	vmul.f32 v56, v15;
	v6 =	vadd.f32 v29, v6;
	v58 =	vld [tilespmem:$0x1FF30];
	v0 =	vadd.f32 v9, v0  }
0x1da: {  	v39 =	vmul.f32 v62, v11;
	v62 =	vld [tilespmem:$0x1FF40];
	v4 =	vadd.f32 v61, v4;
	v8 =	vadd.f32 v10, v8  }
0x1db: {  	v1 =	vadd.f32 v19, v1;
	v0 =	vadd.f32 v43, v0;
	v10 =	vld [tilespmem:$0x1FF00]  }
0x1dc: {  	(xrf2) =	vadd.scan.msk.f32 $0xffff, v6;
	v4 =	vadd.f32 v12, v4;
	v12 =	vld [tilespmem:$0x1FE60];
	v8 =	vadd.f32 v39, v8  }
0x1dd: {  	(xrf2) =	vadd.scan.msk.f32 $0xffff, v5;
	v20 =	vmul.f32 v52, v13;
	v9 =	vmul.f32 v50, v18;
	v21 =	vld [tilespmem:$0x1FEF0];
	v0 =	vadd.f32 v54, v0  }
0x1de: {  	v3 =	vadd.f32 v58, v3;
	(xrf2) =	vadd.scan.msk.f32 $0xffff, v8  }
0x1df: {  	v1 =	vadd.f32 v20, v1;
	v0 =	vadd.f32 v9, v0  }
0x1e0: {  	v2 =	vadd.f32 v62, v2;
	v3 =	vadd.f32 v10, v3  }
0x1e1: {  	v24 =	vmul.f32 v44, v14;
	v0 =	vadd.f32 v48, v0;
	v23 =	vmul.f32 v59, v12  }
0x1e2: {  	v31 =	vmul.f32 v49, v16;
	v2 =	vadd.f32 v27, v2;
	v3 =	vadd.f32 v21, v3  }
0x1e3: {  	v29 =	vld [tilespmem:s31+$0x460];
	v28 =	vmul.f32 v40, v18;
	v1 =	vadd.f32 v24, v1;
	(xrf2) =	vadd.scan.msk.f32 $0xffff, v0;
	v4 =	vadd.f32 v23, v4  }
0x1e4: {  	v35 =	vmul.f32 v47, v15;
	v2 =	vadd.f32 v60, v2;
	v3 =	vadd.f32 v63, v3  }
0x1e5: {  	v33 =	vld [tilespmem:s31+$0x470];
	v34 =	vmul.f32 v46, v11;
	v1 =	vadd.f32 v31, v1;
	v4 =	vadd.f32 v28, v4  }
0x1e6: {  	v36, _, _ =	vpop (xrf2);
	v2 =	vadd.f32 v57, v2;
	v3 =	vadd.f32 v55, v3  }
0x1e7: {  	v1 =	vadd.f32 v35, v1;
	v37, _, _ =	vpop (xrf2);
	v38 =	vmul.f32 v45, v12;
	v4 =	vadd.f32 v34, v4  }
0x1e8: {  	v39 =	vmul.f32 v29, v29;
	v2 =	vadd.f32 v53, v2;
	(xrf2) =	vadd.scan.msk.f32 $0xffff, v3;
	v40, _, _ =	vpop (xrf2)  }
0x1e9: {  	v0 =	vmul.f32 v29, v18;
	v1 =	vadd.f32 v38, v1;
	(xrf2) =	vadd.scan.msk.f32 $0xffff, v4;
	(v2sf) =	vpush v40, $0xF  }
0x1ea: {  	v41 =	vmul.f32 v33, v33;
	v2 =	vadd.f32 v39, v2;
	(v2sf) =	vpush v37, $0xF  }
0x1eb: {  	v42 =	vmul.f32 v33, v11;
	v0 =	vadd.f32 v0, v1  }
0x1ec: {  	v43 =	vadd.f32 v41, v2  }
0x1ed: {  	v0 =	vadd.f32 v42, v0;
	v44, _, _ =	vpop (xrf2)  }
0x1ee: {  	(xrf2) =	vadd.scan.msk.f32 $0xffff, v43;
	(v2sf) =	vpush v44, $0xF  }
0x1ef: {  	(xrf2) =	vadd.scan.msk.f32 $0xffff, v0;
	_ =	sdelay $0x1  }
0x1f0: {  	(v2sf) =	vpush v36, $0xF  }
0x1f1: {  	v45, _, _ =	vpop (xrf2)  }
0x1f2: {  	v46, _, _ =	vpop (xrf2)  }
0x1f3: {  	(v2sf) =	vpush v46, $0xF;
	_ =	sdelay $0x2  }
0x1f4: {  	(v2sf) =	vpush v45, $0xF  }
0x1f5: {  	v47, _, _ =	vpop (xrf2);
	s2 =	spop (v2sf)  }
0x1f6: {  	v48, _, _ =	vpop (xrf2);
	s3 =	sand.u32 $0x7FFFFFFF, s2;
	s6 =	spop (v2sf)  }
0x1f7: {  	(v2sf) =	vpush v48, $0xF;
	s2 =	smul.f32 s3, s2;
	s3 =	smax.f32 s6, $1.000000000e-30  }
0x1f8: {  	s6 =	smul.f32 s3, s0  }
0x1f9: {  	(v2sf) =	vpush v47, $0xF;
	s21 =	smul.f32 s2, s5  }
0x1fa: {  	s31 =	spop (v2sf)  }
0x1fb: {  	s12 =	sand.u32 $0x7FFFFFFF, s31;
	p1 =	sgt.f32 s21, s6  }
0x1fc: {  	s6 =	smul.f32 s12, s31  }
0x1fd: {  	s13 =	spop (v2sf);
	s5 =	smov.u32 @p1 s3  }
0x1fe: {  	s9 =	smax.f32 s13, $1.000000000e-30;
	s0 =	smov.u32 @p1 s2;
	s14 =	smul.f32 s6, s5  }
0x1ff: {  	s18 =	smul.f32 s9, s0  }
0x200: {  	s19 =	spop (v2sf)  }
0x201: {  	p2 =	sgt.f32 s14, s18;
	s21 =	sand.u32 $0x7FFFFFFF, s19  }
0x202: {  	s2 =	smul.f32 s21, s19  }
0x203: {  	s31 =	spop (v2sf);
	s5 =	smov.u32 @p2 s9  }
0x204: {  	s3 =	smax.f32 s31, $1.000000000e-30;
	s0 =	smov.u32 @p2 s6;
	s11 =	smul.f32 s2, s5  }
0x205: {  	s12 =	smul.f32 s3, s0  }
0x206: {  	s13 =	spop (v2sf)  }
0x207: {  	p3 =	sgt.f32 s11, s12;
	s14 =	sand.u32 $0x7FFFFFFF, s13  }
0x208: {  	s18 =	spop (v2sf);
	s6 =	smul.f32 s14, s13  }
0x209: {  	s9 =	smax.f32 s18, $1.000000000e-30;
	s5 =	smov.u32 @p3 s3  }
0x20a: {  	s3 =	sadd.s32 $0x4, s8;
	s0 =	smov.u32 @p3 s2;
	s19 =	smul.f32 s6, s5  }
0x20b: {  	s5 =	sadd.s32 $0xFFFFFFFD, s3;
	s0 =	smul.f32 s9, s0  }
0x20c: {  	s7 =	smov.u32 @p1 s5;
	s5 =	sadd.s32 $0xFFFFFFFE, s3  }
0x20d: {  	s7 =	smov.u32 @p2 s5;
	s5 =	sadd.s32 $0xFFFFFFFF, s3;
	p1 =	sgt.f32 s19, s0  }
0x20e: {  	s7 =	smov.u32 @p3 s5  }
0x20f: {  	s7 =	smov.u32 @p1 s3  }
0x210: {  	s21 =	sshll.u32 s7, $0x8  }
0x211: {  	v56 =	vld [tilespmem:$0x1FEC0];
	s31 =	sshll.u32 s7, $0x7;
	s0 =	sand.u32 $0xFFFFF800, s21  }
0x212: {  	v58 =	vld [tilespmem:$0x1FED0];
	s2 =	sand.u32 $0x380, s31;
	s0 =	sadd.s32 s0, s25  }
0x213: {  	v54 =	vld [tilespmem:$0x1FEB0];
	s0 =	sadd.s32 s2, s0  }
0x214: {  	v49 =	vld [tilespmem:s0+$0x0]  }
0x215: {  	v50 =	vld [tilespmem:s0+$0x10]  }
0x216: {  	v51 =	vld [tilespmem:s0+$0x20]  }
0x217: {  	v52 =	vld [tilespmem:s0+$0x30]  }
0x218: {  	v53 =	vld [tilespmem:s0+$0x40]  }
0x219: {  	v19 =	vmul.f32 $1.000000010e-01, v32;
	v55 =	vld [tilespmem:s0+$0x50]  }
0x21a: {  	v5 =	vmul.f32 $1.000000010e-01, v54;
	v57 =	vld [tilespmem:s0+$0x60];
	v0 =	vmul.f32 $8.999999760e-01, v49  }
0x21b: {  	v7 =	vmul.f32 $1.000000010e-01, v56;
	v59 =	vld [tilespmem:s0+$0x70];
	v1 =	vmul.f32 $8.999999760e-01, v50  }
0x21c: {  	v60 =	vmul.f32 $1.000000010e-01, v30;
	v61 =	vld [tilespmem:s0+$0x400];
	v3 =	vmul.f32 $8.999999760e-01, v52;
	v0 =	vadd.f32 v0, v5  }
0x21d: {  	v33 =	vmul.f32 $1.000000010e-01, v22;
	v20 =	vld [tilespmem:s0+$0x410];
	v63 =	vmul.f32 $8.999999760e-01, v53;
	v1 =	vadd.f32 v1, v7  }
0x21e: {  	v24 =	vmul.f32 $1.000000010e-01, v26;
	v26 =	vld [tilespmem:s0+$0x420];
	v23 =	vmul.f32 $8.999999760e-01, v55;
	v21 =	vadd.f32 v3, v60;
	[tilespmem:s0+$0x0] =	vst v0  }
0x21f: {  	v29 =	vmul.f32 $1.000000010e-01, v25;
	v30 =	vld [tilespmem:s0+$0x430];
	v28 =	vmul.f32 $8.999999760e-01, v57;
	v27 =	vadd.f32 v63, v19;
	[tilespmem:s0+$0x10] =	vst v1  }
0x220: {  	v41 =	vmul.f32 $1.000000010e-01, v13;
	v34 =	vld [tilespmem:s0+$0x440];
	v32 =	vmul.f32 $8.999999760e-01, v59;
	v31 =	vadd.f32 v23, v24;
	[tilespmem:s0+$0x30] =	vst v21  }
0x221: {  	v37 =	vmul.f32 $1.000000010e-01, v17;
	v38 =	vld [tilespmem:s0+$0x450];
	v36 =	vmul.f32 $8.999999760e-01, v61;
	v35 =	vadd.f32 v28, v29;
	[tilespmem:s0+$0x40] =	vst v27  }
0x222: {  	v45 =	vmul.f32 $1.000000010e-01, v14;
	v42 =	vld [tilespmem:s0+$0x460];
	v40 =	vmul.f32 $8.999999760e-01, v20;
	v39 =	vadd.f32 v32, v33;
	[tilespmem:s0+$0x50] =	vst v31  }
0x223: {  	v46 =	vld [tilespmem:s0+$0x470];
	v2 =	vmul.f32 $8.999999760e-01, v51;
	v44 =	vmul.f32 $8.999999760e-01, v26;
	v43 =	vadd.f32 v36, v37;
	[tilespmem:s0+$0x60] =	vst v35  }
0x224: {  	v48 =	vmul.f32 $8.999999760e-01, v30;
	v49 =	vmul.f32 $1.000000010e-01, v16;
	v47 =	vadd.f32 v40, v41;
	[tilespmem:s0+$0x70] =	vst v39  }
0x225: {  	v51 =	vmul.f32 $8.999999760e-01, v34;
	v52 =	vmul.f32 $1.000000010e-01, v15;
	v50 =	vadd.f32 v44, v45;
	[tilespmem:s0+$0x400] =	vst v43  }
0x226: {  	v54 =	vmul.f32 $8.999999760e-01, v38;
	v55 =	vmul.f32 $1.000000010e-01, v12;
	v53 =	vadd.f32 v48, v49;
	[tilespmem:s0+$0x410] =	vst v47  }
0x227: {  	v57 =	vmul.f32 $8.999999760e-01, v42;
	v5 =	vmul.f32 $1.000000010e-01, v58;
	v56 =	vadd.f32 v51, v52;
	[tilespmem:s0+$0x420] =	vst v50  }
0x228: {  	p1 =	sne.s32 s30, s26;
	v61 =	vmul.f32 $1.000000010e-01, v11;
	v59 =	vadd.f32 v54, v55;
	v60 =	vmul.f32 $8.999999760e-01, v46;
	[tilespmem:s0+$0x430] =	vst v53  }
.Ltmp7:
0x229: {  	v58 =	vmul.f32 $1.000000010e-01, v18;
	v62 =	vadd.f32 v2, v5;
	[tilespmem:s0+$0x440] =	vst v56;
	(pc) =	sbr.rel @p1 .LBB2_6-.Ltmp7, $4  }
0x22a: {  	[tilespmem:s0+$0x450] =	vst v59;
	v63 =	vadd.f32 v60, v61  }
0x22b: {  	[tilespmem:s0+$0x20] =	vst v62;
	v62 =	vadd.f32 v57, v58  }
0x22c: {  	[tilespmem:s0+$0x470] =	vst v63  }
0x22d: {  	[tilespmem:s0+$0x460] =	vst v62  }
.LBB2_9:
.Ltmp8:
0x22e: {  	(pc) =	sbr.rel .LBB2_10-.Ltmp8, $4  }
0x22f: {  	s0 =	sshll.u32 s24, $0xB  }
0x230: {  	s2 =	rddreg [dreg:$0x3];
	s0 =	sand.u32 $0x1FFFF800, s0  }
0x231: {  	s0 =	sadd.s32 s2, s0  }
0x232: {  	[hbm4b:s0+s4] =	stream.linear.scatter [tilespmem:s25], [sflag:$0x2], $0x4000, $0x38;
	[tilespmem:$0x9E00] =	vst v63  }
.LBB2_12:
0x233: {  	_ =	sfence.sel $0x180000  }
0x234: {  	[bflag:$0x0] =	sbarrier.arrive $0xFFFF  }
0x235: {  	_ =	strace $0x90000047  }
0x236: {  	s0 =	stileid.u32;
	[bflag:$0x2] =	sbarrier.arrive $0xFFFF  }
0x237: {  	p0 =	sne.s32 s0, $0x0;
	s0 =	rddreg [dreg:$0x4]  }
0x238: {  	s0 =	sadd.s32 @!p0 $0x100000, s0  }
0x239: {  	[sflag:s0] =	ssyncadd.tile.s32 @!p0 $0x1;
	_ =	shalt  }
.Lfunc_end2:
_tile_overlayer_lowered:
.L_overlay_start_2:
0x23a: {  	(tag) =	ssettag $0x2  }
0x23b: {  	s0 =	rddreg [dreg:$0x0];
	s2 =	stileid.u32  }
0x23c: {  	s1 =	rddreg [dreg:$0x1];
	p0 =	sne.s32 s2, $0x0  }
0x23d: {  	s3 =	rddreg [dreg:$0x2];
	[bflag:$0x3] =	sbarrier.arrive $0xFFFF;
	s2 =	simm.s32 @!p0 $0x1C04  }
0x23e: {  	[timem:s3], [sflag:s2] =	dma.local @!p0 [hbm:s0], s1  }
0x23f: {  	s0 =	simm.s32 @!p0 $0x4  }
0x240: {  	_ =	swait.ge @!p0 [sflag:s0], s1  }
0x241: {  	s1 =	ssub.s32 @!p0 $0x0, s1;
	[sflag:s0] =	ssyncset.done @!p0 $0x0  }
0x242: {  	[sflag:s0] =	ssyncadd.s32 @!p0 s1  }
0x243: {  	[bflag:$0x3] =	sbarrier.arrive $0xFFFF  }
0x244: {  	_ =	shalt  }

</sc_bundles>
